<compile_context>
chip_gen: v7x
topology: tpu7x:2x2x1
jax: 0.10.2.dev20260603
libtpu: 0.0.44.dev20260713+nightly
codegen_flags: <defaults>
</compile_context>

<pallas_src>
import jax
import jax.numpy as jnp
from jax import lax
from jax.experimental import pallas as pl
from jax.experimental.pallas import tpu as pltpu
from jax.experimental.pallas import tpu_sc as plsc

N = 10000
NP = 10016
E_RAW = 320000
E_TOT = E_RAW + N
RPT = 176
E_PAD = RPT * 16 * 128
CH = 8
CHS = 16
DR = 80
D = 128
D2 = 16
G = 64



def _tc1_body(x_ref, w_ref, a_ref, h_ref, aa_ref):
    h = jnp.dot(x_ref[...], w_ref[...], preferred_element_type=jnp.float32)
    h_ref[...] = h
    aa_ref[...] = jnp.dot(h, a_ref[...], preferred_element_type=jnp.float32)


def _tc1(x, W1, A1):
    return pl.pallas_call(
        _tc1_body,
        grid=(10,),
        in_specs=[
            pl.BlockSpec((1000, 128), lambda i: (i, 0)),
            pl.BlockSpec((128, 128), lambda i: (0, 0)),
            pl.BlockSpec((128, 128), lambda i: (0, 0)),
        ],
        out_specs=[
            pl.BlockSpec((1000, 128), lambda i: (i, 0)),
            pl.BlockSpec((1000, 128), lambda i: (i, 0)),
        ],
        out_shape=[
            jax.ShapeDtypeStruct((N, 128), jnp.float32),
            jax.ShapeDtypeStruct((N, 128), jnp.float32),
        ],
    )(x, W1, A1)


def _tc2_body(p0_ref, p1_ref, b_ref, w_ref, a_ref, h_ref, aa_ref):
    hr = jnp.maximum(p0_ref[...] + p1_ref[...] + b_ref[...], 0.0)
    h2 = jnp.dot(hr, w_ref[...], preferred_element_type=jnp.float32)
    h_ref[...] = h2
    aa_ref[...] = jnp.dot(h2, a_ref[...], preferred_element_type=jnp.float32)


def _tc2(p0, p1, b1, W2p, A2p):
    return pl.pallas_call(
        _tc2_body,
        grid=(10,),
        in_specs=[
            pl.BlockSpec((1000, 128), lambda i: (i, 0)),
            pl.BlockSpec((1000, 128), lambda i: (i, 0)),
            pl.BlockSpec((1, 128), lambda i: (0, 0)),
            pl.BlockSpec((128, 128), lambda i: (0, 0)),
            pl.BlockSpec((128, 128), lambda i: (0, 0)),
        ],
        out_specs=[
            pl.BlockSpec((1000, 128), lambda i: (i, 0)),
            pl.BlockSpec((1000, 128), lambda i: (i, 0)),
        ],
        out_shape=[
            jax.ShapeDtypeStruct((N, 128), jnp.float32),
            jax.ShapeDtypeStruct((N, 128), jnp.float32),
        ],
    )(p0, p1, b1, W2p, A2p)


def _tc3_body(p0_ref, p1_ref, bat_ref, b2_ref, out_ref):
    hsum = p0_ref[...] + p1_ref[...]
    bat = bat_ref[...]
    gid = lax.broadcasted_iota(jnp.int32, (N, G), 1)
    oh = (bat == gid).astype(jnp.float32)
    sums = lax.dot_general(oh, hsum, (((0,), (0,)), ((), ())),
                           preferred_element_type=jnp.float32)
    cnt = jnp.sum(oh, axis=0)
    mean = sums / jnp.maximum(cnt, 1.0)[:, None] + b2_ref[...]
    m = jnp.max(mean, axis=-1, keepdims=True)
    z = mean - m
    lse = jnp.log(jnp.sum(jnp.exp(z), axis=-1, keepdims=True))
    out_ref[...] = z - lse


def _tc3(p0, p1, bat2d, b2r):
    return pl.pallas_call(
        _tc3_body,
        out_shape=jax.ShapeDtypeStruct((G, D2), jnp.float32),
    )(p0, p1, bat2d, b2r)



def _edge_w(pk_l, src_c, dst_c, r, k):
    sv = src_c[r, pl.ds(k * 16, 16)]
    dv = dst_c[r, pl.ds(k * 16, 16)]
    ps = plsc.load_gather(pk_l, [sv])
    pd = plsc.load_gather(pk_l, [dv])
    a = plsc.bitcast(ps << 16, jnp.float32) + plsc.bitcast(pd & -65536, jnp.float32)
    a = jnp.maximum(a, 0.2 * a)
    return jnp.exp(a)


def _gat_body(hp, pk_h, src_h, dst_h, zn2, znd, out_h,
              out_sh, den_sh, pk_l, den_l, src_c, dst_c,
              cb0, idxbuf, rows0,
              sem_g, sem_s):
    cid = lax.axis_index("c")
    sid = lax.axis_index("s")

    @pl.when(sid == 0)
    def _():
        pltpu.sync_copy(znd, out_sh)

    @pl.when(sid == 1)
    def _():
        pltpu.sync_copy(zn2, den_sh)

    pltpu.sync_copy(pk_h, pk_l)
    pltpu.sync_copy(zn2, den_l)

    def idx_body(i, carry):
        idxbuf[pl.ds(i * 16, 16)] = lax.iota(jnp.int32, 16) + i * 16
        return carry
    lax.fori_loop(0, DR // 16, idx_body, 0)

    def sc_chunk(ch, carry):
        pltpu.sync_copy(src_h.at[sid, pl.ds(ch * CHS, CHS)], src_c)
        pltpu.sync_copy(dst_h.at[sid, pl.ds(ch * CHS, CHS)], dst_c)

        def sc_row(r, c2):
            dvs = [dst_c[r, pl.ds(k * 16, 16)] for k in range(8)]
            ws = [_edge_w(pk_l, src_c, dst_c, r, k) for k in range(8)]
            for k in range(8):
                plsc.addupdate_scatter(den_l, [dvs[k] >> 7, dvs[k] & 127], ws[k])
            return c2
        lax.fori_loop(0, CHS, sc_row, 0)
        return carry
    lax.fori_loop(0, RPT // CHS, sc_chunk, 0)

    plsc.subcore_barrier()
    pltpu.sync_copy(den_l, den_sh.at[idxbuf], add=True)
    plsc.subcore_barrier()
    pltpu.sync_copy(den_sh, den_l)

    half = RPT // 2
    base = cid * half

    def compute_c(r, cb):
        dvs = [dst_c[r, pl.ds(k * 16, 16)] for k in range(8)]
        ws = [_edge_w(pk_l, src_c, dst_c, r, k) for k in range(8)]
        ds_ = [plsc.load_gather(den_l, [dvs[k] >> 7, dvs[k] & 127])
               for k in range(8)]
        for k in range(8):
            cb[pl.ds(k * 16, 16)] = ws[k] / (ds_[k] + 1e-16)

    def scale(rws, cb):
        def scale4(i, c3):
            for u in range(4):
                q = i * 4 + u
                c = cb[pl.ds(q, 16)][0]
                for k in range(8):
                    rws[q, pl.ds(k * 16, 16)] = rws[q, pl.ds(k * 16, 16)] * c
            return c3
        lax.fori_loop(0, 32, scale4, 0)

    def row_chunk(ch, carry):
        pltpu.sync_copy(src_h.at[sid, pl.ds(base + ch * CH, CH)],
                        src_c.at[pl.ds(0, CH)])
        pltpu.sync_copy(dst_h.at[sid, pl.ds(base + ch * CH, CH)],
                        dst_c.at[pl.ds(0, CH)])

        def row_b(b, c2):
            gd = pltpu.async_copy(hp.at[src_c.at[b]], rows0, sem_g)
            compute_c(b, cb0)
            gd.wait()
            scale(rows0, cb0)
            pltpu.async_copy(rows0, out_sh.at[dst_c.at[b]], sem_s,
                             add=True).wait()
            return c2
        lax.fori_loop(0, CH, row_b, 0)
        return carry
    lax.fori_loop(0, half // CH, row_chunk, 0)

    plsc.subcore_barrier()

    @pl.when(sid == 0)
    def _():
        pltpu.sync_copy(out_sh, out_h.at[cid])


def _gat_sc(hp, pk, src3d, dst3d, zn2, znd):
    return pl.kernel(
        _gat_body,
        out_type=jax.ShapeDtypeStruct((2, NP, D), jnp.float32),
        mesh=plsc.VectorSubcoreMesh(core_axis_name="c", subcore_axis_name="s"),
        compiler_params=pltpu.CompilerParams(needs_layout_passes=False),
        scratch_types=[
            pltpu.VMEM_SHARED((NP, D), jnp.float32),
            pltpu.VMEM_SHARED((DR, 128), jnp.float32),
            pltpu.VMEM((NP,), jnp.int32),
            pltpu.VMEM((DR, 128), jnp.float32),
            pltpu.VMEM((CHS, 128), jnp.int32),
            pltpu.VMEM((CHS, 128), jnp.int32),
            pltpu.VMEM((144,), jnp.float32),
            pltpu.VMEM((DR,), jnp.int32),
            pltpu.VMEM((128, D), jnp.float32),
            pltpu.SemaphoreType.DMA,
            pltpu.SemaphoreType.DMA,
        ],
    )(hp, pk, src3d, dst3d, zn2, znd)



def _pack_logits(asv, adv):
    lo = jax.lax.bitcast_convert_type(asv.astype(jnp.bfloat16), jnp.uint16)
    hi = jax.lax.bitcast_convert_type(adv.astype(jnp.bfloat16), jnp.uint16)
    pk = (hi.astype(jnp.uint32) << 16) | lo.astype(jnp.uint32)
    pk = jax.lax.bitcast_convert_type(pk, jnp.int32)
    return jnp.pad(pk, (0, NP - N))


@jax.jit
def kernel(x, edge_index, batch, W1, a_src1, a_dst1, b1, W2, a_src2, a_dst2, b2):
    ei = edge_index.astype(jnp.int32)
    loop = jnp.arange(N, dtype=jnp.int32)
    pad = jnp.full((E_PAD - E_TOT,), N, dtype=jnp.int32)
    src3d = jnp.concatenate([ei[0], loop, pad]).reshape(16, RPT, 128)
    dst3d = jnp.concatenate([ei[1], loop, pad]).reshape(16, RPT, 128)

    A1 = jnp.zeros((128, 128), jnp.float32).at[:, 0].set(a_src1).at[:, 1].set(a_dst1)
    W2p = jnp.zeros((128, 128), jnp.float32).at[:, :D2].set(W2)
    A2p = jnp.zeros((128, 128), jnp.float32).at[:D2, 0].set(a_src2).at[:D2, 1].set(a_dst2)

    zn2 = jnp.zeros((DR, 128), jnp.float32)
    znd = jnp.zeros((NP, D), jnp.float32)

    h1, aa1 = _tc1(x, W1, A1)
    h1p = jnp.pad(h1, ((0, NP - N), (0, 0)))
    o1 = _gat_sc(h1p, _pack_logits(aa1[:, 0], aa1[:, 1]), src3d, dst3d, zn2, znd)

    h2f, aa2 = _tc2(o1[0, :N], o1[1, :N], b1.reshape(1, 128), W2p, A2p)
    h2p = jnp.pad(h2f, ((0, NP - N), (0, 0)))
    o2 = _gat_sc(h2p, _pack_logits(aa2[:, 0], aa2[:, 1]), src3d, dst3d, zn2, znd)

    return _tc3(o2[0, :N, :D2], o2[1, :N, :D2],
                batch.astype(jnp.int32).reshape(N, 1), b2.reshape(1, D2))

# --- scband reference (transcript-rebuilt; emitter-appended) ---
"""Pipeline reference for scband-gat-31353261261182 (READ-ONLY COPY).

The authoritative reference and input builder live on the scoring server;
editing this copy changes nothing except your own understanding.
"""

import jax, jax.numpy as jnp
import numpy as np

N_NODES = 10000
N_EDGES = 320000
D_IN = 128
D_HID = 128
D_OUT = 16
N_GRAPHS = 64


def setup_inputs(seed: int = 0) -> dict:
    key = jax.random.key(seed)
    ks = jax.random.split(key, 12)
    x = jax.random.normal(ks[0], (N_NODES, D_IN), dtype=jnp.float32)
    edge_index = jax.random.randint(ks[1], (2, N_EDGES), 0, N_NODES, dtype=jnp.int64)
    batch = jnp.sort(jax.random.randint(ks[2], (N_NODES,), 0, N_GRAPHS, dtype=jnp.int64))
    s1 = 1.0 / np.sqrt(D_IN)
    s2 = 1.0 / np.sqrt(D_HID)
    W1 = jax.random.uniform(ks[3], (D_IN, D_HID), jnp.float32, -s1, s1)
    a_src1 = jax.random.uniform(ks[4], (D_HID,), jnp.float32, -s2, s2)
    a_dst1 = jax.random.uniform(ks[5], (D_HID,), jnp.float32, -s2, s2)
    b1 = jnp.zeros((D_HID,), jnp.float32)
    W2 = jax.random.uniform(ks[6], (D_HID, D_OUT), jnp.float32, -s2, s2)
    so = 1.0 / np.sqrt(D_OUT)
    a_src2 = jax.random.uniform(ks[7], (D_OUT,), jnp.float32, -so, so)
    a_dst2 = jax.random.uniform(ks[8], (D_OUT,), jnp.float32, -so, so)
    b2 = jnp.zeros((D_OUT,), jnp.float32)
    return {"x": x, "edge_index": edge_index, "batch": batch,
            "W1": W1, "a_src1": a_src1, "a_dst1": a_dst1, "b1": b1,
            "W2": W2, "a_src2": a_src2, "a_dst2": a_dst2, "b2": b2}


def _gat_conv(x, edge_index, W, a_src, a_dst, b):
    # PyG GATConv, heads=1, concat=True, negative_slope=0.2, add_self_loops=True
    n = x.shape[0]
    h = x @ W
    loop = jnp.arange(n, dtype=edge_index.dtype)
    src = jnp.concatenate([edge_index[0], loop])
    dst = jnp.concatenate([edge_index[1], loop])
    alpha_src = h @ a_src  # [N]
    alpha_dst = h @ a_dst  # [N]
    alpha = jax.nn.leaky_relu(alpha_src[src] + alpha_dst[dst], negative_slope=0.2)
    amax = jax.ops.segment_max(alpha, dst, num_segments=n)
    alpha = jnp.exp(alpha - amax[dst])
    denom = jax.ops.segment_sum(alpha, dst, num_segments=n)
    alpha = alpha / (denom[dst] + 1e-16)
    out = jax.ops.segment_sum(alpha[:, None] * h[src], dst, num_segments=n)
    return out + b


def reference(x, edge_index, batch, W1, a_src1, a_dst1, b1, W2, a_src2, a_dst2, b2):
    h = _gat_conv(x, edge_index, W1, a_src1, a_dst1, b1)
    h = jax.nn.relu(h)
    h = _gat_conv(h, edge_index, W2, a_src2, a_dst2, b2)
    # global_mean_pool over batch ids
    sums = jax.ops.segment_sum(h, batch, num_segments=N_GRAPHS)
    counts = jax.ops.segment_sum(jnp.ones((h.shape[0],), h.dtype), batch, num_segments=N_GRAPHS)
    pooled = sums / jnp.maximum(counts, 1.0)[:, None]
    return jax.nn.log_softmax(pooled, axis=-1)

if __name__ == "__main__":
    import jax
    _d = setup_inputs()
    print(jax.jit(kernel)(*tuple(_d.values())))

</pallas_src>

<mosaic_0001>
#map = affine_map<(d0, d1) -> (0, 0)>
#map1 = affine_map<(d0, d1) -> (0)>
#map2 = affine_map<(d0, d1) -> (0, 0, 0)>
module attributes {stable_mosaic.version = 14 : i64} {
  func.func @_gat_body(%arg0: i32, %arg1: i32, %arg2: memref<10016x128xf32, #tpu.memory_space<hbm>>, %arg3: memref<10016xi32, #tpu.memory_space<hbm>>, %arg4: memref<16x176x128xi32, #tpu.memory_space<hbm>>, %arg5: memref<16x176x128xi32, #tpu.memory_space<hbm>>, %arg6: memref<80x128xf32, #tpu.memory_space<hbm>>, %arg7: memref<10016x128xf32, #tpu.memory_space<hbm>>, %arg8: memref<2x10016x128xf32, #tpu.memory_space<hbm>>, %arg9: memref<10016x128xf32, #tpu.memory_space<vmem_shared>>, %arg10: memref<80x128xf32, #tpu.memory_space<vmem_shared>>, %arg11: memref<10016xi32, #tpu.memory_space<vmem>>, %arg12: memref<80x128xf32, #tpu.memory_space<vmem>>, %arg13: memref<16x128xi32, #tpu.memory_space<vmem>>, %arg14: memref<16x128xi32, #tpu.memory_space<vmem>>, %arg15: memref<144xf32, #tpu.memory_space<vmem>>, %arg16: memref<80xi32, #tpu.memory_space<vmem>>, %arg17: memref<128x128xf32, #tpu.memory_space<vmem>>, %arg18: memref<!tpu.dma_semaphore, #tpu.memory_space<semaphore_mem>>, %arg19: memref<!tpu.dma_semaphore, #tpu.memory_space<semaphore_mem>>) attributes {dimension_semantics = [#tpu.dimension_semantics<core_parallel>, #tpu.dimension_semantics<subcore_parallel>], iteration_bounds = array<i64: 2, 16>, scalar_prefetch = 0 : i64, scratch_operands = 11 : i64, tpu.core_type = #tpu.core_type<sc_vector_subcore>, window_params = [{transform_indices = #map}, {transform_indices = #map1}, {transform_indices = #map2}, {transform_indices = #map2}, {transform_indices = #map}, {transform_indices = #map}, {transform_indices = #map2}]} {
    %eq3A = arith.constant 0 : i32
    %eq3A_0 = arith.cmpi eq, %arg1, %eq3A : i32
    %convert_element_type3A = arith.extui %eq3A_0 : i1 to i32
    %cond3A = arith.constant 0 : i32
    %cond3A_1 = arith.cmpi ne, %convert_element_type3A, %cond3A : i32
    scf.if %cond3A_1 {
      "tpu.region"() ({
        %run_scoped3A = tpu.sem_alloc : memref<!tpu.dma_semaphore, #tpu.memory_space<semaphore_mem>>
        tpu.enqueue_dma source(%arg7 : memref<10016x128xf32, #tpu.memory_space<hbm>>) target(%arg9 : memref<10016x128xf32, #tpu.memory_space<vmem_shared>>) target_semaphore(%run_scoped3A : memref<!tpu.dma_semaphore, #tpu.memory_space<semaphore_mem>>)
        tpu.wait_dma2 semaphore(%run_scoped3A : memref<!tpu.dma_semaphore, #tpu.memory_space<semaphore_mem>>) src(%arg7 : memref<10016x128xf32, #tpu.memory_space<hbm>>) dst(%arg9 : memref<10016x128xf32, #tpu.memory_space<vmem_shared>>)
        tpu.yield
      }) : () -> ()
    } else {
    }
    %eq3A_2 = arith.constant 1 : i32
    %eq3A_3 = arith.cmpi eq, %arg1, %eq3A_2 : i32
    %convert_element_type3A_4 = arith.extui %eq3A_3 : i1 to i32
    %cond3A_5 = arith.constant 0 : i32
    %cond3A_6 = arith.cmpi ne, %convert_element_type3A_4, %cond3A_5 : i32
    scf.if %cond3A_6 {
      "tpu.region"() ({
        %run_scoped3A = tpu.sem_alloc : memref<!tpu.dma_semaphore, #tpu.memory_space<semaphore_mem>>
        tpu.enqueue_dma source(%arg6 : memref<80x128xf32, #tpu.memory_space<hbm>>) target(%arg10 : memref<80x128xf32, #tpu.memory_space<vmem_shared>>) target_semaphore(%run_scoped3A : memref<!tpu.dma_semaphore, #tpu.memory_space<semaphore_mem>>)
        tpu.wait_dma2 semaphore(%run_scoped3A : memref<!tpu.dma_semaphore, #tpu.memory_space<semaphore_mem>>) src(%arg6 : memref<80x128xf32, #tpu.memory_space<hbm>>) dst(%arg10 : memref<80x128xf32, #tpu.memory_space<vmem_shared>>)
        tpu.yield
      }) : () -> ()
    } else {
    }
    "tpu.region"() ({
      %run_scoped3A = tpu.sem_alloc : memref<!tpu.dma_semaphore, #tpu.memory_space<semaphore_mem>>
      tpu.enqueue_dma source(%arg3 : memref<10016xi32, #tpu.memory_space<hbm>>) target(%arg11 : memref<10016xi32, #tpu.memory_space<vmem>>) target_semaphore(%run_scoped3A : memref<!tpu.dma_semaphore, #tpu.memory_space<semaphore_mem>>)
      tpu.wait_dma2 semaphore(%run_scoped3A : memref<!tpu.dma_semaphore, #tpu.memory_space<semaphore_mem>>) src(%arg3 : memref<10016xi32, #tpu.memory_space<hbm>>) dst(%arg11 : memref<10016xi32, #tpu.memory_space<vmem>>)
      tpu.yield
    }) : () -> ()
    "tpu.region"() ({
      %run_scoped3A = tpu.sem_alloc : memref<!tpu.dma_semaphore, #tpu.memory_space<semaphore_mem>>
      tpu.enqueue_dma source(%arg6 : memref<80x128xf32, #tpu.memory_space<hbm>>) target(%arg12 : memref<80x128xf32, #tpu.memory_space<vmem>>) target_semaphore(%run_scoped3A : memref<!tpu.dma_semaphore, #tpu.memory_space<semaphore_mem>>)
      tpu.wait_dma2 semaphore(%run_scoped3A : memref<!tpu.dma_semaphore, #tpu.memory_space<semaphore_mem>>) src(%arg6 : memref<80x128xf32, #tpu.memory_space<hbm>>) dst(%arg12 : memref<80x128xf32, #tpu.memory_space<vmem>>)
      tpu.yield
    }) : () -> ()
    %scan3A = arith.constant 0 : i32
    %scan3A_7 = arith.constant 0 : i32
    %scan3A_8 = arith.constant 5 : i32
    %scan3A_9 = arith.addi %scan3A_7, %scan3A_8 : i32
    %scan3A_10 = arith.constant 1 : i32
    scf.for %scan3A_32 = %scan3A_7 to %scan3A_9 step %scan3A_10  : i32 {
      %iota3A = tpu.iota {dimensions = array<i32: 0>} : vector<16xi32>
      %mul3A_33 = arith.constant 16 : i32
      %mul3A_34 = arith.muli %scan3A_32, %mul3A_33 : i32
      %add3A = vector.broadcast %mul3A_34 : i32 to vector<16xi32>
      %add3A_35 = arith.addi %iota3A, %add3A : vector<16xi32>
      %mul3A_36 = arith.constant 16 : i32
      %mul3A_37 = arith.muli %scan3A_32, %mul3A_36 : i32
      %swap3A = arith.index_cast %mul3A_37 : i32 to index
      %swap3A_38 = tpu.vector_load %arg16[%swap3A] {strides = array<i32>} : memref<80xi32, #tpu.memory_space<vmem>>, vector<16xi32>,
      tpu.vector_store %arg16[%swap3A], %add3A_35 {strides = array<i32>} : memref<80xi32, #tpu.memory_space<vmem>>, vector<16xi32>,
    }
    %scan3A_11 = arith.constant 5 : i32
    %scan3A_12 = arith.constant 0 : i32
    %scan3A_13 = arith.constant 0 : i32
    %scan3A_14 = arith.constant 11 : i32
    %scan3A_15 = arith.addi %scan3A_13, %scan3A_14 : i32
    %scan3A_16 = arith.constant 1 : i32
    scf.for %scan3A_32 = %scan3A_13 to %scan3A_15 step %scan3A_16  : i32 {
      %mul3A_33 = arith.constant 16 : i32
      %mul3A_34 = arith.muli %scan3A_32, %mul3A_33 : i32
      "tpu.region"() ({
        %run_scoped3A = tpu.sem_alloc : memref<!tpu.dma_semaphore, #tpu.memory_space<semaphore_mem>>
        %dma_start3A = arith.constant 0 : i32
        %dma_start3A_43 = tpu.memref_slice %arg4[%arg1, %mul3A_34, %dma_start3A] : memref<16x176x128xi32, #tpu.memory_space<hbm>> -> memref<1x16x128xi32, #tpu.memory_space<hbm>>
        %dma_start3A_44 = tpu.memref_squeeze %dma_start3A_43 : memref<1x16x128xi32, #tpu.memory_space<hbm>> -> memref<16x128xi32, #tpu.memory_space<hbm>>
        %dma_start3A_45 = arith.constant 0 : i32
        %dma_start3A_46 = tpu.memref_slice %arg4[%arg1, %mul3A_34, %dma_start3A_45] : memref<16x176x128xi32, #tpu.memory_space<hbm>> -> memref<1x16x128xi32, #tpu.memory_space<hbm>>
        %dma_start3A_47 = tpu.memref_squeeze %dma_start3A_46 : memref<1x16x128xi32, #tpu.memory_space<hbm>> -> memref<16x128xi32, #tpu.memory_space<hbm>>
        tpu.enqueue_dma source(%dma_start3A_47 : memref<16x128xi32, #tpu.memory_space<hbm>>) target(%arg13 : memref<16x128xi32, #tpu.memory_space<vmem>>) target_semaphore(%run_scoped3A : memref<!tpu.dma_semaphore, #tpu.memory_space<semaphore_mem>>)
        %dma_wait3A = arith.constant 0 : i32
        %dma_wait3A_48 = tpu.memref_slice %arg4[%arg1, %mul3A_34, %dma_wait3A] : memref<16x176x128xi32, #tpu.memory_space<hbm>> -> memref<1x16x128xi32, #tpu.memory_space<hbm>>
        %dma_wait3A_49 = tpu.memref_squeeze %dma_wait3A_48 : memref<1x16x128xi32, #tpu.memory_space<hbm>> -> memref<16x128xi32, #tpu.memory_space<hbm>>
        %dma_wait3A_50 = arith.constant 0 : i32
        %dma_wait3A_51 = tpu.memref_slice %arg4[%arg1, %mul3A_34, %dma_wait3A_50] : memref<16x176x128xi32, #tpu.memory_space<hbm>> -> memref<1x16x128xi32, #tpu.memory_space<hbm>>
        %dma_wait3A_52 = tpu.memref_squeeze %dma_wait3A_51 : memref<1x16x128xi32, #tpu.memory_space<hbm>> -> memref<16x128xi32, #tpu.memory_space<hbm>>
        tpu.wait_dma2 semaphore(%run_scoped3A : memref<!tpu.dma_semaphore, #tpu.memory_space<semaphore_mem>>) src(%dma_wait3A_52 : memref<16x128xi32, #tpu.memory_space<hbm>>) dst(%arg13 : memref<16x128xi32, #tpu.memory_space<vmem>>)
        tpu.yield
      }) : () -> ()
      %mul3A_35 = arith.constant 16 : i32
      %mul3A_36 = arith.muli %scan3A_32, %mul3A_35 : i32
      "tpu.region"() ({
        %run_scoped3A = tpu.sem_alloc : memref<!tpu.dma_semaphore, #tpu.memory_space<semaphore_mem>>
        %dma_start3A = arith.constant 0 : i32
        %dma_start3A_43 = tpu.memref_slice %arg5[%arg1, %mul3A_36, %dma_start3A] : memref<16x176x128xi32, #tpu.memory_space<hbm>> -> memref<1x16x128xi32, #tpu.memory_space<hbm>>
        %dma_start3A_44 = tpu.memref_squeeze %dma_start3A_43 : memref<1x16x128xi32, #tpu.memory_space<hbm>> -> memref<16x128xi32, #tpu.memory_space<hbm>>
        %dma_start3A_45 = arith.constant 0 : i32
        %dma_start3A_46 = tpu.memref_slice %arg5[%arg1, %mul3A_36, %dma_start3A_45] : memref<16x176x128xi32, #tpu.memory_space<hbm>> -> memref<1x16x128xi32, #tpu.memory_space<hbm>>
        %dma_start3A_47 = tpu.memref_squeeze %dma_start3A_46 : memref<1x16x128xi32, #tpu.memory_space<hbm>> -> memref<16x128xi32, #tpu.memory_space<hbm>>
        tpu.enqueue_dma source(%dma_start3A_47 : memref<16x128xi32, #tpu.memory_space<hbm>>) target(%arg14 : memref<16x128xi32, #tpu.memory_space<vmem>>) target_semaphore(%run_scoped3A : memref<!tpu.dma_semaphore, #tpu.memory_space<semaphore_mem>>)
        %dma_wait3A = arith.constant 0 : i32
        %dma_wait3A_48 = tpu.memref_slice %arg5[%arg1, %mul3A_36, %dma_wait3A] : memref<16x176x128xi32, #tpu.memory_space<hbm>> -> memref<1x16x128xi32, #tpu.memory_space<hbm>>
        %dma_wait3A_49 = tpu.memref_squeeze %dma_wait3A_48 : memref<1x16x128xi32, #tpu.memory_space<hbm>> -> memref<16x128xi32, #tpu.memory_space<hbm>>
        %dma_wait3A_50 = arith.constant 0 : i32
        %dma_wait3A_51 = tpu.memref_slice %arg5[%arg1, %mul3A_36, %dma_wait3A_50] : memref<16x176x128xi32, #tpu.memory_space<hbm>> -> memref<1x16x128xi32, #tpu.memory_space<hbm>>
        %dma_wait3A_52 = tpu.memref_squeeze %dma_wait3A_51 : memref<1x16x128xi32, #tpu.memory_space<hbm>> -> memref<16x128xi32, #tpu.memory_space<hbm>>
        tpu.wait_dma2 semaphore(%run_scoped3A : memref<!tpu.dma_semaphore, #tpu.memory_space<semaphore_mem>>) src(%dma_wait3A_52 : memref<16x128xi32, #tpu.memory_space<hbm>>) dst(%arg14 : memref<16x128xi32, #tpu.memory_space<vmem>>)
        tpu.yield
      }) : () -> ()
      %scan3A_37 = arith.constant 0 : i32
      %scan3A_38 = arith.constant 0 : i32
      %scan3A_39 = arith.constant 16 : i32
      %scan3A_40 = arith.addi %scan3A_38, %scan3A_39 : i32
      %scan3A_41 = arith.constant 1 : i32
      scf.for %scan3A_43 = %scan3A_38 to %scan3A_40 step %scan3A_41  : i32 {
        %get3A = arith.index_cast %scan3A_43 : i32 to index
        %get3A_44 = arith.constant 0 : index
        %get3A_45 = tpu.vector_load %arg14[%get3A, %get3A_44] {strides = array<i32>} : memref<16x128xi32, #tpu.memory_space<vmem>>, vector<16xi32>,
        %get3A_46 = arith.index_cast %scan3A_43 : i32 to index
        %get3A_47 = arith.constant 16 : index
        %get3A_48 = tpu.vector_load %arg14[%get3A_46, %get3A_47] {strides = array<i32>} : memref<16x128xi32, #tpu.memory_space<vmem>>, vector<16xi32>,
        %get3A_49 = arith.index_cast %scan3A_43 : i32 to index
        %get3A_50 = arith.constant 32 : index
        %get3A_51 = tpu.vector_load %arg14[%get3A_49, %get3A_50] {strides = array<i32>} : memref<16x128xi32, #tpu.memory_space<vmem>>, vector<16xi32>,
        %get3A_52 = arith.index_cast %scan3A_43 : i32 to index
        %get3A_53 = arith.constant 48 : index
        %get3A_54 = tpu.vector_load %arg14[%get3A_52, %get3A_53] {strides = array<i32>} : memref<16x128xi32, #tpu.memory_space<vmem>>, vector<16xi32>,
        %get3A_55 = arith.index_cast %scan3A_43 : i32 to index
        %get3A_56 = arith.constant 64 : index
        %get3A_57 = tpu.vector_load %arg14[%get3A_55, %get3A_56] {strides = array<i32>} : memref<16x128xi32, #tpu.memory_space<vmem>>, vector<16xi32>,
        %get3A_58 = arith.index_cast %scan3A_43 : i32 to index
        %get3A_59 = arith.constant 80 : index
        %get3A_60 = tpu.vector_load %arg14[%get3A_58, %get3A_59] {strides = array<i32>} : memref<16x128xi32, #tpu.memory_space<vmem>>, vector<16xi32>,
        %get3A_61 = arith.index_cast %scan3A_43 : i32 to index
        %get3A_62 = arith.constant 96 : index
        %get3A_63 = tpu.vector_load %arg14[%get3A_61, %get3A_62] {strides = array<i32>} : memref<16x128xi32, #tpu.memory_space<vmem>>, vector<16xi32>,
        %get3A_64 = arith.index_cast %scan3A_43 : i32 to index
        %get3A_65 = arith.constant 112 : index
        %get3A_66 = tpu.vector_load %arg14[%get3A_64, %get3A_65] {strides = array<i32>} : memref<16x128xi32, #tpu.memory_space<vmem>>, vector<16xi32>,
        %get3A_67 = arith.index_cast %scan3A_43 : i32 to index
        %get3A_68 = arith.constant 0 : index
        %get3A_69 = tpu.vector_load %arg13[%get3A_67, %get3A_68] {strides = array<i32>} : memref<16x128xi32, #tpu.memory_space<vmem>>, vector<16xi32>,
        %get3A_70 = arith.index_cast %scan3A_43 : i32 to index
        %get3A_71 = arith.constant 0 : index
        %get3A_72 = tpu.vector_load %arg14[%get3A_70, %get3A_71] {strides = array<i32>} : memref<16x128xi32, #tpu.memory_space<vmem>>, vector<16xi32>,
        %gather3A = tpu.vector_load_idx %arg11[%get3A_69] : memref<10016xi32, #tpu.memory_space<vmem>>[vector<16xi32>], vector<16xi32>,
        %gather3A_73 = tpu.vector_load_idx %arg11[%get3A_72] : memref<10016xi32, #tpu.memory_space<vmem>>[vector<16xi32>], vector<16xi32>,
        %shift_left3A = arith.constant 16 : i32
        %shift_left3A_74 = vector.broadcast %shift_left3A : i32 to vector<16xi32>
        %shift_left3A_75 = arith.shli %gather3A, %shift_left3A_74 : vector<16xi32>
        %bitcast3A = vector.bitcast %shift_left3A_75 : vector<16xi32> to vector<16xf32>
        %and3A = arith.constant -65536 : i32
        %and3A_76 = vector.broadcast %and3A : i32 to vector<16xi32>
        %and3A_77 = arith.andi %gather3A_73, %and3A_76 : vector<16xi32>
        %bitcast3A_78 = vector.bitcast %and3A_77 : vector<16xi32> to vector<16xf32>
        %add3A = arith.addf %bitcast3A, %bitcast3A_78 : vector<16xf32>
        %mul3A_79 = arith.constant 2.000000e-01 : f32
        %mul3A_80 = vector.broadcast %mul3A_79 : f32 to vector<16xf32>
        %mul3A_81 = arith.mulf %mul3A_80, %add3A : vector<16xf32>
        %max3A = arith.maximumf %add3A, %mul3A_81 : vector<16xf32>
        %exp3A = math.exp %max3A : vector<16xf32>
        %get3A_82 = arith.index_cast %scan3A_43 : i32 to index
        %get3A_83 = arith.constant 16 : index
        %get3A_84 = tpu.vector_load %arg13[%get3A_82, %get3A_83] {strides = array<i32>} : memref<16x128xi32, #tpu.memory_space<vmem>>, vector<16xi32>,
        %get3A_85 = arith.index_cast %scan3A_43 : i32 to index
        %get3A_86 = arith.constant 16 : index
        %get3A_87 = tpu.vector_load %arg14[%get3A_85, %get3A_86] {strides = array<i32>} : memref<16x128xi32, #tpu.memory_space<vmem>>, vector<16xi32>,
        %gather3A_88 = tpu.vector_load_idx %arg11[%get3A_84] : memref<10016xi32, #tpu.memory_space<vmem>>[vector<16xi32>], vector<16xi32>,
        %gather3A_89 = tpu.vector_load_idx %arg11[%get3A_87] : memref<10016xi32, #tpu.memory_space<vmem>>[vector<16xi32>], vector<16xi32>,
        %shift_left3A_90 = arith.constant 16 : i32
        %shift_left3A_91 = vector.broadcast %shift_left3A_90 : i32 to vector<16xi32>
        %shift_left3A_92 = arith.shli %gather3A_88, %shift_left3A_91 : vector<16xi32>
        %bitcast3A_93 = vector.bitcast %shift_left3A_92 : vector<16xi32> to vector<16xf32>
        %and3A_94 = arith.constant -65536 : i32
        %and3A_95 = vector.broadcast %and3A_94 : i32 to vector<16xi32>
        %and3A_96 = arith.andi %gather3A_89, %and3A_95 : vector<16xi32>
        %bitcast3A_97 = vector.bitcast %and3A_96 : vector<16xi32> to vector<16xf32>
        %add3A_98 = arith.addf %bitcast3A_93, %bitcast3A_97 : vector<16xf32>
        %mul3A_99 = arith.constant 2.000000e-01 : f32
        %mul3A_100 = vector.broadcast %mul3A_99 : f32 to vector<16xf32>
        %mul3A_101 = arith.mulf %mul3A_100, %add3A_98 : vector<16xf32>
        %max3A_102 = arith.maximumf %add3A_98, %mul3A_101 : vector<16xf32>
        %exp3A_103 = math.exp %max3A_102 : vector<16xf32>
        %get3A_104 = arith.index_cast %scan3A_43 : i32 to index
        %get3A_105 = arith.constant 32 : index
        %get3A_106 = tpu.vector_load %arg13[%get3A_104, %get3A_105] {strides = array<i32>} : memref<16x128xi32, #tpu.memory_space<vmem>>, vector<16xi32>,
        %get3A_107 = arith.index_cast %scan3A_43 : i32 to index
        %get3A_108 = arith.constant 32 : index
        %get3A_109 = tpu.vector_load %arg14[%get3A_107, %get3A_108] {strides = array<i32>} : memref<16x128xi32, #tpu.memory_space<vmem>>, vector<16xi32>,
        %gather3A_110 = tpu.vector_load_idx %arg11[%get3A_106] : memref<10016xi32, #tpu.memory_space<vmem>>[vector<16xi32>], vector<16xi32>,
        %gather3A_111 = tpu.vector_load_idx %arg11[%get3A_109] : memref<10016xi32, #tpu.memory_space<vmem>>[vector<16xi32>], vector<16xi32>,
        %shift_left3A_112 = arith.constant 16 : i32
        %shift_left3A_113 = vector.broadcast %shift_left3A_112 : i32 to vector<16xi32>
        %shift_left3A_114 = arith.shli %gather3A_110, %shift_left3A_113 : vector<16xi32>
        %bitcast3A_115 = vector.bitcast %shift_left3A_114 : vector<16xi32> to vector<16xf32>
        %and3A_116 = arith.constant -65536 : i32
        %and3A_117 = vector.broadcast %and3A_116 : i32 to vector<16xi32>
        %and3A_118 = arith.andi %gather3A_111, %and3A_117 : vector<16xi32>
        %bitcast3A_119 = vector.bitcast %and3A_118 : vector<16xi32> to vector<16xf32>
        %add3A_120 = arith.addf %bitcast3A_115, %bitcast3A_119 : vector<16xf32>
        %mul3A_121 = arith.constant 2.000000e-01 : f32
        %mul3A_122 = vector.broadcast %mul3A_121 : f32 to vector<16xf32>
        %mul3A_123 = arith.mulf %mul3A_122, %add3A_120 : vector<16xf32>
        %max3A_124 = arith.maximumf %add3A_120, %mul3A_123 : vector<16xf32>
        %exp3A_125 = math.exp %max3A_124 : vector<16xf32>
        %get3A_126 = arith.index_cast %scan3A_43 : i32 to index
        %get3A_127 = arith.constant 48 : index
        %get3A_128 = tpu.vector_load %arg13[%get3A_126, %get3A_127] {strides = array<i32>} : memref<16x128xi32, #tpu.memory_space<vmem>>, vector<16xi32>,
        %get3A_129 = arith.index_cast %scan3A_43 : i32 to index
        %get3A_130 = arith.constant 48 : index
        %get3A_131 = tpu.vector_load %arg14[%get3A_129, %get3A_130] {strides = array<i32>} : memref<16x128xi32, #tpu.memory_space<vmem>>, vector<16xi32>,
        %gather3A_132 = tpu.vector_load_idx %arg11[%get3A_128] : memref<10016xi32, #tpu.memory_space<vmem>>[vector<16xi32>], vector<16xi32>,
        %gather3A_133 = tpu.vector_load_idx %arg11[%get3A_131] : memref<10016xi32, #tpu.memory_space<vmem>>[vector<16xi32>], vector<16xi32>,
        %shift_left3A_134 = arith.constant 16 : i32
        %shift_left3A_135 = vector.broadcast %shift_left3A_134 : i32 to vector<16xi32>
        %shift_left3A_136 = arith.shli %gather3A_132, %shift_left3A_135 : vector<16xi32>
        %bitcast3A_137 = vector.bitcast %shift_left3A_136 : vector<16xi32> to vector<16xf32>
        %and3A_138 = arith.constant -65536 : i32
        %and3A_139 = vector.broadcast %and3A_138 : i32 to vector<16xi32>
        %and3A_140 = arith.andi %gather3A_133, %and3A_139 : vector<16xi32>
        %bitcast3A_141 = vector.bitcast %and3A_140 : vector<16xi32> to vector<16xf32>
        %add3A_142 = arith.addf %bitcast3A_137, %bitcast3A_141 : vector<16xf32>
        %mul3A_143 = arith.constant 2.000000e-01 : f32
        %mul3A_144 = vector.broadcast %mul3A_143 : f32 to vector<16xf32>
        %mul3A_145 = arith.mulf %mul3A_144, %add3A_142 : vector<16xf32>
        %max3A_146 = arith.maximumf %add3A_142, %mul3A_145 : vector<16xf32>
        %exp3A_147 = math.exp %max3A_146 : vector<16xf32>
        %get3A_148 = arith.index_cast %scan3A_43 : i32 to index
        %get3A_149 = arith.constant 64 : index
        %get3A_150 = tpu.vector_load %arg13[%get3A_148, %get3A_149] {strides = array<i32>} : memref<16x128xi32, #tpu.memory_space<vmem>>, vector<16xi32>,
        %get3A_151 = arith.index_cast %scan3A_43 : i32 to index
        %get3A_152 = arith.constant 64 : index
        %get3A_153 = tpu.vector_load %arg14[%get3A_151, %get3A_152] {strides = array<i32>} : memref<16x128xi32, #tpu.memory_space<vmem>>, vector<16xi32>,
        %gather3A_154 = tpu.vector_load_idx %arg11[%get3A_150] : memref<10016xi32, #tpu.memory_space<vmem>>[vector<16xi32>], vector<16xi32>,
        %gather3A_155 = tpu.vector_load_idx %arg11[%get3A_153] : memref<10016xi32, #tpu.memory_space<vmem>>[vector<16xi32>], vector<16xi32>,
        %shift_left3A_156 = arith.constant 16 : i32
        %shift_left3A_157 = vector.broadcast %shift_left3A_156 : i32 to vector<16xi32>
        %shift_left3A_158 = arith.shli %gather3A_154, %shift_left3A_157 : vector<16xi32>
        %bitcast3A_159 = vector.bitcast %shift_left3A_158 : vector<16xi32> to vector<16xf32>
        %and3A_160 = arith.constant -65536 : i32
        %and3A_161 = vector.broadcast %and3A_160 : i32 to vector<16xi32>
        %and3A_162 = arith.andi %gather3A_155, %and3A_161 : vector<16xi32>
        %bitcast3A_163 = vector.bitcast %and3A_162 : vector<16xi32> to vector<16xf32>
        %add3A_164 = arith.addf %bitcast3A_159, %bitcast3A_163 : vector<16xf32>
        %mul3A_165 = arith.constant 2.000000e-01 : f32
        %mul3A_166 = vector.broadcast %mul3A_165 : f32 to vector<16xf32>
        %mul3A_167 = arith.mulf %mul3A_166, %add3A_164 : vector<16xf32>
        %max3A_168 = arith.maximumf %add3A_164, %mul3A_167 : vector<16xf32>
        %exp3A_169 = math.exp %max3A_168 : vector<16xf32>
        %get3A_170 = arith.index_cast %scan3A_43 : i32 to index
        %get3A_171 = arith.constant 80 : index
        %get3A_172 = tpu.vector_load %arg13[%get3A_170, %get3A_171] {strides = array<i32>} : memref<16x128xi32, #tpu.memory_space<vmem>>, vector<16xi32>,
        %get3A_173 = arith.index_cast %scan3A_43 : i32 to index
        %get3A_174 = arith.constant 80 : index
        %get3A_175 = tpu.vector_load %arg14[%get3A_173, %get3A_174] {strides = array<i32>} : memref<16x128xi32, #tpu.memory_space<vmem>>, vector<16xi32>,
        %gather3A_176 = tpu.vector_load_idx %arg11[%get3A_172] : memref<10016xi32, #tpu.memory_space<vmem>>[vector<16xi32>], vector<16xi32>,
        %gather3A_177 = tpu.vector_load_idx %arg11[%get3A_175] : memref<10016xi32, #tpu.memory_space<vmem>>[vector<16xi32>], vector<16xi32>,
        %shift_left3A_178 = arith.constant 16 : i32
        %shift_left3A_179 = vector.broadcast %shift_left3A_178 : i32 to vector<16xi32>
        %shift_left3A_180 = arith.shli %gather3A_176, %shift_left3A_179 : vector<16xi32>
        %bitcast3A_181 = vector.bitcast %shift_left3A_180 : vector<16xi32> to vector<16xf32>
        %and3A_182 = arith.constant -65536 : i32
        %and3A_183 = vector.broadcast %and3A_182 : i32 to vector<16xi32>
        %and3A_184 = arith.andi %gather3A_177, %and3A_183 : vector<16xi32>
        %bitcast3A_185 = vector.bitcast %and3A_184 : vector<16xi32> to vector<16xf32>
        %add3A_186 = arith.addf %bitcast3A_181, %bitcast3A_185 : vector<16xf32>
        %mul3A_187 = arith.constant 2.000000e-01 : f32
        %mul3A_188 = vector.broadcast %mul3A_187 : f32 to vector<16xf32>
        %mul3A_189 = arith.mulf %mul3A_188, %add3A_186 : vector<16xf32>
        %max3A_190 = arith.maximumf %add3A_186, %mul3A_189 : vector<16xf32>
        %exp3A_191 = math.exp %max3A_190 : vector<16xf32>
        %get3A_192 = arith.index_cast %scan3A_43 : i32 to index
        %get3A_193 = arith.constant 96 : index
        %get3A_194 = tpu.vector_load %arg13[%get3A_192, %get3A_193] {strides = array<i32>} : memref<16x128xi32, #tpu.memory_space<vmem>>, vector<16xi32>,
        %get3A_195 = arith.index_cast %scan3A_43 : i32 to index
        %get3A_196 = arith.constant 96 : index
        %get3A_197 = tpu.vector_load %arg14[%get3A_195, %get3A_196] {strides = array<i32>} : memref<16x128xi32, #tpu.memory_space<vmem>>, vector<16xi32>,
        %gather3A_198 = tpu.vector_load_idx %arg11[%get3A_194] : memref<10016xi32, #tpu.memory_space<vmem>>[vector<16xi32>], vector<16xi32>,
        %gather3A_199 = tpu.vector_load_idx %arg11[%get3A_197] : memref<10016xi32, #tpu.memory_space<vmem>>[vector<16xi32>], vector<16xi32>,
        %shift_left3A_200 = arith.constant 16 : i32
        %shift_left3A_201 = vector.broadcast %shift_left3A_200 : i32 to vector<16xi32>
        %shift_left3A_202 = arith.shli %gather3A_198, %shift_left3A_201 : vector<16xi32>
        %bitcast3A_203 = vector.bitcast %shift_left3A_202 : vector<16xi32> to vector<16xf32>
        %and3A_204 = arith.constant -65536 : i32
        %and3A_205 = vector.broadcast %and3A_204 : i32 to vector<16xi32>
        %and3A_206 = arith.andi %gather3A_199, %and3A_205 : vector<16xi32>
        %bitcast3A_207 = vector.bitcast %and3A_206 : vector<16xi32> to vector<16xf32>
        %add3A_208 = arith.addf %bitcast3A_203, %bitcast3A_207 : vector<16xf32>
        %mul3A_209 = arith.constant 2.000000e-01 : f32
        %mul3A_210 = vector.broadcast %mul3A_209 : f32 to vector<16xf32>
        %mul3A_211 = arith.mulf %mul3A_210, %add3A_208 : vector<16xf32>
        %max3A_212 = arith.maximumf %add3A_208, %mul3A_211 : vector<16xf32>
        %exp3A_213 = math.exp %max3A_212 : vector<16xf32>
        %get3A_214 = arith.index_cast %scan3A_43 : i32 to index
        %get3A_215 = arith.constant 112 : index
        %get3A_216 = tpu.vector_load %arg13[%get3A_214, %get3A_215] {strides = array<i32>} : memref<16x128xi32, #tpu.memory_space<vmem>>, vector<16xi32>,
        %get3A_217 = arith.index_cast %scan3A_43 : i32 to index
        %get3A_218 = arith.constant 112 : index
        %get3A_219 = tpu.vector_load %arg14[%get3A_217, %get3A_218] {strides = array<i32>} : memref<16x128xi32, #tpu.memory_space<vmem>>, vector<16xi32>,
        %gather3A_220 = tpu.vector_load_idx %arg11[%get3A_216] : memref<10016xi32, #tpu.memory_space<vmem>>[vector<16xi32>], vector<16xi32>,
        %gather3A_221 = tpu.vector_load_idx %arg11[%get3A_219] : memref<10016xi32, #tpu.memory_space<vmem>>[vector<16xi32>], vector<16xi32>,
        %shift_left3A_222 = arith.constant 16 : i32
        %shift_left3A_223 = vector.broadcast %shift_left3A_222 : i32 to vector<16xi32>
        %shift_left3A_224 = arith.shli %gather3A_220, %shift_left3A_223 : vector<16xi32>
        %bitcast3A_225 = vector.bitcast %shift_left3A_224 : vector<16xi32> to vector<16xf32>
        %and3A_226 = arith.constant -65536 : i32
        %and3A_227 = vector.broadcast %and3A_226 : i32 to vector<16xi32>
        %and3A_228 = arith.andi %gather3A_221, %and3A_227 : vector<16xi32>
        %bitcast3A_229 = vector.bitcast %and3A_228 : vector<16xi32> to vector<16xf32>
        %add3A_230 = arith.addf %bitcast3A_225, %bitcast3A_229 : vector<16xf32>
        %mul3A_231 = arith.constant 2.000000e-01 : f32
        %mul3A_232 = vector.broadcast %mul3A_231 : f32 to vector<16xf32>
        %mul3A_233 = arith.mulf %mul3A_232, %add3A_230 : vector<16xf32>
        %max3A_234 = arith.maximumf %add3A_230, %mul3A_233 : vector<16xf32>
        %exp3A_235 = math.exp %max3A_234 : vector<16xf32>
        %shift_right_arithmetic3A = arith.constant 7 : i32
        %shift_right_arithmetic3A_236 = vector.broadcast %shift_right_arithmetic3A : i32 to vector<16xi32>
        %shift_right_arithmetic3A_237 = arith.shrsi %get3A_45, %shift_right_arithmetic3A_236 : vector<16xi32>
        %and3A_238 = arith.constant 127 : i32
        %and3A_239 = vector.broadcast %and3A_238 : i32 to vector<16xi32>
        %and3A_240 = arith.andi %get3A_45, %and3A_239 : vector<16xi32>
        tpu.vector_store_idx %arg12[%shift_right_arithmetic3A_237, %and3A_240], %exp3A {add = true} : memref<80x128xf32, #tpu.memory_space<vmem>>[vector<16xi32>, vector<16xi32>], vector<16xf32>,
        %shift_right_arithmetic3A_241 = arith.constant 7 : i32
        %shift_right_arithmetic3A_242 = vector.broadcast %shift_right_arithmetic3A_241 : i32 to vector<16xi32>
        %shift_right_arithmetic3A_243 = arith.shrsi %get3A_48, %shift_right_arithmetic3A_242 : vector<16xi32>
        %and3A_244 = arith.constant 127 : i32
        %and3A_245 = vector.broadcast %and3A_244 : i32 to vector<16xi32>
        %and3A_246 = arith.andi %get3A_48, %and3A_245 : vector<16xi32>
        tpu.vector_store_idx %arg12[%shift_right_arithmetic3A_243, %and3A_246], %exp3A_103 {add = true} : memref<80x128xf32, #tpu.memory_space<vmem>>[vector<16xi32>, vector<16xi32>], vector<16xf32>,
        %shift_right_arithmetic3A_247 = arith.constant 7 : i32
        %shift_right_arithmetic3A_248 = vector.broadcast %shift_right_arithmetic3A_247 : i32 to vector<16xi32>
        %shift_right_arithmetic3A_249 = arith.shrsi %get3A_51, %shift_right_arithmetic3A_248 : vector<16xi32>
        %and3A_250 = arith.constant 127 : i32
        %and3A_251 = vector.broadcast %and3A_250 : i32 to vector<16xi32>
        %and3A_252 = arith.andi %get3A_51, %and3A_251 : vector<16xi32>
        tpu.vector_store_idx %arg12[%shift_right_arithmetic3A_249, %and3A_252], %exp3A_125 {add = true} : memref<80x128xf32, #tpu.memory_space<vmem>>[vector<16xi32>, vector<16xi32>], vector<16xf32>,
        %shift_right_arithmetic3A_253 = arith.constant 7 : i32
        %shift_right_arithmetic3A_254 = vector.broadcast %shift_right_arithmetic3A_253 : i32 to vector<16xi32>
        %shift_right_arithmetic3A_255 = arith.shrsi %get3A_54, %shift_right_arithmetic3A_254 : vector<16xi32>
        %and3A_256 = arith.constant 127 : i32
        %and3A_257 = vector.broadcast %and3A_256 : i32 to vector<16xi32>
        %and3A_258 = arith.andi %get3A_54, %and3A_257 : vector<16xi32>
        tpu.vector_store_idx %arg12[%shift_right_arithmetic3A_255, %and3A_258], %exp3A_147 {add = true} : memref<80x128xf32, #tpu.memory_space<vmem>>[vector<16xi32>, vector<16xi32>], vector<16xf32>,
        %shift_right_arithmetic3A_259 = arith.constant 7 : i32
        %shift_right_arithmetic3A_260 = vector.broadcast %shift_right_arithmetic3A_259 : i32 to vector<16xi32>
        %shift_right_arithmetic3A_261 = arith.shrsi %get3A_57, %shift_right_arithmetic3A_260 : vector<16xi32>
        %and3A_262 = arith.constant 127 : i32
        %and3A_263 = vector.broadcast %and3A_262 : i32 to vector<16xi32>
        %and3A_264 = arith.andi %get3A_57, %and3A_263 : vector<16xi32>
        tpu.vector_store_idx %arg12[%shift_right_arithmetic3A_261, %and3A_264], %exp3A_169 {add = true} : memref<80x128xf32, #tpu.memory_space<vmem>>[vector<16xi32>, vector<16xi32>], vector<16xf32>,
        %shift_right_arithmetic3A_265 = arith.constant 7 : i32
        %shift_right_arithmetic3A_266 = vector.broadcast %shift_right_arithmetic3A_265 : i32 to vector<16xi32>
        %shift_right_arithmetic3A_267 = arith.shrsi %get3A_60, %shift_right_arithmetic3A_266 : vector<16xi32>
        %and3A_268 = arith.constant 127 : i32
        %and3A_269 = vector.broadcast %and3A_268 : i32 to vector<16xi32>
        %and3A_270 = arith.andi %get3A_60, %and3A_269 : vector<16xi32>
        tpu.vector_store_idx %arg12[%shift_right_arithmetic3A_267, %and3A_270], %exp3A_191 {add = true} : memref<80x128xf32, #tpu.memory_space<vmem>>[vector<16xi32>, vector<16xi32>], vector<16xf32>,
        %shift_right_arithmetic3A_271 = arith.constant 7 : i32
        %shift_right_arithmetic3A_272 = vector.broadcast %shift_right_arithmetic3A_271 : i32 to vector<16xi32>
        %shift_right_arithmetic3A_273 = arith.shrsi %get3A_63, %shift_right_arithmetic3A_272 : vector<16xi32>
        %and3A_274 = arith.constant 127 : i32
        %and3A_275 = vector.broadcast %and3A_274 : i32 to vector<16xi32>
        %and3A_276 = arith.andi %get3A_63, %and3A_275 : vector<16xi32>
        tpu.vector_store_idx %arg12[%shift_right_arithmetic3A_273, %and3A_276], %exp3A_213 {add = true} : memref<80x128xf32, #tpu.memory_space<vmem>>[vector<16xi32>, vector<16xi32>], vector<16xf32>,
        %shift_right_arithmetic3A_277 = arith.constant 7 : i32
        %shift_right_arithmetic3A_278 = vector.broadcast %shift_right_arithmetic3A_277 : i32 to vector<16xi32>
        %shift_right_arithmetic3A_279 = arith.shrsi %get3A_66, %shift_right_arithmetic3A_278 : vector<16xi32>
        %and3A_280 = arith.constant 127 : i32
        %and3A_281 = vector.broadcast %and3A_280 : i32 to vector<16xi32>
        %and3A_282 = arith.andi %get3A_66, %and3A_281 : vector<16xi32>
        tpu.vector_store_idx %arg12[%shift_right_arithmetic3A_279, %and3A_282], %exp3A_235 {add = true} : memref<80x128xf32, #tpu.memory_space<vmem>>[vector<16xi32>, vector<16xi32>], vector<16xf32>,
      }
      %scan3A_42 = arith.constant 16 : i32
    }
    %scan3A_17 = arith.constant 11 : i32
    %barrier3A = arith.constant 0 : index
    tpu.barrier barrier_id(%barrier3A)
    "tpu.region"() ({
      %run_scoped3A = tpu.sem_alloc : memref<!tpu.dma_semaphore, #tpu.memory_space<semaphore_mem>>
      %dma_start3A = arith.constant 0 : i32
      %dma_start3A_32 = arith.constant 0 : i32
      %dma_start3A_33 = tpu.memref_slice %arg10[%dma_start3A, %dma_start3A_32] : memref<80x128xf32, #tpu.memory_space<vmem_shared>> -> memref<80x128xf32, #tpu.memory_space<vmem_shared>>
      tpu.enqueue_indirect_dma source(%arg12 : memref<80x128xf32, #tpu.memory_space<vmem>>) target(%dma_start3A_33 : memref<80x128xf32, #tpu.memory_space<vmem_shared>>) offsets(%arg16 : memref<80xi32, #tpu.memory_space<vmem>>) semaphore(%run_scoped3A : memref<!tpu.dma_semaphore, #tpu.memory_space<semaphore_mem>>) {add = true}
      %dma_wait3A = arith.constant 0 : i32
      %dma_wait3A_34 = arith.constant 0 : i32
      %dma_wait3A_35 = tpu.memref_slice %arg10[%dma_wait3A, %dma_wait3A_34] : memref<80x128xf32, #tpu.memory_space<vmem_shared>> -> memref<80x128xf32, #tpu.memory_space<vmem_shared>>
      tpu.wait_indirect_dma semaphore(%run_scoped3A : memref<!tpu.dma_semaphore, #tpu.memory_space<semaphore_mem>>) src(%arg12 : memref<80x128xf32, #tpu.memory_space<vmem>>) dst(%dma_wait3A_35 : memref<80x128xf32, #tpu.memory_space<vmem_shared>>)
      tpu.yield
    }) : () -> ()
    %barrier3A_18 = arith.constant 0 : index
    tpu.barrier barrier_id(%barrier3A_18)
    "tpu.region"() ({
      %run_scoped3A = tpu.sem_alloc : memref<!tpu.dma_semaphore, #tpu.memory_space<semaphore_mem>>
      tpu.enqueue_dma source(%arg10 : memref<80x128xf32, #tpu.memory_space<vmem_shared>>) target(%arg12 : memref<80x128xf32, #tpu.memory_space<vmem>>) target_semaphore(%run_scoped3A : memref<!tpu.dma_semaphore, #tpu.memory_space<semaphore_mem>>)
      tpu.wait_dma2 semaphore(%run_scoped3A : memref<!tpu.dma_semaphore, #tpu.memory_space<semaphore_mem>>) src(%arg10 : memref<80x128xf32, #tpu.memory_space<vmem_shared>>) dst(%arg12 : memref<80x128xf32, #tpu.memory_space<vmem>>)
      tpu.yield
    }) : () -> ()
    %mul3A = arith.constant 88 : i32
    %mul3A_19 = arith.muli %arg0, %mul3A : i32
    %scan3A_20 = arith.constant 0 : i32
    %scan3A_21 = arith.constant 0 : i32
    %scan3A_22 = arith.constant 11 : i32
    %scan3A_23 = arith.addi %scan3A_21, %scan3A_22 : i32
    %scan3A_24 = arith.constant 1 : i32
    scf.for %scan3A_32 = %scan3A_21 to %scan3A_23 step %scan3A_24  : i32 {
      %mul3A_33 = arith.constant 8 : i32
      %mul3A_34 = arith.muli %scan3A_32, %mul3A_33 : i32
      %add3A = arith.addi %mul3A_19, %mul3A_34 : i32
      "tpu.region"() ({
        %run_scoped3A = tpu.sem_alloc : memref<!tpu.dma_semaphore, #tpu.memory_space<semaphore_mem>>
        %dma_start3A = arith.constant 0 : i32
        %dma_start3A_44 = arith.constant 0 : i32
        %dma_start3A_45 = tpu.memref_slice %arg13[%dma_start3A, %dma_start3A_44] : memref<16x128xi32, #tpu.memory_space<vmem>> -> memref<8x128xi32, #tpu.memory_space<vmem>>
        %dma_start3A_46 = arith.constant 0 : i32
        %dma_start3A_47 = tpu.memref_slice %arg4[%arg1, %add3A, %dma_start3A_46] : memref<16x176x128xi32, #tpu.memory_space<hbm>> -> memref<1x8x128xi32, #tpu.memory_space<hbm>>
        %dma_start3A_48 = tpu.memref_squeeze %dma_start3A_47 : memref<1x8x128xi32, #tpu.memory_space<hbm>> -> memref<8x128xi32, #tpu.memory_space<hbm>>
        %dma_start3A_49 = arith.constant 0 : i32
        %dma_start3A_50 = arith.constant 0 : i32
        %dma_start3A_51 = tpu.memref_slice %arg13[%dma_start3A_49, %dma_start3A_50] : memref<16x128xi32, #tpu.memory_space<vmem>> -> memref<8x128xi32, #tpu.memory_space<vmem>>
        %dma_start3A_52 = arith.constant 0 : i32
        %dma_start3A_53 = tpu.memref_slice %arg4[%arg1, %add3A, %dma_start3A_52] : memref<16x176x128xi32, #tpu.memory_space<hbm>> -> memref<1x8x128xi32, #tpu.memory_space<hbm>>
        %dma_start3A_54 = tpu.memref_squeeze %dma_start3A_53 : memref<1x8x128xi32, #tpu.memory_space<hbm>> -> memref<8x128xi32, #tpu.memory_space<hbm>>
        tpu.enqueue_dma source(%dma_start3A_54 : memref<8x128xi32, #tpu.memory_space<hbm>>) target(%dma_start3A_51 : memref<8x128xi32, #tpu.memory_space<vmem>>) target_semaphore(%run_scoped3A : memref<!tpu.dma_semaphore, #tpu.memory_space<semaphore_mem>>)
        %dma_wait3A = arith.constant 0 : i32
        %dma_wait3A_55 = arith.constant 0 : i32
        %dma_wait3A_56 = tpu.memref_slice %arg13[%dma_wait3A, %dma_wait3A_55] : memref<16x128xi32, #tpu.memory_space<vmem>> -> memref<8x128xi32, #tpu.memory_space<vmem>>
        %dma_wait3A_57 = arith.constant 0 : i32
        %dma_wait3A_58 = tpu.memref_slice %arg4[%arg1, %add3A, %dma_wait3A_57] : memref<16x176x128xi32, #tpu.memory_space<hbm>> -> memref<1x8x128xi32, #tpu.memory_space<hbm>>
        %dma_wait3A_59 = tpu.memref_squeeze %dma_wait3A_58 : memref<1x8x128xi32, #tpu.memory_space<hbm>> -> memref<8x128xi32, #tpu.memory_space<hbm>>
        %dma_wait3A_60 = arith.constant 0 : i32
        %dma_wait3A_61 = arith.constant 0 : i32
        %dma_wait3A_62 = tpu.memref_slice %arg13[%dma_wait3A_60, %dma_wait3A_61] : memref<16x128xi32, #tpu.memory_space<vmem>> -> memref<8x128xi32, #tpu.memory_space<vmem>>
        %dma_wait3A_63 = arith.constant 0 : i32
        %dma_wait3A_64 = tpu.memref_slice %arg4[%arg1, %add3A, %dma_wait3A_63] : memref<16x176x128xi32, #tpu.memory_space<hbm>> -> memref<1x8x128xi32, #tpu.memory_space<hbm>>
        %dma_wait3A_65 = tpu.memref_squeeze %dma_wait3A_64 : memref<1x8x128xi32, #tpu.memory_space<hbm>> -> memref<8x128xi32, #tpu.memory_space<hbm>>
        tpu.wait_dma2 semaphore(%run_scoped3A : memref<!tpu.dma_semaphore, #tpu.memory_space<semaphore_mem>>) src(%dma_wait3A_65 : memref<8x128xi32, #tpu.memory_space<hbm>>) dst(%dma_wait3A_62 : memref<8x128xi32, #tpu.memory_space<vmem>>)
        tpu.yield
      }) : () -> ()
      %mul3A_35 = arith.constant 8 : i32
      %mul3A_36 = arith.muli %scan3A_32, %mul3A_35 : i32
      %add3A_37 = arith.addi %mul3A_19, %mul3A_36 : i32
      "tpu.region"() ({
        %run_scoped3A = tpu.sem_alloc : memref<!tpu.dma_semaphore, #tpu.memory_space<semaphore_mem>>
        %dma_start3A = arith.constant 0 : i32
        %dma_start3A_44 = arith.constant 0 : i32
        %dma_start3A_45 = tpu.memref_slice %arg14[%dma_start3A, %dma_start3A_44] : memref<16x128xi32, #tpu.memory_space<vmem>> -> memref<8x128xi32, #tpu.memory_space<vmem>>
        %dma_start3A_46 = arith.constant 0 : i32
        %dma_start3A_47 = tpu.memref_slice %arg5[%arg1, %add3A_37, %dma_start3A_46] : memref<16x176x128xi32, #tpu.memory_space<hbm>> -> memref<1x8x128xi32, #tpu.memory_space<hbm>>
        %dma_start3A_48 = tpu.memref_squeeze %dma_start3A_47 : memref<1x8x128xi32, #tpu.memory_space<hbm>> -> memref<8x128xi32, #tpu.memory_space<hbm>>
        %dma_start3A_49 = arith.constant 0 : i32
        %dma_start3A_50 = arith.constant 0 : i32
        %dma_start3A_51 = tpu.memref_slice %arg14[%dma_start3A_49, %dma_start3A_50] : memref<16x128xi32, #tpu.memory_space<vmem>> -> memref<8x128xi32, #tpu.memory_space<vmem>>
        %dma_start3A_52 = arith.constant 0 : i32
        %dma_start3A_53 = tpu.memref_slice %arg5[%arg1, %add3A_37, %dma_start3A_52] : memref<16x176x128xi32, #tpu.memory_space<hbm>> -> memref<1x8x128xi32, #tpu.memory_space<hbm>>
        %dma_start3A_54 = tpu.memref_squeeze %dma_start3A_53 : memref<1x8x128xi32, #tpu.memory_space<hbm>> -> memref<8x128xi32, #tpu.memory_space<hbm>>
        tpu.enqueue_dma source(%dma_start3A_54 : memref<8x128xi32, #tpu.memory_space<hbm>>) target(%dma_start3A_51 : memref<8x128xi32, #tpu.memory_space<vmem>>) target_semaphore(%run_scoped3A : memref<!tpu.dma_semaphore, #tpu.memory_space<semaphore_mem>>)
        %dma_wait3A = arith.constant 0 : i32
        %dma_wait3A_55 = arith.constant 0 : i32
        %dma_wait3A_56 = tpu.memref_slice %arg14[%dma_wait3A, %dma_wait3A_55] : memref<16x128xi32, #tpu.memory_space<vmem>> -> memref<8x128xi32, #tpu.memory_space<vmem>>
        %dma_wait3A_57 = arith.constant 0 : i32
        %dma_wait3A_58 = tpu.memref_slice %arg5[%arg1, %add3A_37, %dma_wait3A_57] : memref<16x176x128xi32, #tpu.memory_space<hbm>> -> memref<1x8x128xi32, #tpu.memory_space<hbm>>
        %dma_wait3A_59 = tpu.memref_squeeze %dma_wait3A_58 : memref<1x8x128xi32, #tpu.memory_space<hbm>> -> memref<8x128xi32, #tpu.memory_space<hbm>>
        %dma_wait3A_60 = arith.constant 0 : i32
        %dma_wait3A_61 = arith.constant 0 : i32
        %dma_wait3A_62 = tpu.memref_slice %arg14[%dma_wait3A_60, %dma_wait3A_61] : memref<16x128xi32, #tpu.memory_space<vmem>> -> memref<8x128xi32, #tpu.memory_space<vmem>>
        %dma_wait3A_63 = arith.constant 0 : i32
        %dma_wait3A_64 = tpu.memref_slice %arg5[%arg1, %add3A_37, %dma_wait3A_63] : memref<16x176x128xi32, #tpu.memory_space<hbm>> -> memref<1x8x128xi32, #tpu.memory_space<hbm>>
        %dma_wait3A_65 = tpu.memref_squeeze %dma_wait3A_64 : memref<1x8x128xi32, #tpu.memory_space<hbm>> -> memref<8x128xi32, #tpu.memory_space<hbm>>
        tpu.wait_dma2 semaphore(%run_scoped3A : memref<!tpu.dma_semaphore, #tpu.memory_space<semaphore_mem>>) src(%dma_wait3A_65 : memref<8x128xi32, #tpu.memory_space<hbm>>) dst(%dma_wait3A_62 : memref<8x128xi32, #tpu.memory_space<vmem>>)
        tpu.yield
      }) : () -> ()
      %scan3A_38 = arith.constant 0 : i32
      %scan3A_39 = arith.constant 0 : i32
      %scan3A_40 = arith.constant 8 : i32
      %scan3A_41 = arith.addi %scan3A_39, %scan3A_40 : i32
      %scan3A_42 = arith.constant 1 : i32
      scf.for %scan3A_44 = %scan3A_39 to %scan3A_41 step %scan3A_42  : i32 {
        %dma_start3A = arith.constant 0 : i32
        %dma_start3A_45 = tpu.memref_slice %arg13[%scan3A_44, %dma_start3A] : memref<16x128xi32, #tpu.memory_space<vmem>> -> memref<1x128xi32, #tpu.memory_space<vmem>>
        %dma_start3A_46 = tpu.memref_squeeze %dma_start3A_45 : memref<1x128xi32, #tpu.memory_space<vmem>> -> memref<128xi32, #tpu.memory_space<vmem>>
        %dma_start3A_47 = arith.constant 0 : i32
        %dma_start3A_48 = arith.constant 0 : i32
        %dma_start3A_49 = tpu.memref_slice %arg2[%dma_start3A_47, %dma_start3A_48] : memref<10016x128xf32, #tpu.memory_space<hbm>> -> memref<10016x128xf32, #tpu.memory_space<hbm>>
        tpu.enqueue_indirect_dma source(%dma_start3A_49 : memref<10016x128xf32, #tpu.memory_space<hbm>>) target(%arg17 : memref<128x128xf32, #tpu.memory_space<vmem>>) offsets(%dma_start3A_46 : memref<128xi32, #tpu.memory_space<vmem>>) semaphore(%arg18 : memref<!tpu.dma_semaphore, #tpu.memory_space<semaphore_mem>>)
        %get3A = arith.index_cast %scan3A_44 : i32 to index
        %get3A_50 = arith.constant 0 : index
        %get3A_51 = tpu.vector_load %arg14[%get3A, %get3A_50] {strides = array<i32>} : memref<16x128xi32, #tpu.memory_space<vmem>>, vector<16xi32>,
        %get3A_52 = arith.index_cast %scan3A_44 : i32 to index
        %get3A_53 = arith.constant 16 : index
        %get3A_54 = tpu.vector_load %arg14[%get3A_52, %get3A_53] {strides = array<i32>} : memref<16x128xi32, #tpu.memory_space<vmem>>, vector<16xi32>,
        %get3A_55 = arith.index_cast %scan3A_44 : i32 to index
        %get3A_56 = arith.constant 32 : index
        %get3A_57 = tpu.vector_load %arg14[%get3A_55, %get3A_56] {strides = array<i32>} : memref<16x128xi32, #tpu.memory_space<vmem>>, vector<16xi32>,
        %get3A_58 = arith.index_cast %scan3A_44 : i32 to index
        %get3A_59 = arith.constant 48 : index
        %get3A_60 = tpu.vector_load %arg14[%get3A_58, %get3A_59] {strides = array<i32>} : memref<16x128xi32, #tpu.memory_space<vmem>>, vector<16xi32>,
        %get3A_61 = arith.index_cast %scan3A_44 : i32 to index
        %get3A_62 = arith.constant 64 : index
        %get3A_63 = tpu.vector_load %arg14[%get3A_61, %get3A_62] {strides = array<i32>} : memref<16x128xi32, #tpu.memory_space<vmem>>, vector<16xi32>,
        %get3A_64 = arith.index_cast %scan3A_44 : i32 to index
        %get3A_65 = arith.constant 80 : index
        %get3A_66 = tpu.vector_load %arg14[%get3A_64, %get3A_65] {strides = array<i32>} : memref<16x128xi32, #tpu.memory_space<vmem>>, vector<16xi32>,
        %get3A_67 = arith.index_cast %scan3A_44 : i32 to index
        %get3A_68 = arith.constant 96 : index
        %get3A_69 = tpu.vector_load %arg14[%get3A_67, %get3A_68] {strides = array<i32>} : memref<16x128xi32, #tpu.memory_space<vmem>>, vector<16xi32>,
        %get3A_70 = arith.index_cast %scan3A_44 : i32 to index
        %get3A_71 = arith.constant 112 : index
        %get3A_72 = tpu.vector_load %arg14[%get3A_70, %get3A_71] {strides = array<i32>} : memref<16x128xi32, #tpu.memory_space<vmem>>, vector<16xi32>,
        %get3A_73 = arith.index_cast %scan3A_44 : i32 to index
        %get3A_74 = arith.constant 0 : index
        %get3A_75 = tpu.vector_load %arg13[%get3A_73, %get3A_74] {strides = array<i32>} : memref<16x128xi32, #tpu.memory_space<vmem>>, vector<16xi32>,
        %get3A_76 = arith.index_cast %scan3A_44 : i32 to index
        %get3A_77 = arith.constant 0 : index
        %get3A_78 = tpu.vector_load %arg14[%get3A_76, %get3A_77] {strides = array<i32>} : memref<16x128xi32, #tpu.memory_space<vmem>>, vector<16xi32>,
        %gather3A = tpu.vector_load_idx %arg11[%get3A_75] : memref<10016xi32, #tpu.memory_space<vmem>>[vector<16xi32>], vector<16xi32>,
        %gather3A_79 = tpu.vector_load_idx %arg11[%get3A_78] : memref<10016xi32, #tpu.memory_space<vmem>>[vector<16xi32>], vector<16xi32>,
        %shift_left3A = arith.constant 16 : i32
        %shift_left3A_80 = vector.broadcast %shift_left3A : i32 to vector<16xi32>
        %shift_left3A_81 = arith.shli %gather3A, %shift_left3A_80 : vector<16xi32>
        %bitcast3A = vector.bitcast %shift_left3A_81 : vector<16xi32> to vector<16xf32>
        %and3A = arith.constant -65536 : i32
        %and3A_82 = vector.broadcast %and3A : i32 to vector<16xi32>
        %and3A_83 = arith.andi %gather3A_79, %and3A_82 : vector<16xi32>
        %bitcast3A_84 = vector.bitcast %and3A_83 : vector<16xi32> to vector<16xf32>
        %add3A_85 = arith.addf %bitcast3A, %bitcast3A_84 : vector<16xf32>
        %mul3A_86 = arith.constant 2.000000e-01 : f32
        %mul3A_87 = vector.broadcast %mul3A_86 : f32 to vector<16xf32>
        %mul3A_88 = arith.mulf %mul3A_87, %add3A_85 : vector<16xf32>
        %max3A = arith.maximumf %add3A_85, %mul3A_88 : vector<16xf32>
        %exp3A = math.exp %max3A : vector<16xf32>
        %get3A_89 = arith.index_cast %scan3A_44 : i32 to index
        %get3A_90 = arith.constant 16 : index
        %get3A_91 = tpu.vector_load %arg13[%get3A_89, %get3A_90] {strides = array<i32>} : memref<16x128xi32, #tpu.memory_space<vmem>>, vector<16xi32>,
        %get3A_92 = arith.index_cast %scan3A_44 : i32 to index
        %get3A_93 = arith.constant 16 : index
        %get3A_94 = tpu.vector_load %arg14[%get3A_92, %get3A_93] {strides = array<i32>} : memref<16x128xi32, #tpu.memory_space<vmem>>, vector<16xi32>,
        %gather3A_95 = tpu.vector_load_idx %arg11[%get3A_91] : memref<10016xi32, #tpu.memory_space<vmem>>[vector<16xi32>], vector<16xi32>,
        %gather3A_96 = tpu.vector_load_idx %arg11[%get3A_94] : memref<10016xi32, #tpu.memory_space<vmem>>[vector<16xi32>], vector<16xi32>,
        %shift_left3A_97 = arith.constant 16 : i32
        %shift_left3A_98 = vector.broadcast %shift_left3A_97 : i32 to vector<16xi32>
        %shift_left3A_99 = arith.shli %gather3A_95, %shift_left3A_98 : vector<16xi32>
        %bitcast3A_100 = vector.bitcast %shift_left3A_99 : vector<16xi32> to vector<16xf32>
        %and3A_101 = arith.constant -65536 : i32
        %and3A_102 = vector.broadcast %and3A_101 : i32 to vector<16xi32>
        %and3A_103 = arith.andi %gather3A_96, %and3A_102 : vector<16xi32>
        %bitcast3A_104 = vector.bitcast %and3A_103 : vector<16xi32> to vector<16xf32>
        %add3A_105 = arith.addf %bitcast3A_100, %bitcast3A_104 : vector<16xf32>
        %mul3A_106 = arith.constant 2.000000e-01 : f32
        %mul3A_107 = vector.broadcast %mul3A_106 : f32 to vector<16xf32>
        %mul3A_108 = arith.mulf %mul3A_107, %add3A_105 : vector<16xf32>
        %max3A_109 = arith.maximumf %add3A_105, %mul3A_108 : vector<16xf32>
        %exp3A_110 = math.exp %max3A_109 : vector<16xf32>
        %get3A_111 = arith.index_cast %scan3A_44 : i32 to index
        %get3A_112 = arith.constant 32 : index
        %get3A_113 = tpu.vector_load %arg13[%get3A_111, %get3A_112] {strides = array<i32>} : memref<16x128xi32, #tpu.memory_space<vmem>>, vector<16xi32>,
        %get3A_114 = arith.index_cast %scan3A_44 : i32 to index
        %get3A_115 = arith.constant 32 : index
        %get3A_116 = tpu.vector_load %arg14[%get3A_114, %get3A_115] {strides = array<i32>} : memref<16x128xi32, #tpu.memory_space<vmem>>, vector<16xi32>,
        %gather3A_117 = tpu.vector_load_idx %arg11[%get3A_113] : memref<10016xi32, #tpu.memory_space<vmem>>[vector<16xi32>], vector<16xi32>,
        %gather3A_118 = tpu.vector_load_idx %arg11[%get3A_116] : memref<10016xi32, #tpu.memory_space<vmem>>[vector<16xi32>], vector<16xi32>,
        %shift_left3A_119 = arith.constant 16 : i32
        %shift_left3A_120 = vector.broadcast %shift_left3A_119 : i32 to vector<16xi32>
        %shift_left3A_121 = arith.shli %gather3A_117, %shift_left3A_120 : vector<16xi32>
        %bitcast3A_122 = vector.bitcast %shift_left3A_121 : vector<16xi32> to vector<16xf32>
        %and3A_123 = arith.constant -65536 : i32
        %and3A_124 = vector.broadcast %and3A_123 : i32 to vector<16xi32>
        %and3A_125 = arith.andi %gather3A_118, %and3A_124 : vector<16xi32>
        %bitcast3A_126 = vector.bitcast %and3A_125 : vector<16xi32> to vector<16xf32>
        %add3A_127 = arith.addf %bitcast3A_122, %bitcast3A_126 : vector<16xf32>
        %mul3A_128 = arith.constant 2.000000e-01 : f32
        %mul3A_129 = vector.broadcast %mul3A_128 : f32 to vector<16xf32>
        %mul3A_130 = arith.mulf %mul3A_129, %add3A_127 : vector<16xf32>
        %max3A_131 = arith.maximumf %add3A_127, %mul3A_130 : vector<16xf32>
        %exp3A_132 = math.exp %max3A_131 : vector<16xf32>
        %get3A_133 = arith.index_cast %scan3A_44 : i32 to index
        %get3A_134 = arith.constant 48 : index
        %get3A_135 = tpu.vector_load %arg13[%get3A_133, %get3A_134] {strides = array<i32>} : memref<16x128xi32, #tpu.memory_space<vmem>>, vector<16xi32>,
        %get3A_136 = arith.index_cast %scan3A_44 : i32 to index
        %get3A_137 = arith.constant 48 : index
        %get3A_138 = tpu.vector_load %arg14[%get3A_136, %get3A_137] {strides = array<i32>} : memref<16x128xi32, #tpu.memory_space<vmem>>, vector<16xi32>,
        %gather3A_139 = tpu.vector_load_idx %arg11[%get3A_135] : memref<10016xi32, #tpu.memory_space<vmem>>[vector<16xi32>], vector<16xi32>,
        %gather3A_140 = tpu.vector_load_idx %arg11[%get3A_138] : memref<10016xi32, #tpu.memory_space<vmem>>[vector<16xi32>], vector<16xi32>,
        %shift_left3A_141 = arith.constant 16 : i32
        %shift_left3A_142 = vector.broadcast %shift_left3A_141 : i32 to vector<16xi32>
        %shift_left3A_143 = arith.shli %gather3A_139, %shift_left3A_142 : vector<16xi32>
        %bitcast3A_144 = vector.bitcast %shift_left3A_143 : vector<16xi32> to vector<16xf32>
        %and3A_145 = arith.constant -65536 : i32
        %and3A_146 = vector.broadcast %and3A_145 : i32 to vector<16xi32>
        %and3A_147 = arith.andi %gather3A_140, %and3A_146 : vector<16xi32>
        %bitcast3A_148 = vector.bitcast %and3A_147 : vector<16xi32> to vector<16xf32>
        %add3A_149 = arith.addf %bitcast3A_144, %bitcast3A_148 : vector<16xf32>
        %mul3A_150 = arith.constant 2.000000e-01 : f32
        %mul3A_151 = vector.broadcast %mul3A_150 : f32 to vector<16xf32>
        %mul3A_152 = arith.mulf %mul3A_151, %add3A_149 : vector<16xf32>
        %max3A_153 = arith.maximumf %add3A_149, %mul3A_152 : vector<16xf32>
        %exp3A_154 = math.exp %max3A_153 : vector<16xf32>
        %get3A_155 = arith.index_cast %scan3A_44 : i32 to index
        %get3A_156 = arith.constant 64 : index
        %get3A_157 = tpu.vector_load %arg13[%get3A_155, %get3A_156] {strides = array<i32>} : memref<16x128xi32, #tpu.memory_space<vmem>>, vector<16xi32>,
        %get3A_158 = arith.index_cast %scan3A_44 : i32 to index
        %get3A_159 = arith.constant 64 : index
        %get3A_160 = tpu.vector_load %arg14[%get3A_158, %get3A_159] {strides = array<i32>} : memref<16x128xi32, #tpu.memory_space<vmem>>, vector<16xi32>,
        %gather3A_161 = tpu.vector_load_idx %arg11[%get3A_157] : memref<10016xi32, #tpu.memory_space<vmem>>[vector<16xi32>], vector<16xi32>,
        %gather3A_162 = tpu.vector_load_idx %arg11[%get3A_160] : memref<10016xi32, #tpu.memory_space<vmem>>[vector<16xi32>], vector<16xi32>,
        %shift_left3A_163 = arith.constant 16 : i32
        %shift_left3A_164 = vector.broadcast %shift_left3A_163 : i32 to vector<16xi32>
        %shift_left3A_165 = arith.shli %gather3A_161, %shift_left3A_164 : vector<16xi32>
        %bitcast3A_166 = vector.bitcast %shift_left3A_165 : vector<16xi32> to vector<16xf32>
        %and3A_167 = arith.constant -65536 : i32
        %and3A_168 = vector.broadcast %and3A_167 : i32 to vector<16xi32>
        %and3A_169 = arith.andi %gather3A_162, %and3A_168 : vector<16xi32>
        %bitcast3A_170 = vector.bitcast %and3A_169 : vector<16xi32> to vector<16xf32>
        %add3A_171 = arith.addf %bitcast3A_166, %bitcast3A_170 : vector<16xf32>
        %mul3A_172 = arith.constant 2.000000e-01 : f32
        %mul3A_173 = vector.broadcast %mul3A_172 : f32 to vector<16xf32>
        %mul3A_174 = arith.mulf %mul3A_173, %add3A_171 : vector<16xf32>
        %max3A_175 = arith.maximumf %add3A_171, %mul3A_174 : vector<16xf32>
        %exp3A_176 = math.exp %max3A_175 : vector<16xf32>
        %get3A_177 = arith.index_cast %scan3A_44 : i32 to index
        %get3A_178 = arith.constant 80 : index
        %get3A_179 = tpu.vector_load %arg13[%get3A_177, %get3A_178] {strides = array<i32>} : memref<16x128xi32, #tpu.memory_space<vmem>>, vector<16xi32>,
        %get3A_180 = arith.index_cast %scan3A_44 : i32 to index
        %get3A_181 = arith.constant 80 : index
        %get3A_182 = tpu.vector_load %arg14[%get3A_180, %get3A_181] {strides = array<i32>} : memref<16x128xi32, #tpu.memory_space<vmem>>, vector<16xi32>,
        %gather3A_183 = tpu.vector_load_idx %arg11[%get3A_179] : memref<10016xi32, #tpu.memory_space<vmem>>[vector<16xi32>], vector<16xi32>,
        %gather3A_184 = tpu.vector_load_idx %arg11[%get3A_182] : memref<10016xi32, #tpu.memory_space<vmem>>[vector<16xi32>], vector<16xi32>,
        %shift_left3A_185 = arith.constant 16 : i32
        %shift_left3A_186 = vector.broadcast %shift_left3A_185 : i32 to vector<16xi32>
        %shift_left3A_187 = arith.shli %gather3A_183, %shift_left3A_186 : vector<16xi32>
        %bitcast3A_188 = vector.bitcast %shift_left3A_187 : vector<16xi32> to vector<16xf32>
        %and3A_189 = arith.constant -65536 : i32
        %and3A_190 = vector.broadcast %and3A_189 : i32 to vector<16xi32>
        %and3A_191 = arith.andi %gather3A_184, %and3A_190 : vector<16xi32>
        %bitcast3A_192 = vector.bitcast %and3A_191 : vector<16xi32> to vector<16xf32>
        %add3A_193 = arith.addf %bitcast3A_188, %bitcast3A_192 : vector<16xf32>
        %mul3A_194 = arith.constant 2.000000e-01 : f32
        %mul3A_195 = vector.broadcast %mul3A_194 : f32 to vector<16xf32>
        %mul3A_196 = arith.mulf %mul3A_195, %add3A_193 : vector<16xf32>
        %max3A_197 = arith.maximumf %add3A_193, %mul3A_196 : vector<16xf32>
        %exp3A_198 = math.exp %max3A_197 : vector<16xf32>
        %get3A_199 = arith.index_cast %scan3A_44 : i32 to index
        %get3A_200 = arith.constant 96 : index
        %get3A_201 = tpu.vector_load %arg13[%get3A_199, %get3A_200] {strides = array<i32>} : memref<16x128xi32, #tpu.memory_space<vmem>>, vector<16xi32>,
        %get3A_202 = arith.index_cast %scan3A_44 : i32 to index
        %get3A_203 = arith.constant 96 : index
        %get3A_204 = tpu.vector_load %arg14[%get3A_202, %get3A_203] {strides = array<i32>} : memref<16x128xi32, #tpu.memory_space<vmem>>, vector<16xi32>,
        %gather3A_205 = tpu.vector_load_idx %arg11[%get3A_201] : memref<10016xi32, #tpu.memory_space<vmem>>[vector<16xi32>], vector<16xi32>,
        %gather3A_206 = tpu.vector_load_idx %arg11[%get3A_204] : memref<10016xi32, #tpu.memory_space<vmem>>[vector<16xi32>], vector<16xi32>,
        %shift_left3A_207 = arith.constant 16 : i32
        %shift_left3A_208 = vector.broadcast %shift_left3A_207 : i32 to vector<16xi32>
        %shift_left3A_209 = arith.shli %gather3A_205, %shift_left3A_208 : vector<16xi32>
        %bitcast3A_210 = vector.bitcast %shift_left3A_209 : vector<16xi32> to vector<16xf32>
        %and3A_211 = arith.constant -65536 : i32
        %and3A_212 = vector.broadcast %and3A_211 : i32 to vector<16xi32>
        %and3A_213 = arith.andi %gather3A_206, %and3A_212 : vector<16xi32>
        %bitcast3A_214 = vector.bitcast %and3A_213 : vector<16xi32> to vector<16xf32>
        %add3A_215 = arith.addf %bitcast3A_210, %bitcast3A_214 : vector<16xf32>
        %mul3A_216 = arith.constant 2.000000e-01 : f32
        %mul3A_217 = vector.broadcast %mul3A_216 : f32 to vector<16xf32>
        %mul3A_218 = arith.mulf %mul3A_217, %add3A_215 : vector<16xf32>
        %max3A_219 = arith.maximumf %add3A_215, %mul3A_218 : vector<16xf32>
        %exp3A_220 = math.exp %max3A_219 : vector<16xf32>
        %get3A_221 = arith.index_cast %scan3A_44 : i32 to index
        %get3A_222 = arith.constant 112 : index
        %get3A_223 = tpu.vector_load %arg13[%get3A_221, %get3A_222] {strides = array<i32>} : memref<16x128xi32, #tpu.memory_space<vmem>>, vector<16xi32>,
        %get3A_224 = arith.index_cast %scan3A_44 : i32 to index
        %get3A_225 = arith.constant 112 : index
        %get3A_226 = tpu.vector_load %arg14[%get3A_224, %get3A_225] {strides = array<i32>} : memref<16x128xi32, #tpu.memory_space<vmem>>, vector<16xi32>,
        %gather3A_227 = tpu.vector_load_idx %arg11[%get3A_223] : memref<10016xi32, #tpu.memory_space<vmem>>[vector<16xi32>], vector<16xi32>,
        %gather3A_228 = tpu.vector_load_idx %arg11[%get3A_226] : memref<10016xi32, #tpu.memory_space<vmem>>[vector<16xi32>], vector<16xi32>,
        %shift_left3A_229 = arith.constant 16 : i32
        %shift_left3A_230 = vector.broadcast %shift_left3A_229 : i32 to vector<16xi32>
        %shift_left3A_231 = arith.shli %gather3A_227, %shift_left3A_230 : vector<16xi32>
        %bitcast3A_232 = vector.bitcast %shift_left3A_231 : vector<16xi32> to vector<16xf32>
        %and3A_233 = arith.constant -65536 : i32
        %and3A_234 = vector.broadcast %and3A_233 : i32 to vector<16xi32>
        %and3A_235 = arith.andi %gather3A_228, %and3A_234 : vector<16xi32>
        %bitcast3A_236 = vector.bitcast %and3A_235 : vector<16xi32> to vector<16xf32>
        %add3A_237 = arith.addf %bitcast3A_232, %bitcast3A_236 : vector<16xf32>
        %mul3A_238 = arith.constant 2.000000e-01 : f32
        %mul3A_239 = vector.broadcast %mul3A_238 : f32 to vector<16xf32>
        %mul3A_240 = arith.mulf %mul3A_239, %add3A_237 : vector<16xf32>
        %max3A_241 = arith.maximumf %add3A_237, %mul3A_240 : vector<16xf32>
        %exp3A_242 = math.exp %max3A_241 : vector<16xf32>
        %shift_right_arithmetic3A = arith.constant 7 : i32
        %shift_right_arithmetic3A_243 = vector.broadcast %shift_right_arithmetic3A : i32 to vector<16xi32>
        %shift_right_arithmetic3A_244 = arith.shrsi %get3A_51, %shift_right_arithmetic3A_243 : vector<16xi32>
        %and3A_245 = arith.constant 127 : i32
        %and3A_246 = vector.broadcast %and3A_245 : i32 to vector<16xi32>
        %and3A_247 = arith.andi %get3A_51, %and3A_246 : vector<16xi32>
        %gather3A_248 = tpu.vector_load_idx %arg12[%shift_right_arithmetic3A_244, %and3A_247] : memref<80x128xf32, #tpu.memory_space<vmem>>[vector<16xi32>, vector<16xi32>], vector<16xf32>,
        %shift_right_arithmetic3A_249 = arith.constant 7 : i32
        %shift_right_arithmetic3A_250 = vector.broadcast %shift_right_arithmetic3A_249 : i32 to vector<16xi32>
        %shift_right_arithmetic3A_251 = arith.shrsi %get3A_54, %shift_right_arithmetic3A_250 : vector<16xi32>
        %and3A_252 = arith.constant 127 : i32
        %and3A_253 = vector.broadcast %and3A_252 : i32 to vector<16xi32>
        %and3A_254 = arith.andi %get3A_54, %and3A_253 : vector<16xi32>
        %gather3A_255 = tpu.vector_load_idx %arg12[%shift_right_arithmetic3A_251, %and3A_254] : memref<80x128xf32, #tpu.memory_space<vmem>>[vector<16xi32>, vector<16xi32>], vector<16xf32>,
        %shift_right_arithmetic3A_256 = arith.constant 7 : i32
        %shift_right_arithmetic3A_257 = vector.broadcast %shift_right_arithmetic3A_256 : i32 to vector<16xi32>
        %shift_right_arithmetic3A_258 = arith.shrsi %get3A_57, %shift_right_arithmetic3A_257 : vector<16xi32>
        %and3A_259 = arith.constant 127 : i32
        %and3A_260 = vector.broadcast %and3A_259 : i32 to vector<16xi32>
        %and3A_261 = arith.andi %get3A_57, %and3A_260 : vector<16xi32>
        %gather3A_262 = tpu.vector_load_idx %arg12[%shift_right_arithmetic3A_258, %and3A_261] : memref<80x128xf32, #tpu.memory_space<vmem>>[vector<16xi32>, vector<16xi32>], vector<16xf32>,
        %shift_right_arithmetic3A_263 = arith.constant 7 : i32
        %shift_right_arithmetic3A_264 = vector.broadcast %shift_right_arithmetic3A_263 : i32 to vector<16xi32>
        %shift_right_arithmetic3A_265 = arith.shrsi %get3A_60, %shift_right_arithmetic3A_264 : vector<16xi32>
        %and3A_266 = arith.constant 127 : i32
        %and3A_267 = vector.broadcast %and3A_266 : i32 to vector<16xi32>
        %and3A_268 = arith.andi %get3A_60, %and3A_267 : vector<16xi32>
        %gather3A_269 = tpu.vector_load_idx %arg12[%shift_right_arithmetic3A_265, %and3A_268] : memref<80x128xf32, #tpu.memory_space<vmem>>[vector<16xi32>, vector<16xi32>], vector<16xf32>,
        %shift_right_arithmetic3A_270 = arith.constant 7 : i32
        %shift_right_arithmetic3A_271 = vector.broadcast %shift_right_arithmetic3A_270 : i32 to vector<16xi32>
        %shift_right_arithmetic3A_272 = arith.shrsi %get3A_63, %shift_right_arithmetic3A_271 : vector<16xi32>
        %and3A_273 = arith.constant 127 : i32
        %and3A_274 = vector.broadcast %and3A_273 : i32 to vector<16xi32>
        %and3A_275 = arith.andi %get3A_63, %and3A_274 : vector<16xi32>
        %gather3A_276 = tpu.vector_load_idx %arg12[%shift_right_arithmetic3A_272, %and3A_275] : memref<80x128xf32, #tpu.memory_space<vmem>>[vector<16xi32>, vector<16xi32>], vector<16xf32>,
        %shift_right_arithmetic3A_277 = arith.constant 7 : i32
        %shift_right_arithmetic3A_278 = vector.broadcast %shift_right_arithmetic3A_277 : i32 to vector<16xi32>
        %shift_right_arithmetic3A_279 = arith.shrsi %get3A_66, %shift_right_arithmetic3A_278 : vector<16xi32>
        %and3A_280 = arith.constant 127 : i32
        %and3A_281 = vector.broadcast %and3A_280 : i32 to vector<16xi32>
        %and3A_282 = arith.andi %get3A_66, %and3A_281 : vector<16xi32>
        %gather3A_283 = tpu.vector_load_idx %arg12[%shift_right_arithmetic3A_279, %and3A_282] : memref<80x128xf32, #tpu.memory_space<vmem>>[vector<16xi32>, vector<16xi32>], vector<16xf32>,
        %shift_right_arithmetic3A_284 = arith.constant 7 : i32
        %shift_right_arithmetic3A_285 = vector.broadcast %shift_right_arithmetic3A_284 : i32 to vector<16xi32>
        %shift_right_arithmetic3A_286 = arith.shrsi %get3A_69, %shift_right_arithmetic3A_285 : vector<16xi32>
        %and3A_287 = arith.constant 127 : i32
        %and3A_288 = vector.broadcast %and3A_287 : i32 to vector<16xi32>
        %and3A_289 = arith.andi %get3A_69, %and3A_288 : vector<16xi32>
        %gather3A_290 = tpu.vector_load_idx %arg12[%shift_right_arithmetic3A_286, %and3A_289] : memref<80x128xf32, #tpu.memory_space<vmem>>[vector<16xi32>, vector<16xi32>], vector<16xf32>,
        %shift_right_arithmetic3A_291 = arith.constant 7 : i32
        %shift_right_arithmetic3A_292 = vector.broadcast %shift_right_arithmetic3A_291 : i32 to vector<16xi32>
        %shift_right_arithmetic3A_293 = arith.shrsi %get3A_72, %shift_right_arithmetic3A_292 : vector<16xi32>
        %and3A_294 = arith.constant 127 : i32
        %and3A_295 = vector.broadcast %and3A_294 : i32 to vector<16xi32>
        %and3A_296 = arith.andi %get3A_72, %and3A_295 : vector<16xi32>
        %gather3A_297 = tpu.vector_load_idx %arg12[%shift_right_arithmetic3A_293, %and3A_296] : memref<80x128xf32, #tpu.memory_space<vmem>>[vector<16xi32>, vector<16xi32>], vector<16xf32>,
        %add3A_298 = arith.constant 1.000000e-16 : f32
        %add3A_299 = vector.broadcast %add3A_298 : f32 to vector<16xf32>
        %add3A_300 = arith.addf %gather3A_248, %add3A_299 : vector<16xf32>
        %div3A = arith.divf %exp3A, %add3A_300 : vector<16xf32>
        %swap3A = arith.constant 0 : index
        %swap3A_301 = tpu.vector_load %arg15[%swap3A] {strides = array<i32>} : memref<144xf32, #tpu.memory_space<vmem>>, vector<16xf32>,
        tpu.vector_store %arg15[%swap3A], %div3A {strides = array<i32>} : memref<144xf32, #tpu.memory_space<vmem>>, vector<16xf32>,
        %add3A_302 = arith.constant 1.000000e-16 : f32
        %add3A_303 = vector.broadcast %add3A_302 : f32 to vector<16xf32>
        %add3A_304 = arith.addf %gather3A_255, %add3A_303 : vector<16xf32>
        %div3A_305 = arith.divf %exp3A_110, %add3A_304 : vector<16xf32>
        %swap3A_306 = arith.constant 16 : index
        %swap3A_307 = tpu.vector_load %arg15[%swap3A_306] {strides = array<i32>} : memref<144xf32, #tpu.memory_space<vmem>>, vector<16xf32>,
        tpu.vector_store %arg15[%swap3A_306], %div3A_305 {strides = array<i32>} : memref<144xf32, #tpu.memory_space<vmem>>, vector<16xf32>,
        %add3A_308 = arith.constant 1.000000e-16 : f32
        %add3A_309 = vector.broadcast %add3A_308 : f32 to vector<16xf32>
        %add3A_310 = arith.addf %gather3A_262, %add3A_309 : vector<16xf32>
        %div3A_311 = arith.divf %exp3A_132, %add3A_310 : vector<16xf32>
        %swap3A_312 = arith.constant 32 : index
        %swap3A_313 = tpu.vector_load %arg15[%swap3A_312] {strides = array<i32>} : memref<144xf32, #tpu.memory_space<vmem>>, vector<16xf32>,
        tpu.vector_store %arg15[%swap3A_312], %div3A_311 {strides = array<i32>} : memref<144xf32, #tpu.memory_space<vmem>>, vector<16xf32>,
        %add3A_314 = arith.constant 1.000000e-16 : f32
        %add3A_315 = vector.broadcast %add3A_314 : f32 to vector<16xf32>
        %add3A_316 = arith.addf %gather3A_269, %add3A_315 : vector<16xf32>
        %div3A_317 = arith.divf %exp3A_154, %add3A_316 : vector<16xf32>
        %swap3A_318 = arith.constant 48 : index
        %swap3A_319 = tpu.vector_load %arg15[%swap3A_318] {strides = array<i32>} : memref<144xf32, #tpu.memory_space<vmem>>, vector<16xf32>,
        tpu.vector_store %arg15[%swap3A_318], %div3A_317 {strides = array<i32>} : memref<144xf32, #tpu.memory_space<vmem>>, vector<16xf32>,
        %add3A_320 = arith.constant 1.000000e-16 : f32
        %add3A_321 = vector.broadcast %add3A_320 : f32 to vector<16xf32>
        %add3A_322 = arith.addf %gather3A_276, %add3A_321 : vector<16xf32>
        %div3A_323 = arith.divf %exp3A_176, %add3A_322 : vector<16xf32>
        %swap3A_324 = arith.constant 64 : index
        %swap3A_325 = tpu.vector_load %arg15[%swap3A_324] {strides = array<i32>} : memref<144xf32, #tpu.memory_space<vmem>>, vector<16xf32>,
        tpu.vector_store %arg15[%swap3A_324], %div3A_323 {strides = array<i32>} : memref<144xf32, #tpu.memory_space<vmem>>, vector<16xf32>,
        %add3A_326 = arith.constant 1.000000e-16 : f32
        %add3A_327 = vector.broadcast %add3A_326 : f32 to vector<16xf32>
        %add3A_328 = arith.addf %gather3A_283, %add3A_327 : vector<16xf32>
        %div3A_329 = arith.divf %exp3A_198, %add3A_328 : vector<16xf32>
        %swap3A_330 = arith.constant 80 : index
        %swap3A_331 = tpu.vector_load %arg15[%swap3A_330] {strides = array<i32>} : memref<144xf32, #tpu.memory_space<vmem>>, vector<16xf32>,
        tpu.vector_store %arg15[%swap3A_330], %div3A_329 {strides = array<i32>} : memref<144xf32, #tpu.memory_space<vmem>>, vector<16xf32>,
        %add3A_332 = arith.constant 1.000000e-16 : f32
        %add3A_333 = vector.broadcast %add3A_332 : f32 to vector<16xf32>
        %add3A_334 = arith.addf %gather3A_290, %add3A_333 : vector<16xf32>
        %div3A_335 = arith.divf %exp3A_220, %add3A_334 : vector<16xf32>
        %swap3A_336 = arith.constant 96 : index
        %swap3A_337 = tpu.vector_load %arg15[%swap3A_336] {strides = array<i32>} : memref<144xf32, #tpu.memory_space<vmem>>, vector<16xf32>,
        tpu.vector_store %arg15[%swap3A_336], %div3A_335 {strides = array<i32>} : memref<144xf32, #tpu.memory_space<vmem>>, vector<16xf32>,
        %add3A_338 = arith.constant 1.000000e-16 : f32
        %add3A_339 = vector.broadcast %add3A_338 : f32 to vector<16xf32>
        %add3A_340 = arith.addf %gather3A_297, %add3A_339 : vector<16xf32>
        %div3A_341 = arith.divf %exp3A_242, %add3A_340 : vector<16xf32>
        %swap3A_342 = arith.constant 112 : index
        %swap3A_343 = tpu.vector_load %arg15[%swap3A_342] {strides = array<i32>} : memref<144xf32, #tpu.memory_space<vmem>>, vector<16xf32>,
        tpu.vector_store %arg15[%swap3A_342], %div3A_341 {strides = array<i32>} : memref<144xf32, #tpu.memory_space<vmem>>, vector<16xf32>,
        %dma_wait3A = arith.constant 0 : i32
        %dma_wait3A_344 = tpu.memref_slice %arg13[%scan3A_44, %dma_wait3A] : memref<16x128xi32, #tpu.memory_space<vmem>> -> memref<1x128xi32, #tpu.memory_space<vmem>>
        %dma_wait3A_345 = tpu.memref_squeeze %dma_wait3A_344 : memref<1x128xi32, #tpu.memory_space<vmem>> -> memref<128xi32, #tpu.memory_space<vmem>>
        %dma_wait3A_346 = arith.constant 0 : i32
        %dma_wait3A_347 = arith.constant 0 : i32
        %dma_wait3A_348 = tpu.memref_slice %arg2[%dma_wait3A_346, %dma_wait3A_347] : memref<10016x128xf32, #tpu.memory_space<hbm>> -> memref<10016x128xf32, #tpu.memory_space<hbm>>
        tpu.wait_indirect_dma semaphore(%arg18 : memref<!tpu.dma_semaphore, #tpu.memory_space<semaphore_mem>>) src(%dma_wait3A_348 : memref<10016x128xf32, #tpu.memory_space<hbm>>) dst(%arg17 : memref<128x128xf32, #tpu.memory_space<vmem>>)
        %scan3A_349 = arith.constant 0 : i32
        %scan3A_350 = arith.constant 0 : i32
        %scan3A_351 = arith.constant 32 : i32
        %scan3A_352 = arith.addi %scan3A_350, %scan3A_351 : i32
        %scan3A_353 = arith.constant 1 : i32
        scf.for %scan3A_367 = %scan3A_350 to %scan3A_352 step %scan3A_353  : i32 {
          %mul3A_368 = arith.constant 4 : i32
          %mul3A_369 = arith.muli %scan3A_367, %mul3A_368 : i32
          %add3A_370 = arith.constant 0 : i32
          %add3A_371 = arith.addi %mul3A_369, %add3A_370 : i32
          %get3A_372 = arith.index_cast %add3A_371 : i32 to index
          %get3A_373 = tpu.vector_load %arg15[%get3A_372] {strides = array<i32>} : memref<144xf32, #tpu.memory_space<vmem>>, vector<16xf32>,
          %slice3A = vector.extract_strided_slice %get3A_373 {offsets = [0], sizes = [1], strides = [1]} : vector<16xf32> to vector<1xf32>
          %squeeze3A = vector.extract %slice3A[0] : f32 from vector<1xf32>
          %get3A_374 = arith.index_cast %add3A_371 : i32 to index
          %get3A_375 = arith.constant 0 : index
          %get3A_376 = tpu.vector_load %arg17[%get3A_374, %get3A_375] {strides = array<i32>} : memref<128x128xf32, #tpu.memory_space<vmem>>, vector<16xf32>,
          %mul3A_377 = vector.broadcast %squeeze3A : f32 to vector<16xf32>
          %mul3A_378 = arith.mulf %get3A_376, %mul3A_377 : vector<16xf32>
          %swap3A_379 = arith.index_cast %add3A_371 : i32 to index
          %swap3A_380 = arith.constant 0 : index
          %swap3A_381 = tpu.vector_load %arg17[%swap3A_379, %swap3A_380] {strides = array<i32>} : memref<128x128xf32, #tpu.memory_space<vmem>>, vector<16xf32>,
          tpu.vector_store %arg17[%swap3A_379, %swap3A_380], %mul3A_378 {strides = array<i32>} : memref<128x128xf32, #tpu.memory_space<vmem>>, vector<16xf32>,
          %get3A_382 = arith.index_cast %add3A_371 : i32 to index
          %get3A_383 = arith.constant 16 : index
          %get3A_384 = tpu.vector_load %arg17[%get3A_382, %get3A_383] {strides = array<i32>} : memref<128x128xf32, #tpu.memory_space<vmem>>, vector<16xf32>,
          %mul3A_385 = vector.broadcast %squeeze3A : f32 to vector<16xf32>
          %mul3A_386 = arith.mulf %get3A_384, %mul3A_385 : vector<16xf32>
          %swap3A_387 = arith.index_cast %add3A_371 : i32 to index
          %swap3A_388 = arith.constant 16 : index
          %swap3A_389 = tpu.vector_load %arg17[%swap3A_387, %swap3A_388] {strides = array<i32>} : memref<128x128xf32, #tpu.memory_space<vmem>>, vector<16xf32>,
          tpu.vector_store %arg17[%swap3A_387, %swap3A_388], %mul3A_386 {strides = array<i32>} : memref<128x128xf32, #tpu.memory_space<vmem>>, vector<16xf32>,
          %get3A_390 = arith.index_cast %add3A_371 : i32 to index
          %get3A_391 = arith.constant 32 : index
          %get3A_392 = tpu.vector_load %arg17[%get3A_390, %get3A_391] {strides = array<i32>} : memref<128x128xf32, #tpu.memory_space<vmem>>, vector<16xf32>,
          %mul3A_393 = vector.broadcast %squeeze3A : f32 to vector<16xf32>
          %mul3A_394 = arith.mulf %get3A_392, %mul3A_393 : vector<16xf32>
          %swap3A_395 = arith.index_cast %add3A_371 : i32 to index
          %swap3A_396 = arith.constant 32 : index
          %swap3A_397 = tpu.vector_load %arg17[%swap3A_395, %swap3A_396] {strides = array<i32>} : memref<128x128xf32, #tpu.memory_space<vmem>>, vector<16xf32>,
          tpu.vector_store %arg17[%swap3A_395, %swap3A_396], %mul3A_394 {strides = array<i32>} : memref<128x128xf32, #tpu.memory_space<vmem>>, vector<16xf32>,
          %get3A_398 = arith.index_cast %add3A_371 : i32 to index
          %get3A_399 = arith.constant 48 : index
          %get3A_400 = tpu.vector_load %arg17[%get3A_398, %get3A_399] {strides = array<i32>} : memref<128x128xf32, #tpu.memory_space<vmem>>, vector<16xf32>,
          %mul3A_401 = vector.broadcast %squeeze3A : f32 to vector<16xf32>
          %mul3A_402 = arith.mulf %get3A_400, %mul3A_401 : vector<16xf32>
          %swap3A_403 = arith.index_cast %add3A_371 : i32 to index
          %swap3A_404 = arith.constant 48 : index
          %swap3A_405 = tpu.vector_load %arg17[%swap3A_403, %swap3A_404] {strides = array<i32>} : memref<128x128xf32, #tpu.memory_space<vmem>>, vector<16xf32>,
          tpu.vector_store %arg17[%swap3A_403, %swap3A_404], %mul3A_402 {strides = array<i32>} : memref<128x128xf32, #tpu.memory_space<vmem>>, vector<16xf32>,
          %get3A_406 = arith.index_cast %add3A_371 : i32 to index
          %get3A_407 = arith.constant 64 : index
          %get3A_408 = tpu.vector_load %arg17[%get3A_406, %get3A_407] {strides = array<i32>} : memref<128x128xf32, #tpu.memory_space<vmem>>, vector<16xf32>,
          %mul3A_409 = vector.broadcast %squeeze3A : f32 to vector<16xf32>
          %mul3A_410 = arith.mulf %get3A_408, %mul3A_409 : vector<16xf32>
          %swap3A_411 = arith.index_cast %add3A_371 : i32 to index
          %swap3A_412 = arith.constant 64 : index
          %swap3A_413 = tpu.vector_load %arg17[%swap3A_411, %swap3A_412] {strides = array<i32>} : memref<128x128xf32, #tpu.memory_space<vmem>>, vector<16xf32>,
          tpu.vector_store %arg17[%swap3A_411, %swap3A_412], %mul3A_410 {strides = array<i32>} : memref<128x128xf32, #tpu.memory_space<vmem>>, vector<16xf32>,
          %get3A_414 = arith.index_cast %add3A_371 : i32 to index
          %get3A_415 = arith.constant 80 : index
          %get3A_416 = tpu.vector_load %arg17[%get3A_414, %get3A_415] {strides = array<i32>} : memref<128x128xf32, #tpu.memory_space<vmem>>, vector<16xf32>,
          %mul3A_417 = vector.broadcast %squeeze3A : f32 to vector<16xf32>
          %mul3A_418 = arith.mulf %get3A_416, %mul3A_417 : vector<16xf32>
          %swap3A_419 = arith.index_cast %add3A_371 : i32 to index
          %swap3A_420 = arith.constant 80 : index
          %swap3A_421 = tpu.vector_load %arg17[%swap3A_419, %swap3A_420] {strides = array<i32>} : memref<128x128xf32, #tpu.memory_space<vmem>>, vector<16xf32>,
          tpu.vector_store %arg17[%swap3A_419, %swap3A_420], %mul3A_418 {strides = array<i32>} : memref<128x128xf32, #tpu.memory_space<vmem>>, vector<16xf32>,
          %get3A_422 = arith.index_cast %add3A_371 : i32 to index
          %get3A_423 = arith.constant 96 : index
          %get3A_424 = tpu.vector_load %arg17[%get3A_422, %get3A_423] {strides = array<i32>} : memref<128x128xf32, #tpu.memory_space<vmem>>, vector<16xf32>,
          %mul3A_425 = vector.broadcast %squeeze3A : f32 to vector<16xf32>
          %mul3A_426 = arith.mulf %get3A_424, %mul3A_425 : vector<16xf32>
          %swap3A_427 = arith.index_cast %add3A_371 : i32 to index
          %swap3A_428 = arith.constant 96 : index
          %swap3A_429 = tpu.vector_load %arg17[%swap3A_427, %swap3A_428] {strides = array<i32>} : memref<128x128xf32, #tpu.memory_space<vmem>>, vector<16xf32>,
          tpu.vector_store %arg17[%swap3A_427, %swap3A_428], %mul3A_426 {strides = array<i32>} : memref<128x128xf32, #tpu.memory_space<vmem>>, vector<16xf32>,
          %get3A_430 = arith.index_cast %add3A_371 : i32 to index
          %get3A_431 = arith.constant 112 : index
          %get3A_432 = tpu.vector_load %arg17[%get3A_430, %get3A_431] {strides = array<i32>} : memref<128x128xf32, #tpu.memory_space<vmem>>, vector<16xf32>,
          %mul3A_433 = vector.broadcast %squeeze3A : f32 to vector<16xf32>
          %mul3A_434 = arith.mulf %get3A_432, %mul3A_433 : vector<16xf32>
          %swap3A_435 = arith.index_cast %add3A_371 : i32 to index
          %swap3A_436 = arith.constant 112 : index
          %swap3A_437 = tpu.vector_load %arg17[%swap3A_435, %swap3A_436] {strides = array<i32>} : memref<128x128xf32, #tpu.memory_space<vmem>>, vector<16xf32>,
          tpu.vector_store %arg17[%swap3A_435, %swap3A_436], %mul3A_434 {strides = array<i32>} : memref<128x128xf32, #tpu.memory_space<vmem>>, vector<16xf32>,
          %mul3A_438 = arith.constant 4 : i32
          %mul3A_439 = arith.muli %scan3A_367, %mul3A_438 : i32
          %add3A_440 = arith.constant 1 : i32
          %add3A_441 = arith.addi %mul3A_439, %add3A_440 : i32
          %get3A_442 = arith.index_cast %add3A_441 : i32 to index
          %get3A_443 = tpu.vector_load %arg15[%get3A_442] {strides = array<i32>} : memref<144xf32, #tpu.memory_space<vmem>>, vector<16xf32>,
          %slice3A_444 = vector.extract_strided_slice %get3A_443 {offsets = [0], sizes = [1], strides = [1]} : vector<16xf32> to vector<1xf32>
          %squeeze3A_445 = vector.extract %slice3A_444[0] : f32 from vector<1xf32>
          %get3A_446 = arith.index_cast %add3A_441 : i32 to index
          %get3A_447 = arith.constant 0 : index
          %get3A_448 = tpu.vector_load %arg17[%get3A_446, %get3A_447] {strides = array<i32>} : memref<128x128xf32, #tpu.memory_space<vmem>>, vector<16xf32>,
          %mul3A_449 = vector.broadcast %squeeze3A_445 : f32 to vector<16xf32>
          %mul3A_450 = arith.mulf %get3A_448, %mul3A_449 : vector<16xf32>
          %swap3A_451 = arith.index_cast %add3A_441 : i32 to index
          %swap3A_452 = arith.constant 0 : index
          %swap3A_453 = tpu.vector_load %arg17[%swap3A_451, %swap3A_452] {strides = array<i32>} : memref<128x128xf32, #tpu.memory_space<vmem>>, vector<16xf32>,
          tpu.vector_store %arg17[%swap3A_451, %swap3A_452], %mul3A_450 {strides = array<i32>} : memref<128x128xf32, #tpu.memory_space<vmem>>, vector<16xf32>,
          %get3A_454 = arith.index_cast %add3A_441 : i32 to index
          %get3A_455 = arith.constant 16 : index
          %get3A_456 = tpu.vector_load %arg17[%get3A_454, %get3A_455] {strides = array<i32>} : memref<128x128xf32, #tpu.memory_space<vmem>>, vector<16xf32>,
          %mul3A_457 = vector.broadcast %squeeze3A_445 : f32 to vector<16xf32>
          %mul3A_458 = arith.mulf %get3A_456, %mul3A_457 : vector<16xf32>
          %swap3A_459 = arith.index_cast %add3A_441 : i32 to index
          %swap3A_460 = arith.constant 16 : index
          %swap3A_461 = tpu.vector_load %arg17[%swap3A_459, %swap3A_460] {strides = array<i32>} : memref<128x128xf32, #tpu.memory_space<vmem>>, vector<16xf32>,
          tpu.vector_store %arg17[%swap3A_459, %swap3A_460], %mul3A_458 {strides = array<i32>} : memref<128x128xf32, #tpu.memory_space<vmem>>, vector<16xf32>,
          %get3A_462 = arith.index_cast %add3A_441 : i32 to index
          %get3A_463 = arith.constant 32 : index
          %get3A_464 = tpu.vector_load %arg17[%get3A_462, %get3A_463] {strides = array<i32>} : memref<128x128xf32, #tpu.memory_space<vmem>>, vector<16xf32>,
          %mul3A_465 = vector.broadcast %squeeze3A_445 : f32 to vector<16xf32>
          %mul3A_466 = arith.mulf %get3A_464, %mul3A_465 : vector<16xf32>
          %swap3A_467 = arith.index_cast %add3A_441 : i32 to index
          %swap3A_468 = arith.constant 32 : index
          %swap3A_469 = tpu.vector_load %arg17[%swap3A_467, %swap3A_468] {strides = array<i32>} : memref<128x128xf32, #tpu.memory_space<vmem>>, vector<16xf32>,
          tpu.vector_store %arg17[%swap3A_467, %swap3A_468], %mul3A_466 {strides = array<i32>} : memref<128x128xf32, #tpu.memory_space<vmem>>, vector<16xf32>,
          %get3A_470 = arith.index_cast %add3A_441 : i32 to index
          %get3A_471 = arith.constant 48 : index
          %get3A_472 = tpu.vector_load %arg17[%get3A_470, %get3A_471] {strides = array<i32>} : memref<128x128xf32, #tpu.memory_space<vmem>>, vector<16xf32>,
          %mul3A_473 = vector.broadcast %squeeze3A_445 : f32 to vector<16xf32>
          %mul3A_474 = arith.mulf %get3A_472, %mul3A_473 : vector<16xf32>
          %swap3A_475 = arith.index_cast %add3A_441 : i32 to index
          %swap3A_476 = arith.constant 48 : index
          %swap3A_477 = tpu.vector_load %arg17[%swap3A_475, %swap3A_476] {strides = array<i32>} : memref<128x128xf32, #tpu.memory_space<vmem>>, vector<16xf32>,
          tpu.vector_store %arg17[%swap3A_475, %swap3A_476], %mul3A_474 {strides = array<i32>} : memref<128x128xf32, #tpu.memory_space<vmem>>, vector<16xf32>,
          %get3A_478 = arith.index_cast %add3A_441 : i32 to index
          %get3A_479 = arith.constant 64 : index
          %get3A_480 = tpu.vector_load %arg17[%get3A_478, %get3A_479] {strides = array<i32>} : memref<128x128xf32, #tpu.memory_space<vmem>>, vector<16xf32>,
          %mul3A_481 = vector.broadcast %squeeze3A_445 : f32 to vector<16xf32>
          %mul3A_482 = arith.mulf %get3A_480, %mul3A_481 : vector<16xf32>
          %swap3A_483 = arith.index_cast %add3A_441 : i32 to index
          %swap3A_484 = arith.constant 64 : index
          %swap3A_485 = tpu.vector_load %arg17[%swap3A_483, %swap3A_484] {strides = array<i32>} : memref<128x128xf32, #tpu.memory_space<vmem>>, vector<16xf32>,
          tpu.vector_store %arg17[%swap3A_483, %swap3A_484], %mul3A_482 {strides = array<i32>} : memref<128x128xf32, #tpu.memory_space<vmem>>, vector<16xf32>,
          %get3A_486 = arith.index_cast %add3A_441 : i32 to index
          %get3A_487 = arith.constant 80 : index
          %get3A_488 = tpu.vector_load %arg17[%get3A_486, %get3A_487] {strides = array<i32>} : memref<128x128xf32, #tpu.memory_space<vmem>>, vector<16xf32>,
          %mul3A_489 = vector.broadcast %squeeze3A_445 : f32 to vector<16xf32>
          %mul3A_490 = arith.mulf %get3A_488, %mul3A_489 : vector<16xf32>
          %swap3A_491 = arith.index_cast %add3A_441 : i32 to index
          %swap3A_492 = arith.constant 80 : index
          %swap3A_493 = tpu.vector_load %arg17[%swap3A_491, %swap3A_492] {strides = array<i32>} : memref<128x128xf32, #tpu.memory_space<vmem>>, vector<16xf32>,
          tpu.vector_store %arg17[%swap3A_491, %swap3A_492], %mul3A_490 {strides = array<i32>} : memref<128x128xf32, #tpu.memory_space<vmem>>, vector<16xf32>,
          %get3A_494 = arith.index_cast %add3A_441 : i32 to index
          %get3A_495 = arith.constant 96 : index
          %get3A_496 = tpu.vector_load %arg17[%get3A_494, %get3A_495] {strides = array<i32>} : memref<128x128xf32, #tpu.memory_space<vmem>>, vector<16xf32>,
          %mul3A_497 = vector.broadcast %squeeze3A_445 : f32 to vector<16xf32>
          %mul3A_498 = arith.mulf %get3A_496, %mul3A_497 : vector<16xf32>
          %swap3A_499 = arith.index_cast %add3A_441 : i32 to index
          %swap3A_500 = arith.constant 96 : index
          %swap3A_501 = tpu.vector_load %arg17[%swap3A_499, %swap3A_500] {strides = array<i32>} : memref<128x128xf32, #tpu.memory_space<vmem>>, vector<16xf32>,
          tpu.vector_store %arg17[%swap3A_499, %swap3A_500], %mul3A_498 {strides = array<i32>} : memref<128x128xf32, #tpu.memory_space<vmem>>, vector<16xf32>,
          %get3A_502 = arith.index_cast %add3A_441 : i32 to index
          %get3A_503 = arith.constant 112 : index
          %get3A_504 = tpu.vector_load %arg17[%get3A_502, %get3A_503] {strides = array<i32>} : memref<128x128xf32, #tpu.memory_space<vmem>>, vector<16xf32>,
          %mul3A_505 = vector.broadcast %squeeze3A_445 : f32 to vector<16xf32>
          %mul3A_506 = arith.mulf %get3A_504, %mul3A_505 : vector<16xf32>
          %swap3A_507 = arith.index_cast %add3A_441 : i32 to index
          %swap3A_508 = arith.constant 112 : index
          %swap3A_509 = tpu.vector_load %arg17[%swap3A_507, %swap3A_508] {strides = array<i32>} : memref<128x128xf32, #tpu.memory_space<vmem>>, vector<16xf32>,
          tpu.vector_store %arg17[%swap3A_507, %swap3A_508], %mul3A_506 {strides = array<i32>} : memref<128x128xf32, #tpu.memory_space<vmem>>, vector<16xf32>,
          %mul3A_510 = arith.constant 4 : i32
          %mul3A_511 = arith.muli %scan3A_367, %mul3A_510 : i32
          %add3A_512 = arith.constant 2 : i32
          %add3A_513 = arith.addi %mul3A_511, %add3A_512 : i32
          %get3A_514 = arith.index_cast %add3A_513 : i32 to index
          %get3A_515 = tpu.vector_load %arg15[%get3A_514] {strides = array<i32>} : memref<144xf32, #tpu.memory_space<vmem>>, vector<16xf32>,
          %slice3A_516 = vector.extract_strided_slice %get3A_515 {offsets = [0], sizes = [1], strides = [1]} : vector<16xf32> to vector<1xf32>
          %squeeze3A_517 = vector.extract %slice3A_516[0] : f32 from vector<1xf32>
          %get3A_518 = arith.index_cast %add3A_513 : i32 to index
          %get3A_519 = arith.constant 0 : index
          %get3A_520 = tpu.vector_load %arg17[%get3A_518, %get3A_519] {strides = array<i32>} : memref<128x128xf32, #tpu.memory_space<vmem>>, vector<16xf32>,
          %mul3A_521 = vector.broadcast %squeeze3A_517 : f32 to vector<16xf32>
          %mul3A_522 = arith.mulf %get3A_520, %mul3A_521 : vector<16xf32>
          %swap3A_523 = arith.index_cast %add3A_513 : i32 to index
          %swap3A_524 = arith.constant 0 : index
          %swap3A_525 = tpu.vector_load %arg17[%swap3A_523, %swap3A_524] {strides = array<i32>} : memref<128x128xf32, #tpu.memory_space<vmem>>, vector<16xf32>,
          tpu.vector_store %arg17[%swap3A_523, %swap3A_524], %mul3A_522 {strides = array<i32>} : memref<128x128xf32, #tpu.memory_space<vmem>>, vector<16xf32>,
          %get3A_526 = arith.index_cast %add3A_513 : i32 to index
          %get3A_527 = arith.constant 16 : index
          %get3A_528 = tpu.vector_load %arg17[%get3A_526, %get3A_527] {strides = array<i32>} : memref<128x128xf32, #tpu.memory_space<vmem>>, vector<16xf32>,
          %mul3A_529 = vector.broadcast %squeeze3A_517 : f32 to vector<16xf32>
          %mul3A_530 = arith.mulf %get3A_528, %mul3A_529 : vector<16xf32>
          %swap3A_531 = arith.index_cast %add3A_513 : i32 to index
          %swap3A_532 = arith.constant 16 : index
          %swap3A_533 = tpu.vector_load %arg17[%swap3A_531, %swap3A_532] {strides = array<i32>} : memref<128x128xf32, #tpu.memory_space<vmem>>, vector<16xf32>,
          tpu.vector_store %arg17[%swap3A_531, %swap3A_532], %mul3A_530 {strides = array<i32>} : memref<128x128xf32, #tpu.memory_space<vmem>>, vector<16xf32>,
          %get3A_534 = arith.index_cast %add3A_513 : i32 to index
          %get3A_535 = arith.constant 32 : index
          %get3A_536 = tpu.vector_load %arg17[%get3A_534, %get3A_535] {strides = array<i32>} : memref<128x128xf32, #tpu.memory_space<vmem>>, vector<16xf32>,
          %mul3A_537 = vector.broadcast %squeeze3A_517 : f32 to vector<16xf32>
          %mul3A_538 = arith.mulf %get3A_536, %mul3A_537 : vector<16xf32>
          %swap3A_539 = arith.index_cast %add3A_513 : i32 to index
          %swap3A_540 = arith.constant 32 : index
          %swap3A_541 = tpu.vector_load %arg17[%swap3A_539, %swap3A_540] {strides = array<i32>} : memref<128x128xf32, #tpu.memory_space<vmem>>, vector<16xf32>,
          tpu.vector_store %arg17[%swap3A_539, %swap3A_540], %mul3A_538 {strides = array<i32>} : memref<128x128xf32, #tpu.memory_space<vmem>>, vector<16xf32>,
          %get3A_542 = arith.index_cast %add3A_513 : i32 to index
          %get3A_543 = arith.constant 48 : index
          %get3A_544 = tpu.vector_load %arg17[%get3A_542, %get3A_543] {strides = array<i32>} : memref<128x128xf32, #tpu.memory_space<vmem>>, vector<16xf32>,
          %mul3A_545 = vector.broadcast %squeeze3A_517 : f32 to vector<16xf32>
          %mul3A_546 = arith.mulf %get3A_544, %mul3A_545 : vector<16xf32>
          %swap3A_547 = arith.index_cast %add3A_513 : i32 to index
          %swap3A_548 = arith.constant 48 : index
          %swap3A_549 = tpu.vector_load %arg17[%swap3A_547, %swap3A_548] {strides = array<i32>} : memref<128x128xf32, #tpu.memory_space<vmem>>, vector<16xf32>,
          tpu.vector_store %arg17[%swap3A_547, %swap3A_548], %mul3A_546 {strides = array<i32>} : memref<128x128xf32, #tpu.memory_space<vmem>>, vector<16xf32>,
          %get3A_550 = arith.index_cast %add3A_513 : i32 to index
          %get3A_551 = arith.constant 64 : index
          %get3A_552 = tpu.vector_load %arg17[%get3A_550, %get3A_551] {strides = array<i32>} : memref<128x128xf32, #tpu.memory_space<vmem>>, vector<16xf32>,
          %mul3A_553 = vector.broadcast %squeeze3A_517 : f32 to vector<16xf32>
          %mul3A_554 = arith.mulf %get3A_552, %mul3A_553 : vector<16xf32>
          %swap3A_555 = arith.index_cast %add3A_513 : i32 to index
          %swap3A_556 = arith.constant 64 : index
          %swap3A_557 = tpu.vector_load %arg17[%swap3A_555, %swap3A_556] {strides = array<i32>} : memref<128x128xf32, #tpu.memory_space<vmem>>, vector<16xf32>,
          tpu.vector_store %arg17[%swap3A_555, %swap3A_556], %mul3A_554 {strides = array<i32>} : memref<128x128xf32, #tpu.memory_space<vmem>>, vector<16xf32>,
          %get3A_558 = arith.index_cast %add3A_513 : i32 to index
          %get3A_559 = arith.constant 80 : index
          %get3A_560 = tpu.vector_load %arg17[%get3A_558, %get3A_559] {strides = array<i32>} : memref<128x128xf32, #tpu.memory_space<vmem>>, vector<16xf32>,
          %mul3A_561 = vector.broadcast %squeeze3A_517 : f32 to vector<16xf32>
          %mul3A_562 = arith.mulf %get3A_560, %mul3A_561 : vector<16xf32>
          %swap3A_563 = arith.index_cast %add3A_513 : i32 to index
          %swap3A_564 = arith.constant 80 : index
          %swap3A_565 = tpu.vector_load %arg17[%swap3A_563, %swap3A_564] {strides = array<i32>} : memref<128x128xf32, #tpu.memory_space<vmem>>, vector<16xf32>,
          tpu.vector_store %arg17[%swap3A_563, %swap3A_564], %mul3A_562 {strides = array<i32>} : memref<128x128xf32, #tpu.memory_space<vmem>>, vector<16xf32>,
          %get3A_566 = arith.index_cast %add3A_513 : i32 to index
          %get3A_567 = arith.constant 96 : index
          %get3A_568 = tpu.vector_load %arg17[%get3A_566, %get3A_567] {strides = array<i32>} : memref<128x128xf32, #tpu.memory_space<vmem>>, vector<16xf32>,
          %mul3A_569 = vector.broadcast %squeeze3A_517 : f32 to vector<16xf32>
          %mul3A_570 = arith.mulf %get3A_568, %mul3A_569 : vector<16xf32>
          %swap3A_571 = arith.index_cast %add3A_513 : i32 to index
          %swap3A_572 = arith.constant 96 : index
          %swap3A_573 = tpu.vector_load %arg17[%swap3A_571, %swap3A_572] {strides = array<i32>} : memref<128x128xf32, #tpu.memory_space<vmem>>, vector<16xf32>,
          tpu.vector_store %arg17[%swap3A_571, %swap3A_572], %mul3A_570 {strides = array<i32>} : memref<128x128xf32, #tpu.memory_space<vmem>>, vector<16xf32>,
          %get3A_574 = arith.index_cast %add3A_513 : i32 to index
          %get3A_575 = arith.constant 112 : index
          %get3A_576 = tpu.vector_load %arg17[%get3A_574, %get3A_575] {strides = array<i32>} : memref<128x128xf32, #tpu.memory_space<vmem>>, vector<16xf32>,
          %mul3A_577 = vector.broadcast %squeeze3A_517 : f32 to vector<16xf32>
          %mul3A_578 = arith.mulf %get3A_576, %mul3A_577 : vector<16xf32>
          %swap3A_579 = arith.index_cast %add3A_513 : i32 to index
          %swap3A_580 = arith.constant 112 : index
          %swap3A_581 = tpu.vector_load %arg17[%swap3A_579, %swap3A_580] {strides = array<i32>} : memref<128x128xf32, #tpu.memory_space<vmem>>, vector<16xf32>,
          tpu.vector_store %arg17[%swap3A_579, %swap3A_580], %mul3A_578 {strides = array<i32>} : memref<128x128xf32, #tpu.memory_space<vmem>>, vector<16xf32>,
          %mul3A_582 = arith.constant 4 : i32
          %mul3A_583 = arith.muli %scan3A_367, %mul3A_582 : i32
          %add3A_584 = arith.constant 3 : i32
          %add3A_585 = arith.addi %mul3A_583, %add3A_584 : i32
          %get3A_586 = arith.index_cast %add3A_585 : i32 to index
          %get3A_587 = tpu.vector_load %arg15[%get3A_586] {strides = array<i32>} : memref<144xf32, #tpu.memory_space<vmem>>, vector<16xf32>,
          %slice3A_588 = vector.extract_strided_slice %get3A_587 {offsets = [0], sizes = [1], strides = [1]} : vector<16xf32> to vector<1xf32>
          %squeeze3A_589 = vector.extract %slice3A_588[0] : f32 from vector<1xf32>
          %get3A_590 = arith.index_cast %add3A_585 : i32 to index
          %get3A_591 = arith.constant 0 : index
          %get3A_592 = tpu.vector_load %arg17[%get3A_590, %get3A_591] {strides = array<i32>} : memref<128x128xf32, #tpu.memory_space<vmem>>, vector<16xf32>,
          %mul3A_593 = vector.broadcast %squeeze3A_589 : f32 to vector<16xf32>
          %mul3A_594 = arith.mulf %get3A_592, %mul3A_593 : vector<16xf32>
          %swap3A_595 = arith.index_cast %add3A_585 : i32 to index
          %swap3A_596 = arith.constant 0 : index
          %swap3A_597 = tpu.vector_load %arg17[%swap3A_595, %swap3A_596] {strides = array<i32>} : memref<128x128xf32, #tpu.memory_space<vmem>>, vector<16xf32>,
          tpu.vector_store %arg17[%swap3A_595, %swap3A_596], %mul3A_594 {strides = array<i32>} : memref<128x128xf32, #tpu.memory_space<vmem>>, vector<16xf32>,
          %get3A_598 = arith.index_cast %add3A_585 : i32 to index
          %get3A_599 = arith.constant 16 : index
          %get3A_600 = tpu.vector_load %arg17[%get3A_598, %get3A_599] {strides = array<i32>} : memref<128x128xf32, #tpu.memory_space<vmem>>, vector<16xf32>,
          %mul3A_601 = vector.broadcast %squeeze3A_589 : f32 to vector<16xf32>
          %mul3A_602 = arith.mulf %get3A_600, %mul3A_601 : vector<16xf32>
          %swap3A_603 = arith.index_cast %add3A_585 : i32 to index
          %swap3A_604 = arith.constant 16 : index
          %swap3A_605 = tpu.vector_load %arg17[%swap3A_603, %swap3A_604] {strides = array<i32>} : memref<128x128xf32, #tpu.memory_space<vmem>>, vector<16xf32>,
          tpu.vector_store %arg17[%swap3A_603, %swap3A_604], %mul3A_602 {strides = array<i32>} : memref<128x128xf32, #tpu.memory_space<vmem>>, vector<16xf32>,
          %get3A_606 = arith.index_cast %add3A_585 : i32 to index
          %get3A_607 = arith.constant 32 : index
          %get3A_608 = tpu.vector_load %arg17[%get3A_606, %get3A_607] {strides = array<i32>} : memref<128x128xf32, #tpu.memory_space<vmem>>, vector<16xf32>,
          %mul3A_609 = vector.broadcast %squeeze3A_589 : f32 to vector<16xf32>
          %mul3A_610 = arith.mulf %get3A_608, %mul3A_609 : vector<16xf32>
          %swap3A_611 = arith.index_cast %add3A_585 : i32 to index
          %swap3A_612 = arith.constant 32 : index
          %swap3A_613 = tpu.vector_load %arg17[%swap3A_611, %swap3A_612] {strides = array<i32>} : memref<128x128xf32, #tpu.memory_space<vmem>>, vector<16xf32>,
          tpu.vector_store %arg17[%swap3A_611, %swap3A_612], %mul3A_610 {strides = array<i32>} : memref<128x128xf32, #tpu.memory_space<vmem>>, vector<16xf32>,
          %get3A_614 = arith.index_cast %add3A_585 : i32 to index
          %get3A_615 = arith.constant 48 : index
          %get3A_616 = tpu.vector_load %arg17[%get3A_614, %get3A_615] {strides = array<i32>} : memref<128x128xf32, #tpu.memory_space<vmem>>, vector<16xf32>,
          %mul3A_617 = vector.broadcast %squeeze3A_589 : f32 to vector<16xf32>
          %mul3A_618 = arith.mulf %get3A_616, %mul3A_617 : vector<16xf32>
          %swap3A_619 = arith.index_cast %add3A_585 : i32 to index
          %swap3A_620 = arith.constant 48 : index
          %swap3A_621 = tpu.vector_load %arg17[%swap3A_619, %swap3A_620] {strides = array<i32>} : memref<128x128xf32, #tpu.memory_space<vmem>>, vector<16xf32>,
          tpu.vector_store %arg17[%swap3A_619, %swap3A_620], %mul3A_618 {strides = array<i32>} : memref<128x128xf32, #tpu.memory_space<vmem>>, vector<16xf32>,
          %get3A_622 = arith.index_cast %add3A_585 : i32 to index
          %get3A_623 = arith.constant 64 : index
          %get3A_624 = tpu.vector_load %arg17[%get3A_622, %get3A_623] {strides = array<i32>} : memref<128x128xf32, #tpu.memory_space<vmem>>, vector<16xf32>,
          %mul3A_625 = vector.broadcast %squeeze3A_589 : f32 to vector<16xf32>
          %mul3A_626 = arith.mulf %get3A_624, %mul3A_625 : vector<16xf32>
          %swap3A_627 = arith.index_cast %add3A_585 : i32 to index
          %swap3A_628 = arith.constant 64 : index
          %swap3A_629 = tpu.vector_load %arg17[%swap3A_627, %swap3A_628] {strides = array<i32>} : memref<128x128xf32, #tpu.memory_space<vmem>>, vector<16xf32>,
          tpu.vector_store %arg17[%swap3A_627, %swap3A_628], %mul3A_626 {strides = array<i32>} : memref<128x128xf32, #tpu.memory_space<vmem>>, vector<16xf32>,
          %get3A_630 = arith.index_cast %add3A_585 : i32 to index
          %get3A_631 = arith.constant 80 : index
          %get3A_632 = tpu.vector_load %arg17[%get3A_630, %get3A_631] {strides = array<i32>} : memref<128x128xf32, #tpu.memory_space<vmem>>, vector<16xf32>,
          %mul3A_633 = vector.broadcast %squeeze3A_589 : f32 to vector<16xf32>
          %mul3A_634 = arith.mulf %get3A_632, %mul3A_633 : vector<16xf32>
          %swap3A_635 = arith.index_cast %add3A_585 : i32 to index
          %swap3A_636 = arith.constant 80 : index
          %swap3A_637 = tpu.vector_load %arg17[%swap3A_635, %swap3A_636] {strides = array<i32>} : memref<128x128xf32, #tpu.memory_space<vmem>>, vector<16xf32>,
          tpu.vector_store %arg17[%swap3A_635, %swap3A_636], %mul3A_634 {strides = array<i32>} : memref<128x128xf32, #tpu.memory_space<vmem>>, vector<16xf32>,
          %get3A_638 = arith.index_cast %add3A_585 : i32 to index
          %get3A_639 = arith.constant 96 : index
          %get3A_640 = tpu.vector_load %arg17[%get3A_638, %get3A_639] {strides = array<i32>} : memref<128x128xf32, #tpu.memory_space<vmem>>, vector<16xf32>,
          %mul3A_641 = vector.broadcast %squeeze3A_589 : f32 to vector<16xf32>
          %mul3A_642 = arith.mulf %get3A_640, %mul3A_641 : vector<16xf32>
          %swap3A_643 = arith.index_cast %add3A_585 : i32 to index
          %swap3A_644 = arith.constant 96 : index
          %swap3A_645 = tpu.vector_load %arg17[%swap3A_643, %swap3A_644] {strides = array<i32>} : memref<128x128xf32, #tpu.memory_space<vmem>>, vector<16xf32>,
          tpu.vector_store %arg17[%swap3A_643, %swap3A_644], %mul3A_642 {strides = array<i32>} : memref<128x128xf32, #tpu.memory_space<vmem>>, vector<16xf32>,
          %get3A_646 = arith.index_cast %add3A_585 : i32 to index
          %get3A_647 = arith.constant 112 : index
          %get3A_648 = tpu.vector_load %arg17[%get3A_646, %get3A_647] {strides = array<i32>} : memref<128x128xf32, #tpu.memory_space<vmem>>, vector<16xf32>,
          %mul3A_649 = vector.broadcast %squeeze3A_589 : f32 to vector<16xf32>
          %mul3A_650 = arith.mulf %get3A_648, %mul3A_649 : vector<16xf32>
          %swap3A_651 = arith.index_cast %add3A_585 : i32 to index
          %swap3A_652 = arith.constant 112 : index
          %swap3A_653 = tpu.vector_load %arg17[%swap3A_651, %swap3A_652] {strides = array<i32>} : memref<128x128xf32, #tpu.memory_space<vmem>>, vector<16xf32>,
          tpu.vector_store %arg17[%swap3A_651, %swap3A_652], %mul3A_650 {strides = array<i32>} : memref<128x128xf32, #tpu.memory_space<vmem>>, vector<16xf32>,
        }
        %scan3A_354 = arith.constant 32 : i32
        %dma_start3A_355 = arith.constant 0 : i32
        %dma_start3A_356 = tpu.memref_slice %arg14[%scan3A_44, %dma_start3A_355] : memref<16x128xi32, #tpu.memory_space<vmem>> -> memref<1x128xi32, #tpu.memory_space<vmem>>
        %dma_start3A_357 = tpu.memref_squeeze %dma_start3A_356 : memref<1x128xi32, #tpu.memory_space<vmem>> -> memref<128xi32, #tpu.memory_space<vmem>>
        %dma_start3A_358 = arith.constant 0 : i32
        %dma_start3A_359 = arith.constant 0 : i32
        %dma_start3A_360 = tpu.memref_slice %arg9[%dma_start3A_358, %dma_start3A_359] : memref<10016x128xf32, #tpu.memory_space<vmem_shared>> -> memref<10016x128xf32, #tpu.memory_space<vmem_shared>>
        tpu.enqueue_indirect_dma source(%arg17 : memref<128x128xf32, #tpu.memory_space<vmem>>) target(%dma_start3A_360 : memref<10016x128xf32, #tpu.memory_space<vmem_shared>>) offsets(%dma_start3A_357 : memref<128xi32, #tpu.memory_space<vmem>>) semaphore(%arg19 : memref<!tpu.dma_semaphore, #tpu.memory_space<semaphore_mem>>) {add = true}
        %dma_wait3A_361 = arith.constant 0 : i32
        %dma_wait3A_362 = tpu.memref_slice %arg14[%scan3A_44, %dma_wait3A_361] : memref<16x128xi32, #tpu.memory_space<vmem>> -> memref<1x128xi32, #tpu.memory_space<vmem>>
        %dma_wait3A_363 = tpu.memref_squeeze %dma_wait3A_362 : memref<1x128xi32, #tpu.memory_space<vmem>> -> memref<128xi32, #tpu.memory_space<vmem>>
        %dma_wait3A_364 = arith.constant 0 : i32
        %dma_wait3A_365 = arith.constant 0 : i32
        %dma_wait3A_366 = tpu.memref_slice %arg9[%dma_wait3A_364, %dma_wait3A_365] : memref<10016x128xf32, #tpu.memory_space<vmem_shared>> -> memref<10016x128xf32, #tpu.memory_space<vmem_shared>>
        tpu.wait_indirect_dma semaphore(%arg19 : memref<!tpu.dma_semaphore, #tpu.memory_space<semaphore_mem>>) src(%arg17 : memref<128x128xf32, #tpu.memory_space<vmem>>) dst(%dma_wait3A_366 : memref<10016x128xf32, #tpu.memory_space<vmem_shared>>)
      }
      %scan3A_43 = arith.constant 8 : i32
    }
    %scan3A_25 = arith.constant 11 : i32
    %barrier3A_26 = arith.constant 0 : index
    tpu.barrier barrier_id(%barrier3A_26)
    %eq3A_27 = arith.constant 0 : i32
    %eq3A_28 = arith.cmpi eq, %arg1, %eq3A_27 : i32
    %convert_element_type3A_29 = arith.extui %eq3A_28 : i1 to i32
    %cond3A_30 = arith.constant 0 : i32
    %cond3A_31 = arith.cmpi ne, %convert_element_type3A_29, %cond3A_30 : i32
    scf.if %cond3A_31 {
      "tpu.region"() ({
        %run_scoped3A = tpu.sem_alloc : memref<!tpu.dma_semaphore, #tpu.memory_space<semaphore_mem>>
        %dma_start3A = arith.constant 0 : i32
        %dma_start3A_32 = arith.constant 0 : i32
        %dma_start3A_33 = tpu.memref_slice %arg8[%arg0, %dma_start3A, %dma_start3A_32] : memref<2x10016x128xf32, #tpu.memory_space<hbm>> -> memref<1x10016x128xf32, #tpu.memory_space<hbm>>
        %dma_start3A_34 = tpu.memref_squeeze %dma_start3A_33 : memref<1x10016x128xf32, #tpu.memory_space<hbm>> -> memref<10016x128xf32, #tpu.memory_space<hbm>>
        tpu.enqueue_dma source(%arg9 : memref<10016x128xf32, #tpu.memory_space<vmem_shared>>) target(%dma_start3A_34 : memref<10016x128xf32, #tpu.memory_space<hbm>>) target_semaphore(%run_scoped3A : memref<!tpu.dma_semaphore, #tpu.memory_space<semaphore_mem>>)
        %dma_wait3A = arith.constant 0 : i32
        %dma_wait3A_35 = arith.constant 0 : i32
        %dma_wait3A_36 = tpu.memref_slice %arg8[%arg0, %dma_wait3A, %dma_wait3A_35] : memref<2x10016x128xf32, #tpu.memory_space<hbm>> -> memref<1x10016x128xf32, #tpu.memory_space<hbm>>
        %dma_wait3A_37 = tpu.memref_squeeze %dma_wait3A_36 : memref<1x10016x128xf32, #tpu.memory_space<hbm>> -> memref<10016x128xf32, #tpu.memory_space<hbm>>
        tpu.wait_dma2 semaphore(%run_scoped3A : memref<!tpu.dma_semaphore, #tpu.memory_space<semaphore_mem>>) src(%arg9 : memref<10016x128xf32, #tpu.memory_space<vmem_shared>>) dst(%dma_wait3A_37 : memref<10016x128xf32, #tpu.memory_space<hbm>>)
        tpu.yield
      }) : () -> ()
    } else {
    }
    return
  }
}

#map = affine_map<(d0, d1) -> (0, 0)>
#map1 = affine_map<(d0, d1) -> (0)>
#map2 = affine_map<(d0, d1) -> (0, 0, 0)>
module attributes {stable_mosaic.version = 14 : i64} {
  func.func @_gat_body(%arg0: i32, %arg1: i32, %arg2: memref<10016x128xf32, #tpu.memory_space<hbm>>, %arg3: memref<10016xi32, #tpu.memory_space<hbm>>, %arg4: memref<16x176x128xi32, #tpu.memory_space<hbm>>, %arg5: memref<16x176x128xi32, #tpu.memory_space<hbm>>, %arg6: memref<80x128xf32, #tpu.memory_space<hbm>>, %arg7: memref<10016x128xf32, #tpu.memory_space<hbm>>, %arg8: memref<2x10016x128xf32, #tpu.memory_space<hbm>>, %arg9: memref<10016x128xf32, #tpu.memory_space<vmem_shared>>, %arg10: memref<80x128xf32, #tpu.memory_space<vmem_shared>>, %arg11: memref<10016xi32, #tpu.memory_space<vmem>>, %arg12: memref<80x128xf32, #tpu.memory_space<vmem>>, %arg13: memref<16x128xi32, #tpu.memory_space<vmem>>, %arg14: memref<16x128xi32, #tpu.memory_space<vmem>>, %arg15: memref<144xf32, #tpu.memory_space<vmem>>, %arg16: memref<80xi32, #tpu.memory_space<vmem>>, %arg17: memref<128x128xf32, #tpu.memory_space<vmem>>, %arg18: memref<!tpu.dma_semaphore, #tpu.memory_space<semaphore_mem>>, %arg19: memref<!tpu.dma_semaphore, #tpu.memory_space<semaphore_mem>>) attributes {dimension_semantics = [#tpu.dimension_semantics<core_parallel>, #tpu.dimension_semantics<subcore_parallel>], iteration_bounds = array<i64: 2, 16>, scalar_prefetch = 0 : i64, scratch_operands = 11 : i64, tpu.core_type = #tpu.core_type<sc_vector_subcore>, window_params = [{transform_indices = #map}, {transform_indices = #map1}, {transform_indices = #map2}, {transform_indices = #map2}, {transform_indices = #map}, {transform_indices = #map}, {transform_indices = #map2}]} {
    %eq3A = arith.constant 0 : i32
    %eq3A_0 = arith.cmpi eq, %arg1, %eq3A : i32
    %convert_element_type3A = arith.extui %eq3A_0 : i1 to i32
    %cond3A = arith.constant 0 : i32
    %cond3A_1 = arith.cmpi ne, %convert_element_type3A, %cond3A : i32
    scf.if %cond3A_1 {
      "tpu.region"() ({
        %run_scoped3A = tpu.sem_alloc : memref<!tpu.dma_semaphore, #tpu.memory_space<semaphore_mem>>
        tpu.enqueue_dma source(%arg7 : memref<10016x128xf32, #tpu.memory_space<hbm>>) target(%arg9 : memref<10016x128xf32, #tpu.memory_space<vmem_shared>>) target_semaphore(%run_scoped3A : memref<!tpu.dma_semaphore, #tpu.memory_space<semaphore_mem>>)
        tpu.wait_dma2 semaphore(%run_scoped3A : memref<!tpu.dma_semaphore, #tpu.memory_space<semaphore_mem>>) src(%arg7 : memref<10016x128xf32, #tpu.memory_space<hbm>>) dst(%arg9 : memref<10016x128xf32, #tpu.memory_space<vmem_shared>>)
        tpu.yield
      }) : () -> ()
    } else {
    }
    %eq3A_2 = arith.constant 1 : i32
    %eq3A_3 = arith.cmpi eq, %arg1, %eq3A_2 : i32
    %convert_element_type3A_4 = arith.extui %eq3A_3 : i1 to i32
    %cond3A_5 = arith.constant 0 : i32
    %cond3A_6 = arith.cmpi ne, %convert_element_type3A_4, %cond3A_5 : i32
    scf.if %cond3A_6 {
      "tpu.region"() ({
        %run_scoped3A = tpu.sem_alloc : memref<!tpu.dma_semaphore, #tpu.memory_space<semaphore_mem>>
        tpu.enqueue_dma source(%arg6 : memref<80x128xf32, #tpu.memory_space<hbm>>) target(%arg10 : memref<80x128xf32, #tpu.memory_space<vmem_shared>>) target_semaphore(%run_scoped3A : memref<!tpu.dma_semaphore, #tpu.memory_space<semaphore_mem>>)
        tpu.wait_dma2 semaphore(%run_scoped3A : memref<!tpu.dma_semaphore, #tpu.memory_space<semaphore_mem>>) src(%arg6 : memref<80x128xf32, #tpu.memory_space<hbm>>) dst(%arg10 : memref<80x128xf32, #tpu.memory_space<vmem_shared>>)
        tpu.yield
      }) : () -> ()
    } else {
    }
    "tpu.region"() ({
      %run_scoped3A = tpu.sem_alloc : memref<!tpu.dma_semaphore, #tpu.memory_space<semaphore_mem>>
      tpu.enqueue_dma source(%arg3 : memref<10016xi32, #tpu.memory_space<hbm>>) target(%arg11 : memref<10016xi32, #tpu.memory_space<vmem>>) target_semaphore(%run_scoped3A : memref<!tpu.dma_semaphore, #tpu.memory_space<semaphore_mem>>)
      tpu.wait_dma2 semaphore(%run_scoped3A : memref<!tpu.dma_semaphore, #tpu.memory_space<semaphore_mem>>) src(%arg3 : memref<10016xi32, #tpu.memory_space<hbm>>) dst(%arg11 : memref<10016xi32, #tpu.memory_space<vmem>>)
      tpu.yield
    }) : () -> ()
    "tpu.region"() ({
      %run_scoped3A = tpu.sem_alloc : memref<!tpu.dma_semaphore, #tpu.memory_space<semaphore_mem>>
      tpu.enqueue_dma source(%arg6 : memref<80x128xf32, #tpu.memory_space<hbm>>) target(%arg12 : memref<80x128xf32, #tpu.memory_space<vmem>>) target_semaphore(%run_scoped3A : memref<!tpu.dma_semaphore, #tpu.memory_space<semaphore_mem>>)
      tpu.wait_dma2 semaphore(%run_scoped3A : memref<!tpu.dma_semaphore, #tpu.memory_space<semaphore_mem>>) src(%arg6 : memref<80x128xf32, #tpu.memory_space<hbm>>) dst(%arg12 : memref<80x128xf32, #tpu.memory_space<vmem>>)
      tpu.yield
    }) : () -> ()
    %scan3A = arith.constant 0 : i32
    %scan3A_7 = arith.constant 0 : i32
    %scan3A_8 = arith.constant 5 : i32
    %scan3A_9 = arith.addi %scan3A_7, %scan3A_8 : i32
    %scan3A_10 = arith.constant 1 : i32
    scf.for %scan3A_32 = %scan3A_7 to %scan3A_9 step %scan3A_10  : i32 {
      %iota3A = tpu.iota {dimensions = array<i32: 0>} : vector<16xi32>
      %mul3A_33 = arith.constant 16 : i32
      %mul3A_34 = arith.muli %scan3A_32, %mul3A_33 : i32
      %add3A = vector.broadcast %mul3A_34 : i32 to vector<16xi32>
      %add3A_35 = arith.addi %iota3A, %add3A : vector<16xi32>
      %mul3A_36 = arith.constant 16 : i32
      %mul3A_37 = arith.muli %scan3A_32, %mul3A_36 : i32
      %swap3A = arith.index_cast %mul3A_37 : i32 to index
      %swap3A_38 = tpu.vector_load %arg16[%swap3A] {strides = array<i32>} : memref<80xi32, #tpu.memory_space<vmem>>, vector<16xi32>,
      tpu.vector_store %arg16[%swap3A], %add3A_35 {strides = array<i32>} : memref<80xi32, #tpu.memory_space<vmem>>, vector<16xi32>,
    }
    %scan3A_11 = arith.constant 5 : i32
    %scan3A_12 = arith.constant 0 : i32
    %scan3A_13 = arith.constant 0 : i32
    %scan3A_14 = arith.constant 11 : i32
    %scan3A_15 = arith.addi %scan3A_13, %scan3A_14 : i32
    %scan3A_16 = arith.constant 1 : i32
    scf.for %scan3A_32 = %scan3A_13 to %scan3A_15 step %scan3A_16  : i32 {
      %mul3A_33 = arith.constant 16 : i32
      %mul3A_34 = arith.muli %scan3A_32, %mul3A_33 : i32
      "tpu.region"() ({
        %run_scoped3A = tpu.sem_alloc : memref<!tpu.dma_semaphore, #tpu.memory_space<semaphore_mem>>
        %dma_start3A = arith.constant 0 : i32
        %dma_start3A_43 = tpu.memref_slice %arg4[%arg1, %mul3A_34, %dma_start3A] : memref<16x176x128xi32, #tpu.memory_space<hbm>> -> memref<1x16x128xi32, #tpu.memory_space<hbm>>
        %dma_start3A_44 = tpu.memref_squeeze %dma_start3A_43 : memref<1x16x128xi32, #tpu.memory_space<hbm>> -> memref<16x128xi32, #tpu.memory_space<hbm>>
        %dma_start3A_45 = arith.constant 0 : i32
        %dma_start3A_46 = tpu.memref_slice %arg4[%arg1, %mul3A_34, %dma_start3A_45] : memref<16x176x128xi32, #tpu.memory_space<hbm>> -> memref<1x16x128xi32, #tpu.memory_space<hbm>>
        %dma_start3A_47 = tpu.memref_squeeze %dma_start3A_46 : memref<1x16x128xi32, #tpu.memory_space<hbm>> -> memref<16x128xi32, #tpu.memory_space<hbm>>
        tpu.enqueue_dma source(%dma_start3A_47 : memref<16x128xi32, #tpu.memory_space<hbm>>) target(%arg13 : memref<16x128xi32, #tpu.memory_space<vmem>>) target_semaphore(%run_scoped3A : memref<!tpu.dma_semaphore, #tpu.memory_space<semaphore_mem>>)
        %dma_wait3A = arith.constant 0 : i32
        %dma_wait3A_48 = tpu.memref_slice %arg4[%arg1, %mul3A_34, %dma_wait3A] : memref<16x176x128xi32, #tpu.memory_space<hbm>> -> memref<1x16x128xi32, #tpu.memory_space<hbm>>
        %dma_wait3A_49 = tpu.memref_squeeze %dma_wait3A_48 : memref<1x16x128xi32, #tpu.memory_space<hbm>> -> memref<16x128xi32, #tpu.memory_space<hbm>>
        %dma_wait3A_50 = arith.constant 0 : i32
        %dma_wait3A_51 = tpu.memref_slice %arg4[%arg1, %mul3A_34, %dma_wait3A_50] : memref<16x176x128xi32, #tpu.memory_space<hbm>> -> memref<1x16x128xi32, #tpu.memory_space<hbm>>
        %dma_wait3A_52 = tpu.memref_squeeze %dma_wait3A_51 : memref<1x16x128xi32, #tpu.memory_space<hbm>> -> memref<16x128xi32, #tpu.memory_space<hbm>>
        tpu.wait_dma2 semaphore(%run_scoped3A : memref<!tpu.dma_semaphore, #tpu.memory_space<semaphore_mem>>) src(%dma_wait3A_52 : memref<16x128xi32, #tpu.memory_space<hbm>>) dst(%arg13 : memref<16x128xi32, #tpu.memory_space<vmem>>)
        tpu.yield
      }) : () -> ()
      %mul3A_35 = arith.constant 16 : i32
      %mul3A_36 = arith.muli %scan3A_32, %mul3A_35 : i32
      "tpu.region"() ({
        %run_scoped3A = tpu.sem_alloc : memref<!tpu.dma_semaphore, #tpu.memory_space<semaphore_mem>>
        %dma_start3A = arith.constant 0 : i32
        %dma_start3A_43 = tpu.memref_slice %arg5[%arg1, %mul3A_36, %dma_start3A] : memref<16x176x128xi32, #tpu.memory_space<hbm>> -> memref<1x16x128xi32, #tpu.memory_space<hbm>>
        %dma_start3A_44 = tpu.memref_squeeze %dma_start3A_43 : memref<1x16x128xi32, #tpu.memory_space<hbm>> -> memref<16x128xi32, #tpu.memory_space<hbm>>
        %dma_start3A_45 = arith.constant 0 : i32
        %dma_start3A_46 = tpu.memref_slice %arg5[%arg1, %mul3A_36, %dma_start3A_45] : memref<16x176x128xi32, #tpu.memory_space<hbm>> -> memref<1x16x128xi32, #tpu.memory_space<hbm>>
        %dma_start3A_47 = tpu.memref_squeeze %dma_start3A_46 : memref<1x16x128xi32, #tpu.memory_space<hbm>> -> memref<16x128xi32, #tpu.memory_space<hbm>>
        tpu.enqueue_dma source(%dma_start3A_47 : memref<16x128xi32, #tpu.memory_space<hbm>>) target(%arg14 : memref<16x128xi32, #tpu.memory_space<vmem>>) target_semaphore(%run_scoped3A : memref<!tpu.dma_semaphore, #tpu.memory_space<semaphore_mem>>)
        %dma_wait3A = arith.constant 0 : i32
        %dma_wait3A_48 = tpu.memref_slice %arg5[%arg1, %mul3A_36, %dma_wait3A] : memref<16x176x128xi32, #tpu.memory_space<hbm>> -> memref<1x16x128xi32, #tpu.memory_space<hbm>>
        %dma_wait3A_49 = tpu.memref_squeeze %dma_wait3A_48 : memref<1x16x128xi32, #tpu.memory_space<hbm>> -> memref<16x128xi32, #tpu.memory_space<hbm>>
        %dma_wait3A_50 = arith.constant 0 : i32
        %dma_wait3A_51 = tpu.memref_slice %arg5[%arg1, %mul3A_36, %dma_wait3A_50] : memref<16x176x128xi32, #tpu.memory_space<hbm>> -> memref<1x16x128xi32, #tpu.memory_space<hbm>>
        %dma_wait3A_52 = tpu.memref_squeeze %dma_wait3A_51 : memref<1x16x128xi32, #tpu.memory_space<hbm>> -> memref<16x128xi32, #tpu.memory_space<hbm>>
        tpu.wait_dma2 semaphore(%run_scoped3A : memref<!tpu.dma_semaphore, #tpu.memory_space<semaphore_mem>>) src(%dma_wait3A_52 : memref<16x128xi32, #tpu.memory_space<hbm>>) dst(%arg14 : memref<16x128xi32, #tpu.memory_space<vmem>>)
        tpu.yield
      }) : () -> ()
      %scan3A_37 = arith.constant 0 : i32
      %scan3A_38 = arith.constant 0 : i32
      %scan3A_39 = arith.constant 16 : i32
      %scan3A_40 = arith.addi %scan3A_38, %scan3A_39 : i32
      %scan3A_41 = arith.constant 1 : i32
      scf.for %scan3A_43 = %scan3A_38 to %scan3A_40 step %scan3A_41  : i32 {
        %get3A = arith.index_cast %scan3A_43 : i32 to index
        %get3A_44 = arith.constant 0 : index
        %get3A_45 = tpu.vector_load %arg14[%get3A, %get3A_44] {strides = array<i32>} : memref<16x128xi32, #tpu.memory_space<vmem>>, vector<16xi32>,
        %get3A_46 = arith.index_cast %scan3A_43 : i32 to index
        %get3A_47 = arith.constant 16 : index
        %get3A_48 = tpu.vector_load %arg14[%get3A_46, %get3A_47] {strides = array<i32>} : memref<16x128xi32, #tpu.memory_space<vmem>>, vector<16xi32>,
        %get3A_49 = arith.index_cast %scan3A_43 : i32 to index
        %get3A_50 = arith.constant 32 : index
        %get3A_51 = tpu.vector_load %arg14[%get3A_49, %get3A_50] {strides = array<i32>} : memref<16x128xi32, #tpu.memory_space<vmem>>, vector<16xi32>,
        %get3A_52 = arith.index_cast %scan3A_43 : i32 to index
        %get3A_53 = arith.constant 48 : index
        %get3A_54 = tpu.vector_load %arg14[%get3A_52, %get3A_53] {strides = array<i32>} : memref<16x128xi32, #tpu.memory_space<vmem>>, vector<16xi32>,
        %get3A_55 = arith.index_cast %scan3A_43 : i32 to index
        %get3A_56 = arith.constant 64 : index
        %get3A_57 = tpu.vector_load %arg14[%get3A_55, %get3A_56] {strides = array<i32>} : memref<16x128xi32, #tpu.memory_space<vmem>>, vector<16xi32>,
        %get3A_58 = arith.index_cast %scan3A_43 : i32 to index
        %get3A_59 = arith.constant 80 : index
        %get3A_60 = tpu.vector_load %arg14[%get3A_58, %get3A_59] {strides = array<i32>} : memref<16x128xi32, #tpu.memory_space<vmem>>, vector<16xi32>,
        %get3A_61 = arith.index_cast %scan3A_43 : i32 to index
        %get3A_62 = arith.constant 96 : index
        %get3A_63 = tpu.vector_load %arg14[%get3A_61, %get3A_62] {strides = array<i32>} : memref<16x128xi32, #tpu.memory_space<vmem>>, vector<16xi32>,
        %get3A_64 = arith.index_cast %scan3A_43 : i32 to index
        %get3A_65 = arith.constant 112 : index
        %get3A_66 = tpu.vector_load %arg14[%get3A_64, %get3A_65] {strides = array<i32>} : memref<16x128xi32, #tpu.memory_space<vmem>>, vector<16xi32>,
        %get3A_67 = arith.index_cast %scan3A_43 : i32 to index
        %get3A_68 = arith.constant 0 : index
        %get3A_69 = tpu.vector_load %arg13[%get3A_67, %get3A_68] {strides = array<i32>} : memref<16x128xi32, #tpu.memory_space<vmem>>, vector<16xi32>,
        %get3A_70 = arith.index_cast %scan3A_43 : i32 to index
        %get3A_71 = arith.constant 0 : index
        %get3A_72 = tpu.vector_load %arg14[%get3A_70, %get3A_71] {strides = array<i32>} : memref<16x128xi32, #tpu.memory_space<vmem>>, vector<16xi32>,
        %gather3A = tpu.vector_load_idx %arg11[%get3A_69] : memref<10016xi32, #tpu.memory_space<vmem>>[vector<16xi32>], vector<16xi32>,
        %gather3A_73 = tpu.vector_load_idx %arg11[%get3A_72] : memref<10016xi32, #tpu.memory_space<vmem>>[vector<16xi32>], vector<16xi32>,
        %shift_left3A = arith.constant 16 : i32
        %shift_left3A_74 = vector.broadcast %shift_left3A : i32 to vector<16xi32>
        %shift_left3A_75 = arith.shli %gather3A, %shift_left3A_74 : vector<16xi32>
        %bitcast3A = vector.bitcast %shift_left3A_75 : vector<16xi32> to vector<16xf32>
        %and3A = arith.constant -65536 : i32
        %and3A_76 = vector.broadcast %and3A : i32 to vector<16xi32>
        %and3A_77 = arith.andi %gather3A_73, %and3A_76 : vector<16xi32>
        %bitcast3A_78 = vector.bitcast %and3A_77 : vector<16xi32> to vector<16xf32>
        %add3A = arith.addf %bitcast3A, %bitcast3A_78 : vector<16xf32>
        %mul3A_79 = arith.constant 2.000000e-01 : f32
        %mul3A_80 = vector.broadcast %mul3A_79 : f32 to vector<16xf32>
        %mul3A_81 = arith.mulf %mul3A_80, %add3A : vector<16xf32>
        %max3A = arith.maximumf %add3A, %mul3A_81 : vector<16xf32>
        %exp3A = math.exp %max3A : vector<16xf32>
        %get3A_82 = arith.index_cast %scan3A_43 : i32 to index
        %get3A_83 = arith.constant 16 : index
        %get3A_84 = tpu.vector_load %arg13[%get3A_82, %get3A_83] {strides = array<i32>} : memref<16x128xi32, #tpu.memory_space<vmem>>, vector<16xi32>,
        %get3A_85 = arith.index_cast %scan3A_43 : i32 to index
        %get3A_86 = arith.constant 16 : index
        %get3A_87 = tpu.vector_load %arg14[%get3A_85, %get3A_86] {strides = array<i32>} : memref<16x128xi32, #tpu.memory_space<vmem>>, vector<16xi32>,
        %gather3A_88 = tpu.vector_load_idx %arg11[%get3A_84] : memref<10016xi32, #tpu.memory_space<vmem>>[vector<16xi32>], vector<16xi32>,
        %gather3A_89 = tpu.vector_load_idx %arg11[%get3A_87] : memref<10016xi32, #tpu.memory_space<vmem>>[vector<16xi32>], vector<16xi32>,
        %shift_left3A_90 = arith.constant 16 : i32
        %shift_left3A_91 = vector.broadcast %shift_left3A_90 : i32 to vector<16xi32>
        %shift_left3A_92 = arith.shli %gather3A_88, %shift_left3A_91 : vector<16xi32>
        %bitcast3A_93 = vector.bitcast %shift_left3A_92 : vector<16xi32> to vector<16xf32>
        %and3A_94 = arith.constant -65536 : i32
        %and3A_95 = vector.broadcast %and3A_94 : i32 to vector<16xi32>
        %and3A_96 = arith.andi %gather3A_89, %and3A_95 : vector<16xi32>
        %bitcast3A_97 = vector.bitcast %and3A_96 : vector<16xi32> to vector<16xf32>
        %add3A_98 = arith.addf %bitcast3A_93, %bitcast3A_97 : vector<16xf32>
        %mul3A_99 = arith.constant 2.000000e-01 : f32
        %mul3A_100 = vector.broadcast %mul3A_99 : f32 to vector<16xf32>
        %mul3A_101 = arith.mulf %mul3A_100, %add3A_98 : vector<16xf32>
        %max3A_102 = arith.maximumf %add3A_98, %mul3A_101 : vector<16xf32>
        %exp3A_103 = math.exp %max3A_102 : vector<16xf32>
        %get3A_104 = arith.index_cast %scan3A_43 : i32 to index
        %get3A_105 = arith.constant 32 : index
        %get3A_106 = tpu.vector_load %arg13[%get3A_104, %get3A_105] {strides = array<i32>} : memref<16x128xi32, #tpu.memory_space<vmem>>, vector<16xi32>,
        %get3A_107 = arith.index_cast %scan3A_43 : i32 to index
        %get3A_108 = arith.constant 32 : index
        %get3A_109 = tpu.vector_load %arg14[%get3A_107, %get3A_108] {strides = array<i32>} : memref<16x128xi32, #tpu.memory_space<vmem>>, vector<16xi32>,
        %gather3A_110 = tpu.vector_load_idx %arg11[%get3A_106] : memref<10016xi32, #tpu.memory_space<vmem>>[vector<16xi32>], vector<16xi32>,
        %gather3A_111 = tpu.vector_load_idx %arg11[%get3A_109] : memref<10016xi32, #tpu.memory_space<vmem>>[vector<16xi32>], vector<16xi32>,
        %shift_left3A_112 = arith.constant 16 : i32
        %shift_left3A_113 = vector.broadcast %shift_left3A_112 : i32 to vector<16xi32>
        %shift_left3A_114 = arith.shli %gather3A_110, %shift_left3A_113 : vector<16xi32>
        %bitcast3A_115 = vector.bitcast %shift_left3A_114 : vector<16xi32> to vector<16xf32>
        %and3A_116 = arith.constant -65536 : i32
        %and3A_117 = vector.broadcast %and3A_116 : i32 to vector<16xi32>
        %and3A_118 = arith.andi %gather3A_111, %and3A_117 : vector<16xi32>
        %bitcast3A_119 = vector.bitcast %and3A_118 : vector<16xi32> to vector<16xf32>
        %add3A_120 = arith.addf %bitcast3A_115, %bitcast3A_119 : vector<16xf32>
        %mul3A_121 = arith.constant 2.000000e-01 : f32
        %mul3A_122 = vector.broadcast %mul3A_121 : f32 to vector<16xf32>
        %mul3A_123 = arith.mulf %mul3A_122, %add3A_120 : vector<16xf32>
        %max3A_124 = arith.maximumf %add3A_120, %mul3A_123 : vector<16xf32>
        %exp3A_125 = math.exp %max3A_124 : vector<16xf32>
        %get3A_126 = arith.index_cast %scan3A_43 : i32 to index
        %get3A_127 = arith.constant 48 : index
        %get3A_128 = tpu.vector_load %arg13[%get3A_126, %get3A_127] {strides = array<i32>} : memref<16x128xi32, #tpu.memory_space<vmem>>, vector<16xi32>,
        %get3A_129 = arith.index_cast %scan3A_43 : i32 to index
        %get3A_130 = arith.constant 48 : index
        %get3A_131 = tpu.vector_load %arg14[%get3A_129, %get3A_130] {strides = array<i32>} : memref<16x128xi32, #tpu.memory_space<vmem>>, vector<16xi32>,
        %gather3A_132 = tpu.vector_load_idx %arg11[%get3A_128] : memref<10016xi32, #tpu.memory_space<vmem>>[vector<16xi32>], vector<16xi32>,
        %gather3A_133 = tpu.vector_load_idx %arg11[%get3A_131] : memref<10016xi32, #tpu.memory_space<vmem>>[vector<16xi32>], vector<16xi32>,
        %shift_left3A_134 = arith.constant 16 : i32
        %shift_left3A_135 = vector.broadcast %shift_left3A_134 : i32 to vector<16xi32>
        %shift_left3A_136 = arith.shli %gather3A_132, %shift_left3A_135 : vector<16xi32>
        %bitcast3A_137 = vector.bitcast %shift_left3A_136 : vector<16xi32> to vector<16xf32>
        %and3A_138 = arith.constant -65536 : i32
        %and3A_139 = vector.broadcast %and3A_138 : i32 to vector<16xi32>
        %and3A_140 = arith.andi %gather3A_133, %and3A_139 : vector<16xi32>
        %bitcast3A_141 = vector.bitcast %and3A_140 : vector<16xi32> to vector<16xf32>
        %add3A_142 = arith.addf %bitcast3A_137, %bitcast3A_141 : vector<16xf32>
        %mul3A_143 = arith.constant 2.000000e-01 : f32
        %mul3A_144 = vector.broadcast %mul3A_143 : f32 to vector<16xf32>
        %mul3A_145 = arith.mulf %mul3A_144, %add3A_142 : vector<16xf32>
        %max3A_146 = arith.maximumf %add3A_142, %mul3A_145 : vector<16xf32>
        %exp3A_147 = math.exp %max3A_146 : vector<16xf32>
        %get3A_148 = arith.index_cast %scan3A_43 : i32 to index
        %get3A_149 = arith.constant 64 : index
        %get3A_150 = tpu.vector_load %arg13[%get3A_148, %get3A_149] {strides = array<i32>} : memref<16x128xi32, #tpu.memory_space<vmem>>, vector<16xi32>,
        %get3A_151 = arith.index_cast %scan3A_43 : i32 to index
        %get3A_152 = arith.constant 64 : index
        %get3A_153 = tpu.vector_load %arg14[%get3A_151, %get3A_152] {strides = array<i32>} : memref<16x128xi32, #tpu.memory_space<vmem>>, vector<16xi32>,
        %gather3A_154 = tpu.vector_load_idx %arg11[%get3A_150] : memref<10016xi32, #tpu.memory_space<vmem>>[vector<16xi32>], vector<16xi32>,
        %gather3A_155 = tpu.vector_load_idx %arg11[%get3A_153] : memref<10016xi32, #tpu.memory_space<vmem>>[vector<16xi32>], vector<16xi32>,
        %shift_left3A_156 = arith.constant 16 : i32
        %shift_left3A_157 = vector.broadcast %shift_left3A_156 : i32 to vector<16xi32>
        %shift_left3A_158 = arith.shli %gather3A_154, %shift_left3A_157 : vector<16xi32>
        %bitcast3A_159 = vector.bitcast %shift_left3A_158 : vector<16xi32> to vector<16xf32>
        %and3A_160 = arith.constant -65536 : i32
        %and3A_161 = vector.broadcast %and3A_160 : i32 to vector<16xi32>
        %and3A_162 = arith.andi %gather3A_155, %and3A_161 : vector<16xi32>
        %bitcast3A_163 = vector.bitcast %and3A_162 : vector<16xi32> to vector<16xf32>
        %add3A_164 = arith.addf %bitcast3A_159, %bitcast3A_163 : vector<16xf32>
        %mul3A_165 = arith.constant 2.000000e-01 : f32
        %mul3A_166 = vector.broadcast %mul3A_165 : f32 to vector<16xf32>
        %mul3A_167 = arith.mulf %mul3A_166, %add3A_164 : vector<16xf32>
        %max3A_168 = arith.maximumf %add3A_164, %mul3A_167 : vector<16xf32>
        %exp3A_169 = math.exp %max3A_168 : vector<16xf32>
        %get3A_170 = arith.index_cast %scan3A_43 : i32 to index
        %get3A_171 = arith.constant 80 : index
        %get3A_172 = tpu.vector_load %arg13[%get3A_170, %get3A_171] {strides = array<i32>} : memref<16x128xi32, #tpu.memory_space<vmem>>, vector<16xi32>,
        %get3A_173 = arith.index_cast %scan3A_43 : i32 to index
        %get3A_174 = arith.constant 80 : index
        %get3A_175 = tpu.vector_load %arg14[%get3A_173, %get3A_174] {strides = array<i32>} : memref<16x128xi32, #tpu.memory_space<vmem>>, vector<16xi32>,
        %gather3A_176 = tpu.vector_load_idx %arg11[%get3A_172] : memref<10016xi32, #tpu.memory_space<vmem>>[vector<16xi32>], vector<16xi32>,
        %gather3A_177 = tpu.vector_load_idx %arg11[%get3A_175] : memref<10016xi32, #tpu.memory_space<vmem>>[vector<16xi32>], vector<16xi32>,
        %shift_left3A_178 = arith.constant 16 : i32
        %shift_left3A_179 = vector.broadcast %shift_left3A_178 : i32 to vector<16xi32>
        %shift_left3A_180 = arith.shli %gather3A_176, %shift_left3A_179 : vector<16xi32>
        %bitcast3A_181 = vector.bitcast %shift_left3A_180 : vector<16xi32> to vector<16xf32>
        %and3A_182 = arith.constant -65536 : i32
        %and3A_183 = vector.broadcast %and3A_182 : i32 to vector<16xi32>
        %and3A_184 = arith.andi %gather3A_177, %and3A_183 : vector<16xi32>
        %bitcast3A_185 = vector.bitcast %and3A_184 : vector<16xi32> to vector<16xf32>
        %add3A_186 = arith.addf %bitcast3A_181, %bitcast3A_185 : vector<16xf32>
        %mul3A_187 = arith.constant 2.000000e-01 : f32
        %mul3A_188 = vector.broadcast %mul3A_187 : f32 to vector<16xf32>
        %mul3A_189 = arith.mulf %mul3A_188, %add3A_186 : vector<16xf32>
        %max3A_190 = arith.maximumf %add3A_186, %mul3A_189 : vector<16xf32>
        %exp3A_191 = math.exp %max3A_190 : vector<16xf32>
        %get3A_192 = arith.index_cast %scan3A_43 : i32 to index
        %get3A_193 = arith.constant 96 : index
        %get3A_194 = tpu.vector_load %arg13[%get3A_192, %get3A_193] {strides = array<i32>} : memref<16x128xi32, #tpu.memory_space<vmem>>, vector<16xi32>,
        %get3A_195 = arith.index_cast %scan3A_43 : i32 to index
        %get3A_196 = arith.constant 96 : index
        %get3A_197 = tpu.vector_load %arg14[%get3A_195, %get3A_196] {strides = array<i32>} : memref<16x128xi32, #tpu.memory_space<vmem>>, vector<16xi32>,
        %gather3A_198 = tpu.vector_load_idx %arg11[%get3A_194] : memref<10016xi32, #tpu.memory_space<vmem>>[vector<16xi32>], vector<16xi32>,
        %gather3A_199 = tpu.vector_load_idx %arg11[%get3A_197] : memref<10016xi32, #tpu.memory_space<vmem>>[vector<16xi32>], vector<16xi32>,
        %shift_left3A_200 = arith.constant 16 : i32
        %shift_left3A_201 = vector.broadcast %shift_left3A_200 : i32 to vector<16xi32>
        %shift_left3A_202 = arith.shli %gather3A_198, %shift_left3A_201 : vector<16xi32>
        %bitcast3A_203 = vector.bitcast %shift_left3A_202 : vector<16xi32> to vector<16xf32>
        %and3A_204 = arith.constant -65536 : i32
        %and3A_205 = vector.broadcast %and3A_204 : i32 to vector<16xi32>
        %and3A_206 = arith.andi %gather3A_199, %and3A_205 : vector<16xi32>
        %bitcast3A_207 = vector.bitcast %and3A_206 : vector<16xi32> to vector<16xf32>
        %add3A_208 = arith.addf %bitcast3A_203, %bitcast3A_207 : vector<16xf32>
        %mul3A_209 = arith.constant 2.000000e-01 : f32
        %mul3A_210 = vector.broadcast %mul3A_209 : f32 to vector<16xf32>
        %mul3A_211 = arith.mulf %mul3A_210, %add3A_208 : vector<16xf32>
        %max3A_212 = arith.maximumf %add3A_208, %mul3A_211 : vector<16xf32>
        %exp3A_213 = math.exp %max3A_212 : vector<16xf32>
        %get3A_214 = arith.index_cast %scan3A_43 : i32 to index
        %get3A_215 = arith.constant 112 : index
        %get3A_216 = tpu.vector_load %arg13[%get3A_214, %get3A_215] {strides = array<i32>} : memref<16x128xi32, #tpu.memory_space<vmem>>, vector<16xi32>,
        %get3A_217 = arith.index_cast %scan3A_43 : i32 to index
        %get3A_218 = arith.constant 112 : index
        %get3A_219 = tpu.vector_load %arg14[%get3A_217, %get3A_218] {strides = array<i32>} : memref<16x128xi32, #tpu.memory_space<vmem>>, vector<16xi32>,
        %gather3A_220 = tpu.vector_load_idx %arg11[%get3A_216] : memref<10016xi32, #tpu.memory_space<vmem>>[vector<16xi32>], vector<16xi32>,
        %gather3A_221 = tpu.vector_load_idx %arg11[%get3A_219] : memref<10016xi32, #tpu.memory_space<vmem>>[vector<16xi32>], vector<16xi32>,
        %shift_left3A_222 = arith.constant 16 : i32
        %shift_left3A_223 = vector.broadcast %shift_left3A_222 : i32 to vector<16xi32>
        %shift_left3A_224 = arith.shli %gather3A_220, %shift_left3A_223 : vector<16xi32>
        %bitcast3A_225 = vector.bitcast %shift_left3A_224 : vector<16xi32> to vector<16xf32>
        %and3A_226 = arith.constant -65536 : i32
        %and3A_227 = vector.broadcast %and3A_226 : i32 to vector<16xi32>
        %and3A_228 = arith.andi %gather3A_221, %and3A_227 : vector<16xi32>
        %bitcast3A_229 = vector.bitcast %and3A_228 : vector<16xi32> to vector<16xf32>
        %add3A_230 = arith.addf %bitcast3A_225, %bitcast3A_229 : vector<16xf32>
        %mul3A_231 = arith.constant 2.000000e-01 : f32
        %mul3A_232 = vector.broadcast %mul3A_231 : f32 to vector<16xf32>
        %mul3A_233 = arith.mulf %mul3A_232, %add3A_230 : vector<16xf32>
        %max3A_234 = arith.maximumf %add3A_230, %mul3A_233 : vector<16xf32>
        %exp3A_235 = math.exp %max3A_234 : vector<16xf32>
        %shift_right_arithmetic3A = arith.constant 7 : i32
        %shift_right_arithmetic3A_236 = vector.broadcast %shift_right_arithmetic3A : i32 to vector<16xi32>
        %shift_right_arithmetic3A_237 = arith.shrsi %get3A_45, %shift_right_arithmetic3A_236 : vector<16xi32>
        %and3A_238 = arith.constant 127 : i32
        %and3A_239 = vector.broadcast %and3A_238 : i32 to vector<16xi32>
        %and3A_240 = arith.andi %get3A_45, %and3A_239 : vector<16xi32>
        tpu.vector_store_idx %arg12[%shift_right_arithmetic3A_237, %and3A_240], %exp3A {add = true} : memref<80x128xf32, #tpu.memory_space<vmem>>[vector<16xi32>, vector<16xi32>], vector<16xf32>,
        %shift_right_arithmetic3A_241 = arith.constant 7 : i32
        %shift_right_arithmetic3A_242 = vector.broadcast %shift_right_arithmetic3A_241 : i32 to vector<16xi32>
        %shift_right_arithmetic3A_243 = arith.shrsi %get3A_48, %shift_right_arithmetic3A_242 : vector<16xi32>
        %and3A_244 = arith.constant 127 : i32
        %and3A_245 = vector.broadcast %and3A_244 : i32 to vector<16xi32>
        %and3A_246 = arith.andi %get3A_48, %and3A_245 : vector<16xi32>
        tpu.vector_store_idx %arg12[%shift_right_arithmetic3A_243, %and3A_246], %exp3A_103 {add = true} : memref<80x128xf32, #tpu.memory_space<vmem>>[vector<16xi32>, vector<16xi32>], vector<16xf32>,
        %shift_right_arithmetic3A_247 = arith.constant 7 : i32
        %shift_right_arithmetic3A_248 = vector.broadcast %shift_right_arithmetic3A_247 : i32 to vector<16xi32>
        %shift_right_arithmetic3A_249 = arith.shrsi %get3A_51, %shift_right_arithmetic3A_248 : vector<16xi32>
        %and3A_250 = arith.constant 127 : i32
        %and3A_251 = vector.broadcast %and3A_250 : i32 to vector<16xi32>
        %and3A_252 = arith.andi %get3A_51, %and3A_251 : vector<16xi32>
        tpu.vector_store_idx %arg12[%shift_right_arithmetic3A_249, %and3A_252], %exp3A_125 {add = true} : memref<80x128xf32, #tpu.memory_space<vmem>>[vector<16xi32>, vector<16xi32>], vector<16xf32>,
        %shift_right_arithmetic3A_253 = arith.constant 7 : i32
        %shift_right_arithmetic3A_254 = vector.broadcast %shift_right_arithmetic3A_253 : i32 to vector<16xi32>
        %shift_right_arithmetic3A_255 = arith.shrsi %get3A_54, %shift_right_arithmetic3A_254 : vector<16xi32>
        %and3A_256 = arith.constant 127 : i32
        %and3A_257 = vector.broadcast %and3A_256 : i32 to vector<16xi32>
        %and3A_258 = arith.andi %get3A_54, %and3A_257 : vector<16xi32>
        tpu.vector_store_idx %arg12[%shift_right_arithmetic3A_255, %and3A_258], %exp3A_147 {add = true} : memref<80x128xf32, #tpu.memory_space<vmem>>[vector<16xi32>, vector<16xi32>], vector<16xf32>,
        %shift_right_arithmetic3A_259 = arith.constant 7 : i32
        %shift_right_arithmetic3A_260 = vector.broadcast %shift_right_arithmetic3A_259 : i32 to vector<16xi32>
        %shift_right_arithmetic3A_261 = arith.shrsi %get3A_57, %shift_right_arithmetic3A_260 : vector<16xi32>
        %and3A_262 = arith.constant 127 : i32
        %and3A_263 = vector.broadcast %and3A_262 : i32 to vector<16xi32>
        %and3A_264 = arith.andi %get3A_57, %and3A_263 : vector<16xi32>
        tpu.vector_store_idx %arg12[%shift_right_arithmetic3A_261, %and3A_264], %exp3A_169 {add = true} : memref<80x128xf32, #tpu.memory_space<vmem>>[vector<16xi32>, vector<16xi32>], vector<16xf32>,
        %shift_right_arithmetic3A_265 = arith.constant 7 : i32
        %shift_right_arithmetic3A_266 = vector.broadcast %shift_right_arithmetic3A_265 : i32 to vector<16xi32>
        %shift_right_arithmetic3A_267 = arith.shrsi %get3A_60, %shift_right_arithmetic3A_266 : vector<16xi32>
        %and3A_268 = arith.constant 127 : i32
        %and3A_269 = vector.broadcast %and3A_268 : i32 to vector<16xi32>
        %and3A_270 = arith.andi %get3A_60, %and3A_269 : vector<16xi32>
        tpu.vector_store_idx %arg12[%shift_right_arithmetic3A_267, %and3A_270], %exp3A_191 {add = true} : memref<80x128xf32, #tpu.memory_space<vmem>>[vector<16xi32>, vector<16xi32>], vector<16xf32>,
        %shift_right_arithmetic3A_271 = arith.constant 7 : i32
        %shift_right_arithmetic3A_272 = vector.broadcast %shift_right_arithmetic3A_271 : i32 to vector<16xi32>
        %shift_right_arithmetic3A_273 = arith.shrsi %get3A_63, %shift_right_arithmetic3A_272 : vector<16xi32>
        %and3A_274 = arith.constant 127 : i32
        %and3A_275 = vector.broadcast %and3A_274 : i32 to vector<16xi32>
        %and3A_276 = arith.andi %get3A_63, %and3A_275 : vector<16xi32>
        tpu.vector_store_idx %arg12[%shift_right_arithmetic3A_273, %and3A_276], %exp3A_213 {add = true} : memref<80x128xf32, #tpu.memory_space<vmem>>[vector<16xi32>, vector<16xi32>], vector<16xf32>,
        %shift_right_arithmetic3A_277 = arith.constant 7 : i32
        %shift_right_arithmetic3A_278 = vector.broadcast %shift_right_arithmetic3A_277 : i32 to vector<16xi32>
        %shift_right_arithmetic3A_279 = arith.shrsi %get3A_66, %shift_right_arithmetic3A_278 : vector<16xi32>
        %and3A_280 = arith.constant 127 : i32
        %and3A_281 = vector.broadcast %and3A_280 : i32 to vector<16xi32>
        %and3A_282 = arith.andi %get3A_66, %and3A_281 : vector<16xi32>
        tpu.vector_store_idx %arg12[%shift_right_arithmetic3A_279, %and3A_282], %exp3A_235 {add = true} : memref<80x128xf32, #tpu.memory_space<vmem>>[vector<16xi32>, vector<16xi32>], vector<16xf32>,
      }
      %scan3A_42 = arith.constant 16 : i32
    }
    %scan3A_17 = arith.constant 11 : i32
    %barrier3A = arith.constant 0 : index
    tpu.barrier barrier_id(%barrier3A)
    "tpu.region"() ({
      %run_scoped3A = tpu.sem_alloc : memref<!tpu.dma_semaphore, #tpu.memory_space<semaphore_mem>>
      %dma_start3A = arith.constant 0 : i32
      %dma_start3A_32 = arith.constant 0 : i32
      %dma_start3A_33 = tpu.memref_slice %arg10[%dma_start3A, %dma_start3A_32] : memref<80x128xf32, #tpu.memory_space<vmem_shared>> -> memref<80x128xf32, #tpu.memory_space<vmem_shared>>
      tpu.enqueue_indirect_dma source(%arg12 : memref<80x128xf32, #tpu.memory_space<vmem>>) target(%dma_start3A_33 : memref<80x128xf32, #tpu.memory_space<vmem_shared>>) offsets(%arg16 : memref<80xi32, #tpu.memory_space<vmem>>) semaphore(%run_scoped3A : memref<!tpu.dma_semaphore, #tpu.memory_space<semaphore_mem>>) {add = true}
      %dma_wait3A = arith.constant 0 : i32
      %dma_wait3A_34 = arith.constant 0 : i32
      %dma_wait3A_35 = tpu.memref_slice %arg10[%dma_wait3A, %dma_wait3A_34] : memref<80x128xf32, #tpu.memory_space<vmem_shared>> -> memref<80x128xf32, #tpu.memory_space<vmem_shared>>
      tpu.wait_indirect_dma semaphore(%run_scoped3A : memref<!tpu.dma_semaphore, #tpu.memory_space<semaphore_mem>>) src(%arg12 : memref<80x128xf32, #tpu.memory_space<vmem>>) dst(%dma_wait3A_35 : memref<80x128xf32, #tpu.memory_space<vmem_shared>>)
      tpu.yield
    }) : () -> ()
    %barrier3A_18 = arith.constant 0 : index
    tpu.barrier barrier_id(%barrier3A_18)
    "tpu.region"() ({
      %run_scoped3A = tpu.sem_alloc : memref<!tpu.dma_semaphore, #tpu.memory_space<semaphore_mem>>
      tpu.enqueue_dma source(%arg10 : memref<80x128xf32, #tpu.memory_space<vmem_shared>>) target(%arg12 : memref<80x128xf32, #tpu.memory_space<vmem>>) target_semaphore(%run_scoped3A : memref<!tpu.dma_semaphore, #tpu.memory_space<semaphore_mem>>)
      tpu.wait_dma2 semaphore(%run_scoped3A : memref<!tpu.dma_semaphore, #tpu.memory_space<semaphore_mem>>) src(%arg10 : memref<80x128xf32, #tpu.memory_space<vmem_shared>>) dst(%arg12 : memref<80x128xf32, #tpu.memory_space<vmem>>)
      tpu.yield
    }) : () -> ()
    %mul3A = arith.constant 88 : i32
    %mul3A_19 = arith.muli %arg0, %mul3A : i32
    %scan3A_20 = arith.constant 0 : i32
    %scan3A_21 = arith.constant 0 : i32
    %scan3A_22 = arith.constant 11 : i32
    %scan3A_23 = arith.addi %scan3A_21, %scan3A_22 : i32
    %scan3A_24 = arith.constant 1 : i32
    scf.for %scan3A_32 = %scan3A_21 to %scan3A_23 step %scan3A_24  : i32 {
      %mul3A_33 = arith.constant 8 : i32
      %mul3A_34 = arith.muli %scan3A_32, %mul3A_33 : i32
      %add3A = arith.addi %mul3A_19, %mul3A_34 : i32
      "tpu.region"() ({
        %run_scoped3A = tpu.sem_alloc : memref<!tpu.dma_semaphore, #tpu.memory_space<semaphore_mem>>
        %dma_start3A = arith.constant 0 : i32
        %dma_start3A_44 = arith.constant 0 : i32
        %dma_start3A_45 = tpu.memref_slice %arg13[%dma_start3A, %dma_start3A_44] : memref<16x128xi32, #tpu.memory_space<vmem>> -> memref<8x128xi32, #tpu.memory_space<vmem>>
        %dma_start3A_46 = arith.constant 0 : i32
        %dma_start3A_47 = tpu.memref_slice %arg4[%arg1, %add3A, %dma_start3A_46] : memref<16x176x128xi32, #tpu.memory_space<hbm>> -> memref<1x8x128xi32, #tpu.memory_space<hbm>>
        %dma_start3A_48 = tpu.memref_squeeze %dma_start3A_47 : memref<1x8x128xi32, #tpu.memory_space<hbm>> -> memref<8x128xi32, #tpu.memory_space<hbm>>
        %dma_start3A_49 = arith.constant 0 : i32
        %dma_start3A_50 = arith.constant 0 : i32
        %dma_start3A_51 = tpu.memref_slice %arg13[%dma_start3A_49, %dma_start3A_50] : memref<16x128xi32, #tpu.memory_space<vmem>> -> memref<8x128xi32, #tpu.memory_space<vmem>>
        %dma_start3A_52 = arith.constant 0 : i32
        %dma_start3A_53 = tpu.memref_slice %arg4[%arg1, %add3A, %dma_start3A_52] : memref<16x176x128xi32, #tpu.memory_space<hbm>> -> memref<1x8x128xi32, #tpu.memory_space<hbm>>
        %dma_start3A_54 = tpu.memref_squeeze %dma_start3A_53 : memref<1x8x128xi32, #tpu.memory_space<hbm>> -> memref<8x128xi32, #tpu.memory_space<hbm>>
        tpu.enqueue_dma source(%dma_start3A_54 : memref<8x128xi32, #tpu.memory_space<hbm>>) target(%dma_start3A_51 : memref<8x128xi32, #tpu.memory_space<vmem>>) target_semaphore(%run_scoped3A : memref<!tpu.dma_semaphore, #tpu.memory_space<semaphore_mem>>)
        %dma_wait3A = arith.constant 0 : i32
        %dma_wait3A_55 = arith.constant 0 : i32
        %dma_wait3A_56 = tpu.memref_slice %arg13[%dma_wait3A, %dma_wait3A_55] : memref<16x128xi32, #tpu.memory_space<vmem>> -> memref<8x128xi32, #tpu.memory_space<vmem>>
        %dma_wait3A_57 = arith.constant 0 : i32
        %dma_wait3A_58 = tpu.memref_slice %arg4[%arg1, %add3A, %dma_wait3A_57] : memref<16x176x128xi32, #tpu.memory_space<hbm>> -> memref<1x8x128xi32, #tpu.memory_space<hbm>>
        %dma_wait3A_59 = tpu.memref_squeeze %dma_wait3A_58 : memref<1x8x128xi32, #tpu.memory_space<hbm>> -> memref<8x128xi32, #tpu.memory_space<hbm>>
        %dma_wait3A_60 = arith.constant 0 : i32
        %dma_wait3A_61 = arith.constant 0 : i32
        %dma_wait3A_62 = tpu.memref_slice %arg13[%dma_wait3A_60, %dma_wait3A_61] : memref<16x128xi32, #tpu.memory_space<vmem>> -> memref<8x128xi32, #tpu.memory_space<vmem>>
        %dma_wait3A_63 = arith.constant 0 : i32
        %dma_wait3A_64 = tpu.memref_slice %arg4[%arg1, %add3A, %dma_wait3A_63] : memref<16x176x128xi32, #tpu.memory_space<hbm>> -> memref<1x8x128xi32, #tpu.memory_space<hbm>>
        %dma_wait3A_65 = tpu.memref_squeeze %dma_wait3A_64 : memref<1x8x128xi32, #tpu.memory_space<hbm>> -> memref<8x128xi32, #tpu.memory_space<hbm>>
        tpu.wait_dma2 semaphore(%run_scoped3A : memref<!tpu.dma_semaphore, #tpu.memory_space<semaphore_mem>>) src(%dma_wait3A_65 : memref<8x128xi32, #tpu.memory_space<hbm>>) dst(%dma_wait3A_62 : memref<8x128xi32, #tpu.memory_space<vmem>>)
        tpu.yield
      }) : () -> ()
      %mul3A_35 = arith.constant 8 : i32
      %mul3A_36 = arith.muli %scan3A_32, %mul3A_35 : i32
      %add3A_37 = arith.addi %mul3A_19, %mul3A_36 : i32
      "tpu.region"() ({
        %run_scoped3A = tpu.sem_alloc : memref<!tpu.dma_semaphore, #tpu.memory_space<semaphore_mem>>
        %dma_start3A = arith.constant 0 : i32
        %dma_start3A_44 = arith.constant 0 : i32
        %dma_start3A_45 = tpu.memref_slice %arg14[%dma_start3A, %dma_start3A_44] : memref<16x128xi32, #tpu.memory_space<vmem>> -> memref<8x128xi32, #tpu.memory_space<vmem>>
        %dma_start3A_46 = arith.constant 0 : i32
        %dma_start3A_47 = tpu.memref_slice %arg5[%arg1, %add3A_37, %dma_start3A_46] : memref<16x176x128xi32, #tpu.memory_space<hbm>> -> memref<1x8x128xi32, #tpu.memory_space<hbm>>
        %dma_start3A_48 = tpu.memref_squeeze %dma_start3A_47 : memref<1x8x128xi32, #tpu.memory_space<hbm>> -> memref<8x128xi32, #tpu.memory_space<hbm>>
        %dma_start3A_49 = arith.constant 0 : i32
        %dma_start3A_50 = arith.constant 0 : i32
        %dma_start3A_51 = tpu.memref_slice %arg14[%dma_start3A_49, %dma_start3A_50] : memref<16x128xi32, #tpu.memory_space<vmem>> -> memref<8x128xi32, #tpu.memory_space<vmem>>
        %dma_start3A_52 = arith.constant 0 : i32
        %dma_start3A_53 = tpu.memref_slice %arg5[%arg1, %add3A_37, %dma_start3A_52] : memref<16x176x128xi32, #tpu.memory_space<hbm>> -> memref<1x8x128xi32, #tpu.memory_space<hbm>>
        %dma_start3A_54 = tpu.memref_squeeze %dma_start3A_53 : memref<1x8x128xi32, #tpu.memory_space<hbm>> -> memref<8x128xi32, #tpu.memory_space<hbm>>
        tpu.enqueue_dma source(%dma_start3A_54 : memref<8x128xi32, #tpu.memory_space<hbm>>) target(%dma_start3A_51 : memref<8x128xi32, #tpu.memory_space<vmem>>) target_semaphore(%run_scoped3A : memref<!tpu.dma_semaphore, #tpu.memory_space<semaphore_mem>>)
        %dma_wait3A = arith.constant 0 : i32
        %dma_wait3A_55 = arith.constant 0 : i32
        %dma_wait3A_56 = tpu.memref_slice %arg14[%dma_wait3A, %dma_wait3A_55] : memref<16x128xi32, #tpu.memory_space<vmem>> -> memref<8x128xi32, #tpu.memory_space<vmem>>
        %dma_wait3A_57 = arith.constant 0 : i32
        %dma_wait3A_58 = tpu.memref_slice %arg5[%arg1, %add3A_37, %dma_wait3A_57] : memref<16x176x128xi32, #tpu.memory_space<hbm>> -> memref<1x8x128xi32, #tpu.memory_space<hbm>>
        %dma_wait3A_59 = tpu.memref_squeeze %dma_wait3A_58 : memref<1x8x128xi32, #tpu.memory_space<hbm>> -> memref<8x128xi32, #tpu.memory_space<hbm>>
        %dma_wait3A_60 = arith.constant 0 : i32
        %dma_wait3A_61 = arith.constant 0 : i32
        %dma_wait3A_62 = tpu.memref_slice %arg14[%dma_wait3A_60, %dma_wait3A_61] : memref<16x128xi32, #tpu.memory_space<vmem>> -> memref<8x128xi32, #tpu.memory_space<vmem>>
        %dma_wait3A_63 = arith.constant 0 : i32
        %dma_wait3A_64 = tpu.memref_slice %arg5[%arg1, %add3A_37, %dma_wait3A_63] : memref<16x176x128xi32, #tpu.memory_space<hbm>> -> memref<1x8x128xi32, #tpu.memory_space<hbm>>
        %dma_wait3A_65 = tpu.memref_squeeze %dma_wait3A_64 : memref<1x8x128xi32, #tpu.memory_space<hbm>> -> memref<8x128xi32, #tpu.memory_space<hbm>>
        tpu.wait_dma2 semaphore(%run_scoped3A : memref<!tpu.dma_semaphore, #tpu.memory_space<semaphore_mem>>) src(%dma_wait3A_65 : memref<8x128xi32, #tpu.memory_space<hbm>>) dst(%dma_wait3A_62 : memref<8x128xi32, #tpu.memory_space<vmem>>)
        tpu.yield
      }) : () -> ()
      %scan3A_38 = arith.constant 0 : i32
      %scan3A_39 = arith.constant 0 : i32
      %scan3A_40 = arith.constant 8 : i32
      %scan3A_41 = arith.addi %scan3A_39, %scan3A_40 : i32
      %scan3A_42 = arith.constant 1 : i32
      scf.for %scan3A_44 = %scan3A_39 to %scan3A_41 step %scan3A_42  : i32 {
        %dma_start3A = arith.constant 0 : i32
        %dma_start3A_45 = tpu.memref_slice %arg13[%scan3A_44, %dma_start3A] : memref<16x128xi32, #tpu.memory_space<vmem>> -> memref<1x128xi32, #tpu.memory_space<vmem>>
        %dma_start3A_46 = tpu.memref_squeeze %dma_start3A_45 : memref<1x128xi32, #tpu.memory_space<vmem>> -> memref<128xi32, #tpu.memory_space<vmem>>
        %dma_start3A_47 = arith.constant 0 : i32
        %dma_start3A_48 = arith.constant 0 : i32
        %dma_start3A_49 = tpu.memref_slice %arg2[%dma_start3A_47, %dma_start3A_48] : memref<10016x128xf32, #tpu.memory_space<hbm>> -> memref<10016x128xf32, #tpu.memory_space<hbm>>
        tpu.enqueue_indirect_dma source(%dma_start3A_49 : memref<10016x128xf32, #tpu.memory_space<hbm>>) target(%arg17 : memref<128x128xf32, #tpu.memory_space<vmem>>) offsets(%dma_start3A_46 : memref<128xi32, #tpu.memory_space<vmem>>) semaphore(%arg18 : memref<!tpu.dma_semaphore, #tpu.memory_space<semaphore_mem>>)
        %get3A = arith.index_cast %scan3A_44 : i32 to index
        %get3A_50 = arith.constant 0 : index
        %get3A_51 = tpu.vector_load %arg14[%get3A, %get3A_50] {strides = array<i32>} : memref<16x128xi32, #tpu.memory_space<vmem>>, vector<16xi32>,
        %get3A_52 = arith.index_cast %scan3A_44 : i32 to index
        %get3A_53 = arith.constant 16 : index
        %get3A_54 = tpu.vector_load %arg14[%get3A_52, %get3A_53] {strides = array<i32>} : memref<16x128xi32, #tpu.memory_space<vmem>>, vector<16xi32>,
        %get3A_55 = arith.index_cast %scan3A_44 : i32 to index
        %get3A_56 = arith.constant 32 : index
        %get3A_57 = tpu.vector_load %arg14[%get3A_55, %get3A_56] {strides = array<i32>} : memref<16x128xi32, #tpu.memory_space<vmem>>, vector<16xi32>,
        %get3A_58 = arith.index_cast %scan3A_44 : i32 to index
        %get3A_59 = arith.constant 48 : index
        %get3A_60 = tpu.vector_load %arg14[%get3A_58, %get3A_59] {strides = array<i32>} : memref<16x128xi32, #tpu.memory_space<vmem>>, vector<16xi32>,
        %get3A_61 = arith.index_cast %scan3A_44 : i32 to index
        %get3A_62 = arith.constant 64 : index
        %get3A_63 = tpu.vector_load %arg14[%get3A_61, %get3A_62] {strides = array<i32>} : memref<16x128xi32, #tpu.memory_space<vmem>>, vector<16xi32>,
        %get3A_64 = arith.index_cast %scan3A_44 : i32 to index
        %get3A_65 = arith.constant 80 : index
        %get3A_66 = tpu.vector_load %arg14[%get3A_64, %get3A_65] {strides = array<i32>} : memref<16x128xi32, #tpu.memory_space<vmem>>, vector<16xi32>,
        %get3A_67 = arith.index_cast %scan3A_44 : i32 to index
        %get3A_68 = arith.constant 96 : index
        %get3A_69 = tpu.vector_load %arg14[%get3A_67, %get3A_68] {strides = array<i32>} : memref<16x128xi32, #tpu.memory_space<vmem>>, vector<16xi32>,
        %get3A_70 = arith.index_cast %scan3A_44 : i32 to index
        %get3A_71 = arith.constant 112 : index
        %get3A_72 = tpu.vector_load %arg14[%get3A_70, %get3A_71] {strides = array<i32>} : memref<16x128xi32, #tpu.memory_space<vmem>>, vector<16xi32>,
        %get3A_73 = arith.index_cast %scan3A_44 : i32 to index
        %get3A_74 = arith.constant 0 : index
        %get3A_75 = tpu.vector_load %arg13[%get3A_73, %get3A_74] {strides = array<i32>} : memref<16x128xi32, #tpu.memory_space<vmem>>, vector<16xi32>,
        %get3A_76 = arith.index_cast %scan3A_44 : i32 to index
        %get3A_77 = arith.constant 0 : index
        %get3A_78 = tpu.vector_load %arg14[%get3A_76, %get3A_77] {strides = array<i32>} : memref<16x128xi32, #tpu.memory_space<vmem>>, vector<16xi32>,
        %gather3A = tpu.vector_load_idx %arg11[%get3A_75] : memref<10016xi32, #tpu.memory_space<vmem>>[vector<16xi32>], vector<16xi32>,
        %gather3A_79 = tpu.vector_load_idx %arg11[%get3A_78] : memref<10016xi32, #tpu.memory_space<vmem>>[vector<16xi32>], vector<16xi32>,
        %shift_left3A = arith.constant 16 : i32
        %shift_left3A_80 = vector.broadcast %shift_left3A : i32 to vector<16xi32>
        %shift_left3A_81 = arith.shli %gather3A, %shift_left3A_80 : vector<16xi32>
        %bitcast3A = vector.bitcast %shift_left3A_81 : vector<16xi32> to vector<16xf32>
        %and3A = arith.constant -65536 : i32
        %and3A_82 = vector.broadcast %and3A : i32 to vector<16xi32>
        %and3A_83 = arith.andi %gather3A_79, %and3A_82 : vector<16xi32>
        %bitcast3A_84 = vector.bitcast %and3A_83 : vector<16xi32> to vector<16xf32>
        %add3A_85 = arith.addf %bitcast3A, %bitcast3A_84 : vector<16xf32>
        %mul3A_86 = arith.constant 2.000000e-01 : f32
        %mul3A_87 = vector.broadcast %mul3A_86 : f32 to vector<16xf32>
        %mul3A_88 = arith.mulf %mul3A_87, %add3A_85 : vector<16xf32>
        %max3A = arith.maximumf %add3A_85, %mul3A_88 : vector<16xf32>
        %exp3A = math.exp %max3A : vector<16xf32>
        %get3A_89 = arith.index_cast %scan3A_44 : i32 to index
        %get3A_90 = arith.constant 16 : index
        %get3A_91 = tpu.vector_load %arg13[%get3A_89, %get3A_90] {strides = array<i32>} : memref<16x128xi32, #tpu.memory_space<vmem>>, vector<16xi32>,
        %get3A_92 = arith.index_cast %scan3A_44 : i32 to index
        %get3A_93 = arith.constant 16 : index
        %get3A_94 = tpu.vector_load %arg14[%get3A_92, %get3A_93] {strides = array<i32>} : memref<16x128xi32, #tpu.memory_space<vmem>>, vector<16xi32>,
        %gather3A_95 = tpu.vector_load_idx %arg11[%get3A_91] : memref<10016xi32, #tpu.memory_space<vmem>>[vector<16xi32>], vector<16xi32>,
        %gather3A_96 = tpu.vector_load_idx %arg11[%get3A_94] : memref<10016xi32, #tpu.memory_space<vmem>>[vector<16xi32>], vector<16xi32>,
        %shift_left3A_97 = arith.constant 16 : i32
        %shift_left3A_98 = vector.broadcast %shift_left3A_97 : i32 to vector<16xi32>
        %shift_left3A_99 = arith.shli %gather3A_95, %shift_left3A_98 : vector<16xi32>
        %bitcast3A_100 = vector.bitcast %shift_left3A_99 : vector<16xi32> to vector<16xf32>
        %and3A_101 = arith.constant -65536 : i32
        %and3A_102 = vector.broadcast %and3A_101 : i32 to vector<16xi32>
        %and3A_103 = arith.andi %gather3A_96, %and3A_102 : vector<16xi32>
        %bitcast3A_104 = vector.bitcast %and3A_103 : vector<16xi32> to vector<16xf32>
        %add3A_105 = arith.addf %bitcast3A_100, %bitcast3A_104 : vector<16xf32>
        %mul3A_106 = arith.constant 2.000000e-01 : f32
        %mul3A_107 = vector.broadcast %mul3A_106 : f32 to vector<16xf32>
        %mul3A_108 = arith.mulf %mul3A_107, %add3A_105 : vector<16xf32>
        %max3A_109 = arith.maximumf %add3A_105, %mul3A_108 : vector<16xf32>
        %exp3A_110 = math.exp %max3A_109 : vector<16xf32>
        %get3A_111 = arith.index_cast %scan3A_44 : i32 to index
        %get3A_112 = arith.constant 32 : index
        %get3A_113 = tpu.vector_load %arg13[%get3A_111, %get3A_112] {strides = array<i32>} : memref<16x128xi32, #tpu.memory_space<vmem>>, vector<16xi32>,
        %get3A_114 = arith.index_cast %scan3A_44 : i32 to index
        %get3A_115 = arith.constant 32 : index
        %get3A_116 = tpu.vector_load %arg14[%get3A_114, %get3A_115] {strides = array<i32>} : memref<16x128xi32, #tpu.memory_space<vmem>>, vector<16xi32>,
        %gather3A_117 = tpu.vector_load_idx %arg11[%get3A_113] : memref<10016xi32, #tpu.memory_space<vmem>>[vector<16xi32>], vector<16xi32>,
        %gather3A_118 = tpu.vector_load_idx %arg11[%get3A_116] : memref<10016xi32, #tpu.memory_space<vmem>>[vector<16xi32>], vector<16xi32>,
        %shift_left3A_119 = arith.constant 16 : i32
        %shift_left3A_120 = vector.broadcast %shift_left3A_119 : i32 to vector<16xi32>
        %shift_left3A_121 = arith.shli %gather3A_117, %shift_left3A_120 : vector<16xi32>
        %bitcast3A_122 = vector.bitcast %shift_left3A_121 : vector<16xi32> to vector<16xf32>
        %and3A_123 = arith.constant -65536 : i32
        %and3A_124 = vector.broadcast %and3A_123 : i32 to vector<16xi32>
        %and3A_125 = arith.andi %gather3A_118, %and3A_124 : vector<16xi32>
        %bitcast3A_126 = vector.bitcast %and3A_125 : vector<16xi32> to vector<16xf32>
        %add3A_127 = arith.addf %bitcast3A_122, %bitcast3A_126 : vector<16xf32>
        %mul3A_128 = arith.constant 2.000000e-01 : f32
        %mul3A_129 = vector.broadcast %mul3A_128 : f32 to vector<16xf32>
        %mul3A_130 = arith.mulf %mul3A_129, %add3A_127 : vector<16xf32>
        %max3A_131 = arith.maximumf %add3A_127, %mul3A_130 : vector<16xf32>
        %exp3A_132 = math.exp %max3A_131 : vector<16xf32>
        %get3A_133 = arith.index_cast %scan3A_44 : i32 to index
        %get3A_134 = arith.constant 48 : index
        %get3A_135 = tpu.vector_load %arg13[%get3A_133, %get3A_134] {strides = array<i32>} : memref<16x128xi32, #tpu.memory_space<vmem>>, vector<16xi32>,
        %get3A_136 = arith.index_cast %scan3A_44 : i32 to index
        %get3A_137 = arith.constant 48 : index
        %get3A_138 = tpu.vector_load %arg14[%get3A_136, %get3A_137] {strides = array<i32>} : memref<16x128xi32, #tpu.memory_space<vmem>>, vector<16xi32>,
        %gather3A_139 = tpu.vector_load_idx %arg11[%get3A_135] : memref<10016xi32, #tpu.memory_space<vmem>>[vector<16xi32>], vector<16xi32>,
        %gather3A_140 = tpu.vector_load_idx %arg11[%get3A_138] : memref<10016xi32, #tpu.memory_space<vmem>>[vector<16xi32>], vector<16xi32>,
        %shift_left3A_141 = arith.constant 16 : i32
        %shift_left3A_142 = vector.broadcast %shift_left3A_141 : i32 to vector<16xi32>
        %shift_left3A_143 = arith.shli %gather3A_139, %shift_left3A_142 : vector<16xi32>
        %bitcast3A_144 = vector.bitcast %shift_left3A_143 : vector<16xi32> to vector<16xf32>
        %and3A_145 = arith.constant -65536 : i32
        %and3A_146 = vector.broadcast %and3A_145 : i32 to vector<16xi32>
        %and3A_147 = arith.andi %gather3A_140, %and3A_146 : vector<16xi32>
        %bitcast3A_148 = vector.bitcast %and3A_147 : vector<16xi32> to vector<16xf32>
        %add3A_149 = arith.addf %bitcast3A_144, %bitcast3A_148 : vector<16xf32>
        %mul3A_150 = arith.constant 2.000000e-01 : f32
        %mul3A_151 = vector.broadcast %mul3A_150 : f32 to vector<16xf32>
        %mul3A_152 = arith.mulf %mul3A_151, %add3A_149 : vector<16xf32>
        %max3A_153 = arith.maximumf %add3A_149, %mul3A_152 : vector<16xf32>
        %exp3A_154 = math.exp %max3A_153 : vector<16xf32>
        %get3A_155 = arith.index_cast %scan3A_44 : i32 to index
        %get3A_156 = arith.constant 64 : index
        %get3A_157 = tpu.vector_load %arg13[%get3A_155, %get3A_156] {strides = array<i32>} : memref<16x128xi32, #tpu.memory_space<vmem>>, vector<16xi32>,
        %get3A_158 = arith.index_cast %scan3A_44 : i32 to index
        %get3A_159 = arith.constant 64 : index
        %get3A_160 = tpu.vector_load %arg14[%get3A_158, %get3A_159] {strides = array<i32>} : memref<16x128xi32, #tpu.memory_space<vmem>>, vector<16xi32>,
        %gather3A_161 = tpu.vector_load_idx %arg11[%get3A_157] : memref<10016xi32, #tpu.memory_space<vmem>>[vector<16xi32>], vector<16xi32>,
        %gather3A_162 = tpu.vector_load_idx %arg11[%get3A_160] : memref<10016xi32, #tpu.memory_space<vmem>>[vector<16xi32>], vector<16xi32>,
        %shift_left3A_163 = arith.constant 16 : i32
        %shift_left3A_164 = vector.broadcast %shift_left3A_163 : i32 to vector<16xi32>
        %shift_left3A_165 = arith.shli %gather3A_161, %shift_left3A_164 : vector<16xi32>
        %bitcast3A_166 = vector.bitcast %shift_left3A_165 : vector<16xi32> to vector<16xf32>
        %and3A_167 = arith.constant -65536 : i32
        %and3A_168 = vector.broadcast %and3A_167 : i32 to vector<16xi32>
        %and3A_169 = arith.andi %gather3A_162, %and3A_168 : vector<16xi32>
        %bitcast3A_170 = vector.bitcast %and3A_169 : vector<16xi32> to vector<16xf32>
        %add3A_171 = arith.addf %bitcast3A_166, %bitcast3A_170 : vector<16xf32>
        %mul3A_172 = arith.constant 2.000000e-01 : f32
        %mul3A_173 = vector.broadcast %mul3A_172 : f32 to vector<16xf32>
        %mul3A_174 = arith.mulf %mul3A_173, %add3A_171 : vector<16xf32>
        %max3A_175 = arith.maximumf %add3A_171, %mul3A_174 : vector<16xf32>
        %exp3A_176 = math.exp %max3A_175 : vector<16xf32>
        %get3A_177 = arith.index_cast %scan3A_44 : i32 to index
        %get3A_178 = arith.constant 80 : index
        %get3A_179 = tpu.vector_load %arg13[%get3A_177, %get3A_178] {strides = array<i32>} : memref<16x128xi32, #tpu.memory_space<vmem>>, vector<16xi32>,
        %get3A_180 = arith.index_cast %scan3A_44 : i32 to index
        %get3A_181 = arith.constant 80 : index
        %get3A_182 = tpu.vector_load %arg14[%get3A_180, %get3A_181] {strides = array<i32>} : memref<16x128xi32, #tpu.memory_space<vmem>>, vector<16xi32>,
        %gather3A_183 = tpu.vector_load_idx %arg11[%get3A_179] : memref<10016xi32, #tpu.memory_space<vmem>>[vector<16xi32>], vector<16xi32>,
        %gather3A_184 = tpu.vector_load_idx %arg11[%get3A_182] : memref<10016xi32, #tpu.memory_space<vmem>>[vector<16xi32>], vector<16xi32>,
        %shift_left3A_185 = arith.constant 16 : i32
        %shift_left3A_186 = vector.broadcast %shift_left3A_185 : i32 to vector<16xi32>
        %shift_left3A_187 = arith.shli %gather3A_183, %shift_left3A_186 : vector<16xi32>
        %bitcast3A_188 = vector.bitcast %shift_left3A_187 : vector<16xi32> to vector<16xf32>
        %and3A_189 = arith.constant -65536 : i32
        %and3A_190 = vector.broadcast %and3A_189 : i32 to vector<16xi32>
        %and3A_191 = arith.andi %gather3A_184, %and3A_190 : vector<16xi32>
        %bitcast3A_192 = vector.bitcast %and3A_191 : vector<16xi32> to vector<16xf32>
        %add3A_193 = arith.addf %bitcast3A_188, %bitcast3A_192 : vector<16xf32>
        %mul3A_194 = arith.constant 2.000000e-01 : f32
        %mul3A_195 = vector.broadcast %mul3A_194 : f32 to vector<16xf32>
        %mul3A_196 = arith.mulf %mul3A_195, %add3A_193 : vector<16xf32>
        %max3A_197 = arith.maximumf %add3A_193, %mul3A_196 : vector<16xf32>
        %exp3A_198 = math.exp %max3A_197 : vector<16xf32>
        %get3A_199 = arith.index_cast %scan3A_44 : i32 to index
        %get3A_200 = arith.constant 96 : index
        %get3A_201 = tpu.vector_load %arg13[%get3A_199, %get3A_200] {strides = array<i32>} : memref<16x128xi32, #tpu.memory_space<vmem>>, vector<16xi32>,
        %get3A_202 = arith.index_cast %scan3A_44 : i32 to index
        %get3A_203 = arith.constant 96 : index
        %get3A_204 = tpu.vector_load %arg14[%get3A_202, %get3A_203] {strides = array<i32>} : memref<16x128xi32, #tpu.memory_space<vmem>>, vector<16xi32>,
        %gather3A_205 = tpu.vector_load_idx %arg11[%get3A_201] : memref<10016xi32, #tpu.memory_space<vmem>>[vector<16xi32>], vector<16xi32>,
        %gather3A_206 = tpu.vector_load_idx %arg11[%get3A_204] : memref<10016xi32, #tpu.memory_space<vmem>>[vector<16xi32>], vector<16xi32>,
        %shift_left3A_207 = arith.constant 16 : i32
        %shift_left3A_208 = vector.broadcast %shift_left3A_207 : i32 to vector<16xi32>
        %shift_left3A_209 = arith.shli %gather3A_205, %shift_left3A_208 : vector<16xi32>
        %bitcast3A_210 = vector.bitcast %shift_left3A_209 : vector<16xi32> to vector<16xf32>
        %and3A_211 = arith.constant -65536 : i32
        %and3A_212 = vector.broadcast %and3A_211 : i32 to vector<16xi32>
        %and3A_213 = arith.andi %gather3A_206, %and3A_212 : vector<16xi32>
        %bitcast3A_214 = vector.bitcast %and3A_213 : vector<16xi32> to vector<16xf32>
        %add3A_215 = arith.addf %bitcast3A_210, %bitcast3A_214 : vector<16xf32>
        %mul3A_216 = arith.constant 2.000000e-01 : f32
        %mul3A_217 = vector.broadcast %mul3A_216 : f32 to vector<16xf32>
        %mul3A_218 = arith.mulf %mul3A_217, %add3A_215 : vector<16xf32>
        %max3A_219 = arith.maximumf %add3A_215, %mul3A_218 : vector<16xf32>
        %exp3A_220 = math.exp %max3A_219 : vector<16xf32>
        %get3A_221 = arith.index_cast %scan3A_44 : i32 to index
        %get3A_222 = arith.constant 112 : index
        %get3A_223 = tpu.vector_load %arg13[%get3A_221, %get3A_222] {strides = array<i32>} : memref<16x128xi32, #tpu.memory_space<vmem>>, vector<16xi32>,
        %get3A_224 = arith.index_cast %scan3A_44 : i32 to index
        %get3A_225 = arith.constant 112 : index
        %get3A_226 = tpu.vector_load %arg14[%get3A_224, %get3A_225] {strides = array<i32>} : memref<16x128xi32, #tpu.memory_space<vmem>>, vector<16xi32>,
        %gather3A_227 = tpu.vector_load_idx %arg11[%get3A_223] : memref<10016xi32, #tpu.memory_space<vmem>>[vector<16xi32>], vector<16xi32>,
        %gather3A_228 = tpu.vector_load_idx %arg11[%get3A_226] : memref<10016xi32, #tpu.memory_space<vmem>>[vector<16xi32>], vector<16xi32>,
        %shift_left3A_229 = arith.constant 16 : i32
        %shift_left3A_230 = vector.broadcast %shift_left3A_229 : i32 to vector<16xi32>
        %shift_left3A_231 = arith.shli %gather3A_227, %shift_left3A_230 : vector<16xi32>
        %bitcast3A_232 = vector.bitcast %shift_left3A_231 : vector<16xi32> to vector<16xf32>
        %and3A_233 = arith.constant -65536 : i32
        %and3A_234 = vector.broadcast %and3A_233 : i32 to vector<16xi32>
        %and3A_235 = arith.andi %gather3A_228, %and3A_234 : vector<16xi32>
        %bitcast3A_236 = vector.bitcast %and3A_235 : vector<16xi32> to vector<16xf32>
        %add3A_237 = arith.addf %bitcast3A_232, %bitcast3A_236 : vector<16xf32>
        %mul3A_238 = arith.constant 2.000000e-01 : f32
        %mul3A_239 = vector.broadcast %mul3A_238 : f32 to vector<16xf32>
        %mul3A_240 = arith.mulf %mul3A_239, %add3A_237 : vector<16xf32>
        %max3A_241 = arith.maximumf %add3A_237, %mul3A_240 : vector<16xf32>
        %exp3A_242 = math.exp %max3A_241 : vector<16xf32>
        %shift_right_arithmetic3A = arith.constant 7 : i32
        %shift_right_arithmetic3A_243 = vector.broadcast %shift_right_arithmetic3A : i32 to vector<16xi32>
        %shift_right_arithmetic3A_244 = arith.shrsi %get3A_51, %shift_right_arithmetic3A_243 : vector<16xi32>
        %and3A_245 = arith.constant 127 : i32
        %and3A_246 = vector.broadcast %and3A_245 : i32 to vector<16xi32>
        %and3A_247 = arith.andi %get3A_51, %and3A_246 : vector<16xi32>
        %gather3A_248 = tpu.vector_load_idx %arg12[%shift_right_arithmetic3A_244, %and3A_247] : memref<80x128xf32, #tpu.memory_space<vmem>>[vector<16xi32>, vector<16xi32>], vector<16xf32>,
        %shift_right_arithmetic3A_249 = arith.constant 7 : i32
        %shift_right_arithmetic3A_250 = vector.broadcast %shift_right_arithmetic3A_249 : i32 to vector<16xi32>
        %shift_right_arithmetic3A_251 = arith.shrsi %get3A_54, %shift_right_arithmetic3A_250 : vector<16xi32>
        %and3A_252 = arith.constant 127 : i32
        %and3A_253 = vector.broadcast %and3A_252 : i32 to vector<16xi32>
        %and3A_254 = arith.andi %get3A_54, %and3A_253 : vector<16xi32>
        %gather3A_255 = tpu.vector_load_idx %arg12[%shift_right_arithmetic3A_251, %and3A_254] : memref<80x128xf32, #tpu.memory_space<vmem>>[vector<16xi32>, vector<16xi32>], vector<16xf32>,
        %shift_right_arithmetic3A_256 = arith.constant 7 : i32
        %shift_right_arithmetic3A_257 = vector.broadcast %shift_right_arithmetic3A_256 : i32 to vector<16xi32>
        %shift_right_arithmetic3A_258 = arith.shrsi %get3A_57, %shift_right_arithmetic3A_257 : vector<16xi32>
        %and3A_259 = arith.constant 127 : i32
        %and3A_260 = vector.broadcast %and3A_259 : i32 to vector<16xi32>
        %and3A_261 = arith.andi %get3A_57, %and3A_260 : vector<16xi32>
        %gather3A_262 = tpu.vector_load_idx %arg12[%shift_right_arithmetic3A_258, %and3A_261] : memref<80x128xf32, #tpu.memory_space<vmem>>[vector<16xi32>, vector<16xi32>], vector<16xf32>,
        %shift_right_arithmetic3A_263 = arith.constant 7 : i32
        %shift_right_arithmetic3A_264 = vector.broadcast %shift_right_arithmetic3A_263 : i32 to vector<16xi32>
        %shift_right_arithmetic3A_265 = arith.shrsi %get3A_60, %shift_right_arithmetic3A_264 : vector<16xi32>
        %and3A_266 = arith.constant 127 : i32
        %and3A_267 = vector.broadcast %and3A_266 : i32 to vector<16xi32>
        %and3A_268 = arith.andi %get3A_60, %and3A_267 : vector<16xi32>
        %gather3A_269 = tpu.vector_load_idx %arg12[%shift_right_arithmetic3A_265, %and3A_268] : memref<80x128xf32, #tpu.memory_space<vmem>>[vector<16xi32>, vector<16xi32>], vector<16xf32>,
        %shift_right_arithmetic3A_270 = arith.constant 7 : i32
        %shift_right_arithmetic3A_271 = vector.broadcast %shift_right_arithmetic3A_270 : i32 to vector<16xi32>
        %shift_right_arithmetic3A_272 = arith.shrsi %get3A_63, %shift_right_arithmetic3A_271 : vector<16xi32>
        %and3A_273 = arith.constant 127 : i32
        %and3A_274 = vector.broadcast %and3A_273 : i32 to vector<16xi32>
        %and3A_275 = arith.andi %get3A_63, %and3A_274 : vector<16xi32>
        %gather3A_276 = tpu.vector_load_idx %arg12[%shift_right_arithmetic3A_272, %and3A_275] : memref<80x128xf32, #tpu.memory_space<vmem>>[vector<16xi32>, vector<16xi32>], vector<16xf32>,
        %shift_right_arithmetic3A_277 = arith.constant 7 : i32
        %shift_right_arithmetic3A_278 = vector.broadcast %shift_right_arithmetic3A_277 : i32 to vector<16xi32>
        %shift_right_arithmetic3A_279 = arith.shrsi %get3A_66, %shift_right_arithmetic3A_278 : vector<16xi32>
        %and3A_280 = arith.constant 127 : i32
        %and3A_281 = vector.broadcast %and3A_280 : i32 to vector<16xi32>
        %and3A_282 = arith.andi %get3A_66, %and3A_281 : vector<16xi32>
        %gather3A_283 = tpu.vector_load_idx %arg12[%shift_right_arithmetic3A_279, %and3A_282] : memref<80x128xf32, #tpu.memory_space<vmem>>[vector<16xi32>, vector<16xi32>], vector<16xf32>,
        %shift_right_arithmetic3A_284 = arith.constant 7 : i32
        %shift_right_arithmetic3A_285 = vector.broadcast %shift_right_arithmetic3A_284 : i32 to vector<16xi32>
        %shift_right_arithmetic3A_286 = arith.shrsi %get3A_69, %shift_right_arithmetic3A_285 : vector<16xi32>
        %and3A_287 = arith.constant 127 : i32
        %and3A_288 = vector.broadcast %and3A_287 : i32 to vector<16xi32>
        %and3A_289 = arith.andi %get3A_69, %and3A_288 : vector<16xi32>
        %gather3A_290 = tpu.vector_load_idx %arg12[%shift_right_arithmetic3A_286, %and3A_289] : memref<80x128xf32, #tpu.memory_space<vmem>>[vector<16xi32>, vector<16xi32>], vector<16xf32>,
        %shift_right_arithmetic3A_291 = arith.constant 7 : i32
        %shift_right_arithmetic3A_292 = vector.broadcast %shift_right_arithmetic3A_291 : i32 to vector<16xi32>
        %shift_right_arithmetic3A_293 = arith.shrsi %get3A_72, %shift_right_arithmetic3A_292 : vector<16xi32>
        %and3A_294 = arith.constant 127 : i32
        %and3A_295 = vector.broadcast %and3A_294 : i32 to vector<16xi32>
        %and3A_296 = arith.andi %get3A_72, %and3A_295 : vector<16xi32>
        %gather3A_297 = tpu.vector_load_idx %arg12[%shift_right_arithmetic3A_293, %and3A_296] : memref<80x128xf32, #tpu.memory_space<vmem>>[vector<16xi32>, vector<16xi32>], vector<16xf32>,
        %add3A_298 = arith.constant 1.000000e-16 : f32
        %add3A_299 = vector.broadcast %add3A_298 : f32 to vector<16xf32>
        %add3A_300 = arith.addf %gather3A_248, %add3A_299 : vector<16xf32>
        %div3A = arith.divf %exp3A, %add3A_300 : vector<16xf32>
        %swap3A = arith.constant 0 : index
        %swap3A_301 = tpu.vector_load %arg15[%swap3A] {strides = array<i32>} : memref<144xf32, #tpu.memory_space<vmem>>, vector<16xf32>,
        tpu.vector_store %arg15[%swap3A], %div3A {strides = array<i32>} : memref<144xf32, #tpu.memory_space<vmem>>, vector<16xf32>,
        %add3A_302 = arith.constant 1.000000e-16 : f32
        %add3A_303 = vector.broadcast %add3A_302 : f32 to vector<16xf32>
        %add3A_304 = arith.addf %gather3A_255, %add3A_303 : vector<16xf32>
        %div3A_305 = arith.divf %exp3A_110, %add3A_304 : vector<16xf32>
        %swap3A_306 = arith.constant 16 : index
        %swap3A_307 = tpu.vector_load %arg15[%swap3A_306] {strides = array<i32>} : memref<144xf32, #tpu.memory_space<vmem>>, vector<16xf32>,
        tpu.vector_store %arg15[%swap3A_306], %div3A_305 {strides = array<i32>} : memref<144xf32, #tpu.memory_space<vmem>>, vector<16xf32>,
        %add3A_308 = arith.constant 1.000000e-16 : f32
        %add3A_309 = vector.broadcast %add3A_308 : f32 to vector<16xf32>
        %add3A_310 = arith.addf %gather3A_262, %add3A_309 : vector<16xf32>
        %div3A_311 = arith.divf %exp3A_132, %add3A_310 : vector<16xf32>
        %swap3A_312 = arith.constant 32 : index
        %swap3A_313 = tpu.vector_load %arg15[%swap3A_312] {strides = array<i32>} : memref<144xf32, #tpu.memory_space<vmem>>, vector<16xf32>,
        tpu.vector_store %arg15[%swap3A_312], %div3A_311 {strides = array<i32>} : memref<144xf32, #tpu.memory_space<vmem>>, vector<16xf32>,
        %add3A_314 = arith.constant 1.000000e-16 : f32
        %add3A_315 = vector.broadcast %add3A_314 : f32 to vector<16xf32>
        %add3A_316 = arith.addf %gather3A_269, %add3A_315 : vector<16xf32>
        %div3A_317 = arith.divf %exp3A_154, %add3A_316 : vector<16xf32>
        %swap3A_318 = arith.constant 48 : index
        %swap3A_319 = tpu.vector_load %arg15[%swap3A_318] {strides = array<i32>} : memref<144xf32, #tpu.memory_space<vmem>>, vector<16xf32>,
        tpu.vector_store %arg15[%swap3A_318], %div3A_317 {strides = array<i32>} : memref<144xf32, #tpu.memory_space<vmem>>, vector<16xf32>,
        %add3A_320 = arith.constant 1.000000e-16 : f32
        %add3A_321 = vector.broadcast %add3A_320 : f32 to vector<16xf32>
        %add3A_322 = arith.addf %gather3A_276, %add3A_321 : vector<16xf32>
        %div3A_323 = arith.divf %exp3A_176, %add3A_322 : vector<16xf32>
        %swap3A_324 = arith.constant 64 : index
        %swap3A_325 = tpu.vector_load %arg15[%swap3A_324] {strides = array<i32>} : memref<144xf32, #tpu.memory_space<vmem>>, vector<16xf32>,
        tpu.vector_store %arg15[%swap3A_324], %div3A_323 {strides = array<i32>} : memref<144xf32, #tpu.memory_space<vmem>>, vector<16xf32>,
        %add3A_326 = arith.constant 1.000000e-16 : f32
        %add3A_327 = vector.broadcast %add3A_326 : f32 to vector<16xf32>
        %add3A_328 = arith.addf %gather3A_283, %add3A_327 : vector<16xf32>
        %div3A_329 = arith.divf %exp3A_198, %add3A_328 : vector<16xf32>
        %swap3A_330 = arith.constant 80 : index
        %swap3A_331 = tpu.vector_load %arg15[%swap3A_330] {strides = array<i32>} : memref<144xf32, #tpu.memory_space<vmem>>, vector<16xf32>,
        tpu.vector_store %arg15[%swap3A_330], %div3A_329 {strides = array<i32>} : memref<144xf32, #tpu.memory_space<vmem>>, vector<16xf32>,
        %add3A_332 = arith.constant 1.000000e-16 : f32
        %add3A_333 = vector.broadcast %add3A_332 : f32 to vector<16xf32>
        %add3A_334 = arith.addf %gather3A_290, %add3A_333 : vector<16xf32>
        %div3A_335 = arith.divf %exp3A_220, %add3A_334 : vector<16xf32>
        %swap3A_336 = arith.constant 96 : index
        %swap3A_337 = tpu.vector_load %arg15[%swap3A_336] {strides = array<i32>} : memref<144xf32, #tpu.memory_space<vmem>>, vector<16xf32>,
        tpu.vector_store %arg15[%swap3A_336], %div3A_335 {strides = array<i32>} : memref<144xf32, #tpu.memory_space<vmem>>, vector<16xf32>,
        %add3A_338 = arith.constant 1.000000e-16 : f32
        %add3A_339 = vector.broadcast %add3A_338 : f32 to vector<16xf32>
        %add3A_340 = arith.addf %gather3A_297, %add3A_339 : vector<16xf32>
        %div3A_341 = arith.divf %exp3A_242, %add3A_340 : vector<16xf32>
        %swap3A_342 = arith.constant 112 : index
        %swap3A_343 = tpu.vector_load %arg15[%swap3A_342] {strides = array<i32>} : memref<144xf32, #tpu.memory_space<vmem>>, vector<16xf32>,
        tpu.vector_store %arg15[%swap3A_342], %div3A_341 {strides = array<i32>} : memref<144xf32, #tpu.memory_space<vmem>>, vector<16xf32>,
        %dma_wait3A = arith.constant 0 : i32
        %dma_wait3A_344 = tpu.memref_slice %arg13[%scan3A_44, %dma_wait3A] : memref<16x128xi32, #tpu.memory_space<vmem>> -> memref<1x128xi32, #tpu.memory_space<vmem>>
        %dma_wait3A_345 = tpu.memref_squeeze %dma_wait3A_344 : memref<1x128xi32, #tpu.memory_space<vmem>> -> memref<128xi32, #tpu.memory_space<vmem>>
        %dma_wait3A_346 = arith.constant 0 : i32
        %dma_wait3A_347 = arith.constant 0 : i32
        %dma_wait3A_348 = tpu.memref_slice %arg2[%dma_wait3A_346, %dma_wait3A_347] : memref<10016x128xf32, #tpu.memory_space<hbm>> -> memref<10016x128xf32, #tpu.memory_space<hbm>>
        tpu.wait_indirect_dma semaphore(%arg18 : memref<!tpu.dma_semaphore, #tpu.memory_space<semaphore_mem>>) src(%dma_wait3A_348 : memref<10016x128xf32, #tpu.memory_space<hbm>>) dst(%arg17 : memref<128x128xf32, #tpu.memory_space<vmem>>)
        %scan3A_349 = arith.constant 0 : i32
        %scan3A_350 = arith.constant 0 : i32
        %scan3A_351 = arith.constant 32 : i32
        %scan3A_352 = arith.addi %scan3A_350, %scan3A_351 : i32
        %scan3A_353 = arith.constant 1 : i32
        scf.for %scan3A_367 = %scan3A_350 to %scan3A_352 step %scan3A_353  : i32 {
          %mul3A_368 = arith.constant 4 : i32
          %mul3A_369 = arith.muli %scan3A_367, %mul3A_368 : i32
          %add3A_370 = arith.constant 0 : i32
          %add3A_371 = arith.addi %mul3A_369, %add3A_370 : i32
          %get3A_372 = arith.index_cast %add3A_371 : i32 to index
          %get3A_373 = tpu.vector_load %arg15[%get3A_372] {strides = array<i32>} : memref<144xf32, #tpu.memory_space<vmem>>, vector<16xf32>,
          %slice3A = vector.extract_strided_slice %get3A_373 {offsets = [0], sizes = [1], strides = [1]} : vector<16xf32> to vector<1xf32>
          %squeeze3A = vector.extract %slice3A[0] : f32 from vector<1xf32>
          %get3A_374 = arith.index_cast %add3A_371 : i32 to index
          %get3A_375 = arith.constant 0 : index
          %get3A_376 = tpu.vector_load %arg17[%get3A_374, %get3A_375] {strides = array<i32>} : memref<128x128xf32, #tpu.memory_space<vmem>>, vector<16xf32>,
          %mul3A_377 = vector.broadcast %squeeze3A : f32 to vector<16xf32>
          %mul3A_378 = arith.mulf %get3A_376, %mul3A_377 : vector<16xf32>
          %swap3A_379 = arith.index_cast %add3A_371 : i32 to index
          %swap3A_380 = arith.constant 0 : index
          %swap3A_381 = tpu.vector_load %arg17[%swap3A_379, %swap3A_380] {strides = array<i32>} : memref<128x128xf32, #tpu.memory_space<vmem>>, vector<16xf32>,
          tpu.vector_store %arg17[%swap3A_379, %swap3A_380], %mul3A_378 {strides = array<i32>} : memref<128x128xf32, #tpu.memory_space<vmem>>, vector<16xf32>,
          %get3A_382 = arith.index_cast %add3A_371 : i32 to index
          %get3A_383 = arith.constant 16 : index
          %get3A_384 = tpu.vector_load %arg17[%get3A_382, %get3A_383] {strides = array<i32>} : memref<128x128xf32, #tpu.memory_space<vmem>>, vector<16xf32>,
          %mul3A_385 = vector.broadcast %squeeze3A : f32 to vector<16xf32>
          %mul3A_386 = arith.mulf %get3A_384, %mul3A_385 : vector<16xf32>
          %swap3A_387 = arith.index_cast %add3A_371 : i32 to index
          %swap3A_388 = arith.constant 16 : index
          %swap3A_389 = tpu.vector_load %arg17[%swap3A_387, %swap3A_388] {strides = array<i32>} : memref<128x128xf32, #tpu.memory_space<vmem>>, vector<16xf32>,
          tpu.vector_store %arg17[%swap3A_387, %swap3A_388], %mul3A_386 {strides = array<i32>} : memref<128x128xf32, #tpu.memory_space<vmem>>, vector<16xf32>,
          %get3A_390 = arith.index_cast %add3A_371 : i32 to index
          %get3A_391 = arith.constant 32 : index
          %get3A_392 = tpu.vector_load %arg17[%get3A_390, %get3A_391] {strides = array<i32>} : memref<128x128xf32, #tpu.memory_space<vmem>>, vector<16xf32>,
          %mul3A_393 = vector.broadcast %squeeze3A : f32 to vector<16xf32>
          %mul3A_394 = arith.mulf %get3A_392, %mul3A_393 : vector<16xf32>
          %swap3A_395 = arith.index_cast %add3A_371 : i32 to index
          %swap3A_396 = arith.constant 32 : index
          %swap3A_397 = tpu.vector_load %arg17[%swap3A_395, %swap3A_396] {strides = array<i32>} : memref<128x128xf32, #tpu.memory_space<vmem>>, vector<16xf32>,
          tpu.vector_store %arg17[%swap3A_395, %swap3A_396], %mul3A_394 {strides = array<i32>} : memref<128x128xf32, #tpu.memory_space<vmem>>, vector<16xf32>,
          %get3A_398 = arith.index_cast %add3A_371 : i32 to index
          %get3A_399 = arith.constant 48 : index
          %get3A_400 = tpu.vector_load %arg17[%get3A_398, %get3A_399] {strides = array<i32>} : memref<128x128xf32, #tpu.memory_space<vmem>>, vector<16xf32>,
          %mul3A_401 = vector.broadcast %squeeze3A : f32 to vector<16xf32>
          %mul3A_402 = arith.mulf %get3A_400, %mul3A_401 : vector<16xf32>
          %swap3A_403 = arith.index_cast %add3A_371 : i32 to index
          %swap3A_404 = arith.constant 48 : index
          %swap3A_405 = tpu.vector_load %arg17[%swap3A_403, %swap3A_404] {strides = array<i32>} : memref<128x128xf32, #tpu.memory_space<vmem>>, vector<16xf32>,
          tpu.vector_store %arg17[%swap3A_403, %swap3A_404], %mul3A_402 {strides = array<i32>} : memref<128x128xf32, #tpu.memory_space<vmem>>, vector<16xf32>,
          %get3A_406 = arith.index_cast %add3A_371 : i32 to index
          %get3A_407 = arith.constant 64 : index
          %get3A_408 = tpu.vector_load %arg17[%get3A_406, %get3A_407] {strides = array<i32>} : memref<128x128xf32, #tpu.memory_space<vmem>>, vector<16xf32>,
          %mul3A_409 = vector.broadcast %squeeze3A : f32 to vector<16xf32>
          %mul3A_410 = arith.mulf %get3A_408, %mul3A_409 : vector<16xf32>
          %swap3A_411 = arith.index_cast %add3A_371 : i32 to index
          %swap3A_412 = arith.constant 64 : index
          %swap3A_413 = tpu.vector_load %arg17[%swap3A_411, %swap3A_412] {strides = array<i32>} : memref<128x128xf32, #tpu.memory_space<vmem>>, vector<16xf32>,
          tpu.vector_store %arg17[%swap3A_411, %swap3A_412], %mul3A_410 {strides = array<i32>} : memref<128x128xf32, #tpu.memory_space<vmem>>, vector<16xf32>,
          %get3A_414 = arith.index_cast %add3A_371 : i32 to index
          %get3A_415 = arith.constant 80 : index
          %get3A_416 = tpu.vector_load %arg17[%get3A_414, %get3A_415] {strides = array<i32>} : memref<128x128xf32, #tpu.memory_space<vmem>>, vector<16xf32>,
          %mul3A_417 = vector.broadcast %squeeze3A : f32 to vector<16xf32>
          %mul3A_418 = arith.mulf %get3A_416, %mul3A_417 : vector<16xf32>
          %swap3A_419 = arith.index_cast %add3A_371 : i32 to index
          %swap3A_420 = arith.constant 80 : index
          %swap3A_421 = tpu.vector_load %arg17[%swap3A_419, %swap3A_420] {strides = array<i32>} : memref<128x128xf32, #tpu.memory_space<vmem>>, vector<16xf32>,
          tpu.vector_store %arg17[%swap3A_419, %swap3A_420], %mul3A_418 {strides = array<i32>} : memref<128x128xf32, #tpu.memory_space<vmem>>, vector<16xf32>,
          %get3A_422 = arith.index_cast %add3A_371 : i32 to index
          %get3A_423 = arith.constant 96 : index
          %get3A_424 = tpu.vector_load %arg17[%get3A_422, %get3A_423] {strides = array<i32>} : memref<128x128xf32, #tpu.memory_space<vmem>>, vector<16xf32>,
          %mul3A_425 = vector.broadcast %squeeze3A : f32 to vector<16xf32>
          %mul3A_426 = arith.mulf %get3A_424, %mul3A_425 : vector<16xf32>
          %swap3A_427 = arith.index_cast %add3A_371 : i32 to index
          %swap3A_428 = arith.constant 96 : index
          %swap3A_429 = tpu.vector_load %arg17[%swap3A_427, %swap3A_428] {strides = array<i32>} : memref<128x128xf32, #tpu.memory_space<vmem>>, vector<16xf32>,
          tpu.vector_store %arg17[%swap3A_427, %swap3A_428], %mul3A_426 {strides = array<i32>} : memref<128x128xf32, #tpu.memory_space<vmem>>, vector<16xf32>,
          %get3A_430 = arith.index_cast %add3A_371 : i32 to index
          %get3A_431 = arith.constant 112 : index
          %get3A_432 = tpu.vector_load %arg17[%get3A_430, %get3A_431] {strides = array<i32>} : memref<128x128xf32, #tpu.memory_space<vmem>>, vector<16xf32>,
          %mul3A_433 = vector.broadcast %squeeze3A : f32 to vector<16xf32>
          %mul3A_434 = arith.mulf %get3A_432, %mul3A_433 : vector<16xf32>
          %swap3A_435 = arith.index_cast %add3A_371 : i32 to index
          %swap3A_436 = arith.constant 112 : index
          %swap3A_437 = tpu.vector_load %arg17[%swap3A_435, %swap3A_436] {strides = array<i32>} : memref<128x128xf32, #tpu.memory_space<vmem>>, vector<16xf32>,
          tpu.vector_store %arg17[%swap3A_435, %swap3A_436], %mul3A_434 {strides = array<i32>} : memref<128x128xf32, #tpu.memory_space<vmem>>, vector<16xf32>,
          %mul3A_438 = arith.constant 4 : i32
          %mul3A_439 = arith.muli %scan3A_367, %mul3A_438 : i32
          %add3A_440 = arith.constant 1 : i32
          %add3A_441 = arith.addi %mul3A_439, %add3A_440 : i32
          %get3A_442 = arith.index_cast %add3A_441 : i32 to index
          %get3A_443 = tpu.vector_load %arg15[%get3A_442] {strides = array<i32>} : memref<144xf32, #tpu.memory_space<vmem>>, vector<16xf32>,
          %slice3A_444 = vector.extract_strided_slice %get3A_443 {offsets = [0], sizes = [1], strides = [1]} : vector<16xf32> to vector<1xf32>
          %squeeze3A_445 = vector.extract %slice3A_444[0] : f32 from vector<1xf32>
          %get3A_446 = arith.index_cast %add3A_441 : i32 to index
          %get3A_447 = arith.constant 0 : index
          %get3A_448 = tpu.vector_load %arg17[%get3A_446, %get3A_447] {strides = array<i32>} : memref<128x128xf32, #tpu.memory_space<vmem>>, vector<16xf32>,
          %mul3A_449 = vector.broadcast %squeeze3A_445 : f32 to vector<16xf32>
          %mul3A_450 = arith.mulf %get3A_448, %mul3A_449 : vector<16xf32>
          %swap3A_451 = arith.index_cast %add3A_441 : i32 to index
          %swap3A_452 = arith.constant 0 : index
          %swap3A_453 = tpu.vector_load %arg17[%swap3A_451, %swap3A_452] {strides = array<i32>} : memref<128x128xf32, #tpu.memory_space<vmem>>, vector<16xf32>,
          tpu.vector_store %arg17[%swap3A_451, %swap3A_452], %mul3A_450 {strides = array<i32>} : memref<128x128xf32, #tpu.memory_space<vmem>>, vector<16xf32>,
          %get3A_454 = arith.index_cast %add3A_441 : i32 to index
          %get3A_455 = arith.constant 16 : index
          %get3A_456 = tpu.vector_load %arg17[%get3A_454, %get3A_455] {strides = array<i32>} : memref<128x128xf32, #tpu.memory_space<vmem>>, vector<16xf32>,
          %mul3A_457 = vector.broadcast %squeeze3A_445 : f32 to vector<16xf32>
          %mul3A_458 = arith.mulf %get3A_456, %mul3A_457 : vector<16xf32>
          %swap3A_459 = arith.index_cast %add3A_441 : i32 to index
          %swap3A_460 = arith.constant 16 : index
          %swap3A_461 = tpu.vector_load %arg17[%swap3A_459, %swap3A_460] {strides = array<i32>} : memref<128x128xf32, #tpu.memory_space<vmem>>, vector<16xf32>,
          tpu.vector_store %arg17[%swap3A_459, %swap3A_460], %mul3A_458 {strides = array<i32>} : memref<128x128xf32, #tpu.memory_space<vmem>>, vector<16xf32>,
          %get3A_462 = arith.index_cast %add3A_441 : i32 to index
          %get3A_463 = arith.constant 32 : index
          %get3A_464 = tpu.vector_load %arg17[%get3A_462, %get3A_463] {strides = array<i32>} : memref<128x128xf32, #tpu.memory_space<vmem>>, vector<16xf32>,
          %mul3A_465 = vector.broadcast %squeeze3A_445 : f32 to vector<16xf32>
          %mul3A_466 = arith.mulf %get3A_464, %mul3A_465 : vector<16xf32>
          %swap3A_467 = arith.index_cast %add3A_441 : i32 to index
          %swap3A_468 = arith.constant 32 : index
          %swap3A_469 = tpu.vector_load %arg17[%swap3A_467, %swap3A_468] {strides = array<i32>} : memref<128x128xf32, #tpu.memory_space<vmem>>, vector<16xf32>,
          tpu.vector_store %arg17[%swap3A_467, %swap3A_468], %mul3A_466 {strides = array<i32>} : memref<128x128xf32, #tpu.memory_space<vmem>>, vector<16xf32>,
          %get3A_470 = arith.index_cast %add3A_441 : i32 to index
          %get3A_471 = arith.constant 48 : index
          %get3A_472 = tpu.vector_load %arg17[%get3A_470, %get3A_471] {strides = array<i32>} : memref<128x128xf32, #tpu.memory_space<vmem>>, vector<16xf32>,
          %mul3A_473 = vector.broadcast %squeeze3A_445 : f32 to vector<16xf32>
          %mul3A_474 = arith.mulf %get3A_472, %mul3A_473 : vector<16xf32>
          %swap3A_475 = arith.index_cast %add3A_441 : i32 to index
          %swap3A_476 = arith.constant 48 : index
          %swap3A_477 = tpu.vector_load %arg17[%swap3A_475, %swap3A_476] {strides = array<i32>} : memref<128x128xf32, #tpu.memory_space<vmem>>, vector<16xf32>,
          tpu.vector_store %arg17[%swap3A_475, %swap3A_476], %mul3A_474 {strides = array<i32>} : memref<128x128xf32, #tpu.memory_space<vmem>>, vector<16xf32>,
          %get3A_478 = arith.index_cast %add3A_441 : i32 to index
          %get3A_479 = arith.constant 64 : index
          %get3A_480 = tpu.vector_load %arg17[%get3A_478, %get3A_479] {strides = array<i32>} : memref<128x128xf32, #tpu.memory_space<vmem>>, vector<16xf32>,
          %mul3A_481 = vector.broadcast %squeeze3A_445 : f32 to vector<16xf32>
          %mul3A_482 = arith.mulf %get3A_480, %mul3A_481 : vector<16xf32>
          %swap3A_483 = arith.index_cast %add3A_441 : i32 to index
          %swap3A_484 = arith.constant 64 : index
          %swap3A_485 = tpu.vector_load %arg17[%swap3A_483, %swap3A_484] {strides = array<i32>} : memref<128x128xf32, #tpu.memory_space<vmem>>, vector<16xf32>,
          tpu.vector_store %arg17[%swap3A_483, %swap3A_484], %mul3A_482 {strides = array<i32>} : memref<128x128xf32, #tpu.memory_space<vmem>>, vector<16xf32>,
          %get3A_486 = arith.index_cast %add3A_441 : i32 to index
          %get3A_487 = arith.constant 80 : index
          %get3A_488 = tpu.vector_load %arg17[%get3A_486, %get3A_487] {strides = array<i32>} : memref<128x128xf32, #tpu.memory_space<vmem>>, vector<16xf32>,
          %mul3A_489 = vector.broadcast %squeeze3A_445 : f32 to vector<16xf32>
          %mul3A_490 = arith.mulf %get3A_488, %mul3A_489 : vector<16xf32>
          %swap3A_491 = arith.index_cast %add3A_441 : i32 to index
          %swap3A_492 = arith.constant 80 : index
          %swap3A_493 = tpu.vector_load %arg17[%swap3A_491, %swap3A_492] {strides = array<i32>} : memref<128x128xf32, #tpu.memory_space<vmem>>, vector<16xf32>,
          tpu.vector_store %arg17[%swap3A_491, %swap3A_492], %mul3A_490 {strides = array<i32>} : memref<128x128xf32, #tpu.memory_space<vmem>>, vector<16xf32>,
          %get3A_494 = arith.index_cast %add3A_441 : i32 to index
          %get3A_495 = arith.constant 96 : index
          %get3A_496 = tpu.vector_load %arg17[%get3A_494, %get3A_495] {strides = array<i32>} : memref<128x128xf32, #tpu.memory_space<vmem>>, vector<16xf32>,
          %mul3A_497 = vector.broadcast %squeeze3A_445 : f32 to vector<16xf32>
          %mul3A_498 = arith.mulf %get3A_496, %mul3A_497 : vector<16xf32>
          %swap3A_499 = arith.index_cast %add3A_441 : i32 to index
          %swap3A_500 = arith.constant 96 : index
          %swap3A_501 = tpu.vector_load %arg17[%swap3A_499, %swap3A_500] {strides = array<i32>} : memref<128x128xf32, #tpu.memory_space<vmem>>, vector<16xf32>,
          tpu.vector_store %arg17[%swap3A_499, %swap3A_500], %mul3A_498 {strides = array<i32>} : memref<128x128xf32, #tpu.memory_space<vmem>>, vector<16xf32>,
          %get3A_502 = arith.index_cast %add3A_441 : i32 to index
          %get3A_503 = arith.constant 112 : index
          %get3A_504 = tpu.vector_load %arg17[%get3A_502, %get3A_503] {strides = array<i32>} : memref<128x128xf32, #tpu.memory_space<vmem>>, vector<16xf32>,
          %mul3A_505 = vector.broadcast %squeeze3A_445 : f32 to vector<16xf32>
          %mul3A_506 = arith.mulf %get3A_504, %mul3A_505 : vector<16xf32>
          %swap3A_507 = arith.index_cast %add3A_441 : i32 to index
          %swap3A_508 = arith.constant 112 : index
          %swap3A_509 = tpu.vector_load %arg17[%swap3A_507, %swap3A_508] {strides = array<i32>} : memref<128x128xf32, #tpu.memory_space<vmem>>, vector<16xf32>,
          tpu.vector_store %arg17[%swap3A_507, %swap3A_508], %mul3A_506 {strides = array<i32>} : memref<128x128xf32, #tpu.memory_space<vmem>>, vector<16xf32>,
          %mul3A_510 = arith.constant 4 : i32
          %mul3A_511 = arith.muli %scan3A_367, %mul3A_510 : i32
          %add3A_512 = arith.constant 2 : i32
          %add3A_513 = arith.addi %mul3A_511, %add3A_512 : i32
          %get3A_514 = arith.index_cast %add3A_513 : i32 to index
          %get3A_515 = tpu.vector_load %arg15[%get3A_514] {strides = array<i32>} : memref<144xf32, #tpu.memory_space<vmem>>, vector<16xf32>,
          %slice3A_516 = vector.extract_strided_slice %get3A_515 {offsets = [0], sizes = [1], strides = [1]} : vector<16xf32> to vector<1xf32>
          %squeeze3A_517 = vector.extract %slice3A_516[0] : f32 from vector<1xf32>
          %get3A_518 = arith.index_cast %add3A_513 : i32 to index
          %get3A_519 = arith.constant 0 : index
          %get3A_520 = tpu.vector_load %arg17[%get3A_518, %get3A_519] {strides = array<i32>} : memref<128x128xf32, #tpu.memory_space<vmem>>, vector<16xf32>,
          %mul3A_521 = vector.broadcast %squeeze3A_517 : f32 to vector<16xf32>
          %mul3A_522 = arith.mulf %get3A_520, %mul3A_521 : vector<16xf32>
          %swap3A_523 = arith.index_cast %add3A_513 : i32 to index
          %swap3A_524 = arith.constant 0 : index
          %swap3A_525 = tpu.vector_load %arg17[%swap3A_523, %swap3A_524] {strides = array<i32>} : memref<128x128xf32, #tpu.memory_space<vmem>>, vector<16xf32>,
          tpu.vector_store %arg17[%swap3A_523, %swap3A_524], %mul3A_522 {strides = array<i32>} : memref<128x128xf32, #tpu.memory_space<vmem>>, vector<16xf32>,
          %get3A_526 = arith.index_cast %add3A_513 : i32 to index
          %get3A_527 = arith.constant 16 : index
          %get3A_528 = tpu.vector_load %arg17[%get3A_526, %get3A_527] {strides = array<i32>} : memref<128x128xf32, #tpu.memory_space<vmem>>, vector<16xf32>,
          %mul3A_529 = vector.broadcast %squeeze3A_517 : f32 to vector<16xf32>
          %mul3A_530 = arith.mulf %get3A_528, %mul3A_529 : vector<16xf32>
          %swap3A_531 = arith.index_cast %add3A_513 : i32 to index
          %swap3A_532 = arith.constant 16 : index
          %swap3A_533 = tpu.vector_load %arg17[%swap3A_531, %swap3A_532] {strides = array<i32>} : memref<128x128xf32, #tpu.memory_space<vmem>>, vector<16xf32>,
          tpu.vector_store %arg17[%swap3A_531, %swap3A_532], %mul3A_530 {strides = array<i32>} : memref<128x128xf32, #tpu.memory_space<vmem>>, vector<16xf32>,
          %get3A_534 = arith.index_cast %add3A_513 : i32 to index
          %get3A_535 = arith.constant 32 : index
          %get3A_536 = tpu.vector_load %arg17[%get3A_534, %get3A_535] {strides = array<i32>} : memref<128x128xf32, #tpu.memory_space<vmem>>, vector<16xf32>,
          %mul3A_537 = vector.broadcast %squeeze3A_517 : f32 to vector<16xf32>
          %mul3A_538 = arith.mulf %get3A_536, %mul3A_537 : vector<16xf32>
          %swap3A_539 = arith.index_cast %add3A_513 : i32 to index
          %swap3A_540 = arith.constant 32 : index
          %swap3A_541 = tpu.vector_load %arg17[%swap3A_539, %swap3A_540] {strides = array<i32>} : memref<128x128xf32, #tpu.memory_space<vmem>>, vector<16xf32>,
          tpu.vector_store %arg17[%swap3A_539, %swap3A_540], %mul3A_538 {strides = array<i32>} : memref<128x128xf32, #tpu.memory_space<vmem>>, vector<16xf32>,
          %get3A_542 = arith.index_cast %add3A_513 : i32 to index
          %get3A_543 = arith.constant 48 : index
          %get3A_544 = tpu.vector_load %arg17[%get3A_542, %get3A_543] {strides = array<i32>} : memref<128x128xf32, #tpu.memory_space<vmem>>, vector<16xf32>,
          %mul3A_545 = vector.broadcast %squeeze3A_517 : f32 to vector<16xf32>
          %mul3A_546 = arith.mulf %get3A_544, %mul3A_545 : vector<16xf32>
          %swap3A_547 = arith.index_cast %add3A_513 : i32 to index
          %swap3A_548 = arith.constant 48 : index
          %swap3A_549 = tpu.vector_load %arg17[%swap3A_547, %swap3A_548] {strides = array<i32>} : memref<128x128xf32, #tpu.memory_space<vmem>>, vector<16xf32>,
          tpu.vector_store %arg17[%swap3A_547, %swap3A_548], %mul3A_546 {strides = array<i32>} : memref<128x128xf32, #tpu.memory_space<vmem>>, vector<16xf32>,
          %get3A_550 = arith.index_cast %add3A_513 : i32 to index
          %get3A_551 = arith.constant 64 : index
          %get3A_552 = tpu.vector_load %arg17[%get3A_550, %get3A_551] {strides = array<i32>} : memref<128x128xf32, #tpu.memory_space<vmem>>, vector<16xf32>,
          %mul3A_553 = vector.broadcast %squeeze3A_517 : f32 to vector<16xf32>
          %mul3A_554 = arith.mulf %get3A_552, %mul3A_553 : vector<16xf32>
          %swap3A_555 = arith.index_cast %add3A_513 : i32 to index
          %swap3A_556 = arith.constant 64 : index
          %swap3A_557 = tpu.vector_load %arg17[%swap3A_555, %swap3A_556] {strides = array<i32>} : memref<128x128xf32, #tpu.memory_space<vmem>>, vector<16xf32>,
          tpu.vector_store %arg17[%swap3A_555, %swap3A_556], %mul3A_554 {strides = array<i32>} : memref<128x128xf32, #tpu.memory_space<vmem>>, vector<16xf32>,
          %get3A_558 = arith.index_cast %add3A_513 : i32 to index
          %get3A_559 = arith.constant 80 : index
          %get3A_560 = tpu.vector_load %arg17[%get3A_558, %get3A_559] {strides = array<i32>} : memref<128x128xf32, #tpu.memory_space<vmem>>, vector<16xf32>,
          %mul3A_561 = vector.broadcast %squeeze3A_517 : f32 to vector<16xf32>
          %mul3A_562 = arith.mulf %get3A_560, %mul3A_561 : vector<16xf32>
          %swap3A_563 = arith.index_cast %add3A_513 : i32 to index
          %swap3A_564 = arith.constant 80 : index
          %swap3A_565 = tpu.vector_load %arg17[%swap3A_563, %swap3A_564] {strides = array<i32>} : memref<128x128xf32, #tpu.memory_space<vmem>>, vector<16xf32>,
          tpu.vector_store %arg17[%swap3A_563, %swap3A_564], %mul3A_562 {strides = array<i32>} : memref<128x128xf32, #tpu.memory_space<vmem>>, vector<16xf32>,
          %get3A_566 = arith.index_cast %add3A_513 : i32 to index
          %get3A_567 = arith.constant 96 : index
          %get3A_568 = tpu.vector_load %arg17[%get3A_566, %get3A_567] {strides = array<i32>} : memref<128x128xf32, #tpu.memory_space<vmem>>, vector<16xf32>,
          %mul3A_569 = vector.broadcast %squeeze3A_517 : f32 to vector<16xf32>
          %mul3A_570 = arith.mulf %get3A_568, %mul3A_569 : vector<16xf32>
          %swap3A_571 = arith.index_cast %add3A_513 : i32 to index
          %swap3A_572 = arith.constant 96 : index
          %swap3A_573 = tpu.vector_load %arg17[%swap3A_571, %swap3A_572] {strides = array<i32>} : memref<128x128xf32, #tpu.memory_space<vmem>>, vector<16xf32>,
          tpu.vector_store %arg17[%swap3A_571, %swap3A_572], %mul3A_570 {strides = array<i32>} : memref<128x128xf32, #tpu.memory_space<vmem>>, vector<16xf32>,
          %get3A_574 = arith.index_cast %add3A_513 : i32 to index
          %get3A_575 = arith.constant 112 : index
          %get3A_576 = tpu.vector_load %arg17[%get3A_574, %get3A_575] {strides = array<i32>} : memref<128x128xf32, #tpu.memory_space<vmem>>, vector<16xf32>,
          %mul3A_577 = vector.broadcast %squeeze3A_517 : f32 to vector<16xf32>
          %mul3A_578 = arith.mulf %get3A_576, %mul3A_577 : vector<16xf32>
          %swap3A_579 = arith.index_cast %add3A_513 : i32 to index
          %swap3A_580 = arith.constant 112 : index
          %swap3A_581 = tpu.vector_load %arg17[%swap3A_579, %swap3A_580] {strides = array<i32>} : memref<128x128xf32, #tpu.memory_space<vmem>>, vector<16xf32>,
          tpu.vector_store %arg17[%swap3A_579, %swap3A_580], %mul3A_578 {strides = array<i32>} : memref<128x128xf32, #tpu.memory_space<vmem>>, vector<16xf32>,
          %mul3A_582 = arith.constant 4 : i32
          %mul3A_583 = arith.muli %scan3A_367, %mul3A_582 : i32
          %add3A_584 = arith.constant 3 : i32
          %add3A_585 = arith.addi %mul3A_583, %add3A_584 : i32
          %get3A_586 = arith.index_cast %add3A_585 : i32 to index
          %get3A_587 = tpu.vector_load %arg15[%get3A_586] {strides = array<i32>} : memref<144xf32, #tpu.memory_space<vmem>>, vector<16xf32>,
          %slice3A_588 = vector.extract_strided_slice %get3A_587 {offsets = [0], sizes = [1], strides = [1]} : vector<16xf32> to vector<1xf32>
          %squeeze3A_589 = vector.extract %slice3A_588[0] : f32 from vector<1xf32>
          %get3A_590 = arith.index_cast %add3A_585 : i32 to index
          %get3A_591 = arith.constant 0 : index
          %get3A_592 = tpu.vector_load %arg17[%get3A_590, %get3A_591] {strides = array<i32>} : memref<128x128xf32, #tpu.memory_space<vmem>>, vector<16xf32>,
          %mul3A_593 = vector.broadcast %squeeze3A_589 : f32 to vector<16xf32>
          %mul3A_594 = arith.mulf %get3A_592, %mul3A_593 : vector<16xf32>
          %swap3A_595 = arith.index_cast %add3A_585 : i32 to index
          %swap3A_596 = arith.constant 0 : index
          %swap3A_597 = tpu.vector_load %arg17[%swap3A_595, %swap3A_596] {strides = array<i32>} : memref<128x128xf32, #tpu.memory_space<vmem>>, vector<16xf32>,
          tpu.vector_store %arg17[%swap3A_595, %swap3A_596], %mul3A_594 {strides = array<i32>} : memref<128x128xf32, #tpu.memory_space<vmem>>, vector<16xf32>,
          %get3A_598 = arith.index_cast %add3A_585 : i32 to index
          %get3A_599 = arith.constant 16 : index
          %get3A_600 = tpu.vector_load %arg17[%get3A_598, %get3A_599] {strides = array<i32>} : memref<128x128xf32, #tpu.memory_space<vmem>>, vector<16xf32>,
          %mul3A_601 = vector.broadcast %squeeze3A_589 : f32 to vector<16xf32>
          %mul3A_602 = arith.mulf %get3A_600, %mul3A_601 : vector<16xf32>
          %swap3A_603 = arith.index_cast %add3A_585 : i32 to index
          %swap3A_604 = arith.constant 16 : index
          %swap3A_605 = tpu.vector_load %arg17[%swap3A_603, %swap3A_604] {strides = array<i32>} : memref<128x128xf32, #tpu.memory_space<vmem>>, vector<16xf32>,
          tpu.vector_store %arg17[%swap3A_603, %swap3A_604], %mul3A_602 {strides = array<i32>} : memref<128x128xf32, #tpu.memory_space<vmem>>, vector<16xf32>,
          %get3A_606 = arith.index_cast %add3A_585 : i32 to index
          %get3A_607 = arith.constant 32 : index
          %get3A_608 = tpu.vector_load %arg17[%get3A_606, %get3A_607] {strides = array<i32>} : memref<128x128xf32, #tpu.memory_space<vmem>>, vector<16xf32>,
          %mul3A_609 = vector.broadcast %squeeze3A_589 : f32 to vector<16xf32>
          %mul3A_610 = arith.mulf %get3A_608, %mul3A_609 : vector<16xf32>
          %swap3A_611 = arith.index_cast %add3A_585 : i32 to index
          %swap3A_612 = arith.constant 32 : index
          %swap3A_613 = tpu.vector_load %arg17[%swap3A_611, %swap3A_612] {strides = array<i32>} : memref<128x128xf32, #tpu.memory_space<vmem>>, vector<16xf32>,
          tpu.vector_store %arg17[%swap3A_611, %swap3A_612], %mul3A_610 {strides = array<i32>} : memref<128x128xf32, #tpu.memory_space<vmem>>, vector<16xf32>,
          %get3A_614 = arith.index_cast %add3A_585 : i32 to index
          %get3A_615 = arith.constant 48 : index
          %get3A_616 = tpu.vector_load %arg17[%get3A_614, %get3A_615] {strides = array<i32>} : memref<128x128xf32, #tpu.memory_space<vmem>>, vector<16xf32>,
          %mul3A_617 = vector.broadcast %squeeze3A_589 : f32 to vector<16xf32>
          %mul3A_618 = arith.mulf %get3A_616, %mul3A_617 : vector<16xf32>
          %swap3A_619 = arith.index_cast %add3A_585 : i32 to index
          %swap3A_620 = arith.constant 48 : index
          %swap3A_621 = tpu.vector_load %arg17[%swap3A_619, %swap3A_620] {strides = array<i32>} : memref<128x128xf32, #tpu.memory_space<vmem>>, vector<16xf32>,
          tpu.vector_store %arg17[%swap3A_619, %swap3A_620], %mul3A_618 {strides = array<i32>} : memref<128x128xf32, #tpu.memory_space<vmem>>, vector<16xf32>,
          %get3A_622 = arith.index_cast %add3A_585 : i32 to index
          %get3A_623 = arith.constant 64 : index
          %get3A_624 = tpu.vector_load %arg17[%get3A_622, %get3A_623] {strides = array<i32>} : memref<128x128xf32, #tpu.memory_space<vmem>>, vector<16xf32>,
          %mul3A_625 = vector.broadcast %squeeze3A_589 : f32 to vector<16xf32>
          %mul3A_626 = arith.mulf %get3A_624, %mul3A_625 : vector<16xf32>
          %swap3A_627 = arith.index_cast %add3A_585 : i32 to index
          %swap3A_628 = arith.constant 64 : index
          %swap3A_629 = tpu.vector_load %arg17[%swap3A_627, %swap3A_628] {strides = array<i32>} : memref<128x128xf32, #tpu.memory_space<vmem>>, vector<16xf32>,
          tpu.vector_store %arg17[%swap3A_627, %swap3A_628], %mul3A_626 {strides = array<i32>} : memref<128x128xf32, #tpu.memory_space<vmem>>, vector<16xf32>,
          %get3A_630 = arith.index_cast %add3A_585 : i32 to index
          %get3A_631 = arith.constant 80 : index
          %get3A_632 = tpu.vector_load %arg17[%get3A_630, %get3A_631] {strides = array<i32>} : memref<128x128xf32, #tpu.memory_space<vmem>>, vector<16xf32>,
          %mul3A_633 = vector.broadcast %squeeze3A_589 : f32 to vector<16xf32>
          %mul3A_634 = arith.mulf %get3A_632, %mul3A_633 : vector<16xf32>
          %swap3A_635 = arith.index_cast %add3A_585 : i32 to index
          %swap3A_636 = arith.constant 80 : index
          %swap3A_637 = tpu.vector_load %arg17[%swap3A_635, %swap3A_636] {strides = array<i32>} : memref<128x128xf32, #tpu.memory_space<vmem>>, vector<16xf32>,
          tpu.vector_store %arg17[%swap3A_635, %swap3A_636], %mul3A_634 {strides = array<i32>} : memref<128x128xf32, #tpu.memory_space<vmem>>, vector<16xf32>,
          %get3A_638 = arith.index_cast %add3A_585 : i32 to index
          %get3A_639 = arith.constant 96 : index
          %get3A_640 = tpu.vector_load %arg17[%get3A_638, %get3A_639] {strides = array<i32>} : memref<128x128xf32, #tpu.memory_space<vmem>>, vector<16xf32>,
          %mul3A_641 = vector.broadcast %squeeze3A_589 : f32 to vector<16xf32>
          %mul3A_642 = arith.mulf %get3A_640, %mul3A_641 : vector<16xf32>
          %swap3A_643 = arith.index_cast %add3A_585 : i32 to index
          %swap3A_644 = arith.constant 96 : index
          %swap3A_645 = tpu.vector_load %arg17[%swap3A_643, %swap3A_644] {strides = array<i32>} : memref<128x128xf32, #tpu.memory_space<vmem>>, vector<16xf32>,
          tpu.vector_store %arg17[%swap3A_643, %swap3A_644], %mul3A_642 {strides = array<i32>} : memref<128x128xf32, #tpu.memory_space<vmem>>, vector<16xf32>,
          %get3A_646 = arith.index_cast %add3A_585 : i32 to index
          %get3A_647 = arith.constant 112 : index
          %get3A_648 = tpu.vector_load %arg17[%get3A_646, %get3A_647] {strides = array<i32>} : memref<128x128xf32, #tpu.memory_space<vmem>>, vector<16xf32>,
          %mul3A_649 = vector.broadcast %squeeze3A_589 : f32 to vector<16xf32>
          %mul3A_650 = arith.mulf %get3A_648, %mul3A_649 : vector<16xf32>
          %swap3A_651 = arith.index_cast %add3A_585 : i32 to index
          %swap3A_652 = arith.constant 112 : index
          %swap3A_653 = tpu.vector_load %arg17[%swap3A_651, %swap3A_652] {strides = array<i32>} : memref<128x128xf32, #tpu.memory_space<vmem>>, vector<16xf32>,
          tpu.vector_store %arg17[%swap3A_651, %swap3A_652], %mul3A_650 {strides = array<i32>} : memref<128x128xf32, #tpu.memory_space<vmem>>, vector<16xf32>,
        }
        %scan3A_354 = arith.constant 32 : i32
        %dma_start3A_355 = arith.constant 0 : i32
        %dma_start3A_356 = tpu.memref_slice %arg14[%scan3A_44, %dma_start3A_355] : memref<16x128xi32, #tpu.memory_space<vmem>> -> memref<1x128xi32, #tpu.memory_space<vmem>>
        %dma_start3A_357 = tpu.memref_squeeze %dma_start3A_356 : memref<1x128xi32, #tpu.memory_space<vmem>> -> memref<128xi32, #tpu.memory_space<vmem>>
        %dma_start3A_358 = arith.constant 0 : i32
        %dma_start3A_359 = arith.constant 0 : i32
        %dma_start3A_360 = tpu.memref_slice %arg9[%dma_start3A_358, %dma_start3A_359] : memref<10016x128xf32, #tpu.memory_space<vmem_shared>> -> memref<10016x128xf32, #tpu.memory_space<vmem_shared>>
        tpu.enqueue_indirect_dma source(%arg17 : memref<128x128xf32, #tpu.memory_space<vmem>>) target(%dma_start3A_360 : memref<10016x128xf32, #tpu.memory_space<vmem_shared>>) offsets(%dma_start3A_357 : memref<128xi32, #tpu.memory_space<vmem>>) semaphore(%arg19 : memref<!tpu.dma_semaphore, #tpu.memory_space<semaphore_mem>>) {add = true}
        %dma_wait3A_361 = arith.constant 0 : i32
        %dma_wait3A_362 = tpu.memref_slice %arg14[%scan3A_44, %dma_wait3A_361] : memref<16x128xi32, #tpu.memory_space<vmem>> -> memref<1x128xi32, #tpu.memory_space<vmem>>
        %dma_wait3A_363 = tpu.memref_squeeze %dma_wait3A_362 : memref<1x128xi32, #tpu.memory_space<vmem>> -> memref<128xi32, #tpu.memory_space<vmem>>
        %dma_wait3A_364 = arith.constant 0 : i32
        %dma_wait3A_365 = arith.constant 0 : i32
        %dma_wait3A_366 = tpu.memref_slice %arg9[%dma_wait3A_364, %dma_wait3A_365] : memref<10016x128xf32, #tpu.memory_space<vmem_shared>> -> memref<10016x128xf32, #tpu.memory_space<vmem_shared>>
        tpu.wait_indirect_dma semaphore(%arg19 : memref<!tpu.dma_semaphore, #tpu.memory_space<semaphore_mem>>) src(%arg17 : memref<128x128xf32, #tpu.memory_space<vmem>>) dst(%dma_wait3A_366 : memref<10016x128xf32, #tpu.memory_space<vmem_shared>>)
      }
      %scan3A_43 = arith.constant 8 : i32
    }
    %scan3A_25 = arith.constant 11 : i32
    %barrier3A_26 = arith.constant 0 : index
    tpu.barrier barrier_id(%barrier3A_26)
    %eq3A_27 = arith.constant 0 : i32
    %eq3A_28 = arith.cmpi eq, %arg1, %eq3A_27 : i32
    %convert_element_type3A_29 = arith.extui %eq3A_28 : i1 to i32
    %cond3A_30 = arith.constant 0 : i32
    %cond3A_31 = arith.cmpi ne, %convert_element_type3A_29, %cond3A_30 : i32
    scf.if %cond3A_31 {
      "tpu.region"() ({
        %run_scoped3A = tpu.sem_alloc : memref<!tpu.dma_semaphore, #tpu.memory_space<semaphore_mem>>
        %dma_start3A = arith.constant 0 : i32
        %dma_start3A_32 = arith.constant 0 : i32
        %dma_start3A_33 = tpu.memref_slice %arg8[%arg0, %dma_start3A, %dma_start3A_32] : memref<2x10016x128xf32, #tpu.memory_space<hbm>> -> memref<1x10016x128xf32, #tpu.memory_space<hbm>>
        %dma_start3A_34 = tpu.memref_squeeze %dma_start3A_33 : memref<1x10016x128xf32, #tpu.memory_space<hbm>> -> memref<10016x128xf32, #tpu.memory_space<hbm>>
        tpu.enqueue_dma source(%arg9 : memref<10016x128xf32, #tpu.memory_space<vmem_shared>>) target(%dma_start3A_34 : memref<10016x128xf32, #tpu.memory_space<hbm>>) target_semaphore(%run_scoped3A : memref<!tpu.dma_semaphore, #tpu.memory_space<semaphore_mem>>)
        %dma_wait3A = arith.constant 0 : i32
        %dma_wait3A_35 = arith.constant 0 : i32
        %dma_wait3A_36 = tpu.memref_slice %arg8[%arg0, %dma_wait3A, %dma_wait3A_35] : memref<2x10016x128xf32, #tpu.memory_space<hbm>> -> memref<1x10016x128xf32, #tpu.memory_space<hbm>>
        %dma_wait3A_37 = tpu.memref_squeeze %dma_wait3A_36 : memref<1x10016x128xf32, #tpu.memory_space<hbm>> -> memref<10016x128xf32, #tpu.memory_space<hbm>>
        tpu.wait_dma2 semaphore(%run_scoped3A : memref<!tpu.dma_semaphore, #tpu.memory_space<semaphore_mem>>) src(%arg9 : memref<10016x128xf32, #tpu.memory_space<vmem_shared>>) dst(%dma_wait3A_37 : memref<10016x128xf32, #tpu.memory_space<hbm>>)
        tpu.yield
      }) : () -> ()
    } else {
    }
    return
  }
}

module attributes {stable_mosaic.version = 14 : i64} {
  func.func @_tc1_body(%arg0: i32, %arg1: memref<1000x128xf32, #tpu.memory_space<vmem>>, %arg2: memref<128x128xf32, #tpu.memory_space<vmem>>, %arg3: memref<128x128xf32, #tpu.memory_space<vmem>>, %arg4: memref<1000x128xf32, #tpu.memory_space<vmem>>, %arg5: memref<1000x128xf32, #tpu.memory_space<vmem>>) attributes {dimension_semantics = [#tpu.dimension_semantics<arbitrary>], iteration_bounds = array<i64: 10>, scalar_prefetch = 0 : i64, scratch_operands = 0 : i64, tpu.core_type = #tpu.core_type<tc>, window_params = [{transform_indices = @transform_0, window_bounds = array<i64: 1000, 128>}, {pipeline_mode = #tpu.pipeline_mode<synchronous>, transform_indices = @transform_1, window_bounds = array<i64: 128, 128>}, {pipeline_mode = #tpu.pipeline_mode<synchronous>, transform_indices = @transform_2, window_bounds = array<i64: 128, 128>}, {transform_indices = @transform_3, window_bounds = array<i64: 1000, 128>}, {transform_indices = @transform_4, window_bounds = array<i64: 1000, 128>}]} {
    %get3A = arith.constant 0 : index
    %get3A_0 = arith.constant 0 : index
    %get3A_1 = vector.load %arg1[%get3A, %get3A_0] : memref<1000x128xf32, #tpu.memory_space<vmem>>, vector<1000x128xf32>
    %get3A_2 = arith.constant 0 : index
    %get3A_3 = arith.constant 0 : index
    %get3A_4 = vector.load %arg2[%get3A_2, %get3A_3] : memref<128x128xf32, #tpu.memory_space<vmem>>, vector<128x128xf32>
    %dot_general3A = arith.constant dense<0.000000e+00> : vector<1000x128xf32>
    %dot_general3A_5 = tpu.matmul %get3A_1, %get3A_4, %dot_general3A {dimension_numbers = #tpu.dot_dimension_numbers<[1], [0], [0], [1], [0, 0, 1, 1], [], []>, transpose_lhs_hint = false} : vector<1000x128xf32>, vector<128x128xf32>, vector<1000x128xf32> -> vector<1000x128xf32>
    %swap3A = arith.constant 0 : index
    %swap3A_6 = arith.constant 0 : index
    %swap3A_7 = vector.load %arg4[%swap3A, %swap3A_6] : memref<1000x128xf32, #tpu.memory_space<vmem>>, vector<1000x128xf32>
    tpu.vector_store %arg4[%swap3A, %swap3A_6], %dot_general3A_5 {strides = array<i32>} : memref<1000x128xf32, #tpu.memory_space<vmem>>, vector<1000x128xf32>,
    %get3A_8 = arith.constant 0 : index
    %get3A_9 = arith.constant 0 : index
    %get3A_10 = vector.load %arg3[%get3A_8, %get3A_9] : memref<128x128xf32, #tpu.memory_space<vmem>>, vector<128x128xf32>
    %dot_general3A_11 = arith.constant dense<0.000000e+00> : vector<1000x128xf32>
    %dot_general3A_12 = tpu.matmul %dot_general3A_5, %get3A_10, %dot_general3A_11 {dimension_numbers = #tpu.dot_dimension_numbers<[1], [0], [0], [1], [0, 0, 1, 1], [], []>, transpose_lhs_hint = false} : vector<1000x128xf32>, vector<128x128xf32>, vector<1000x128xf32> -> vector<1000x128xf32>
    %swap3A_13 = arith.constant 0 : index
    %swap3A_14 = arith.constant 0 : index
    %swap3A_15 = vector.load %arg5[%swap3A_13, %swap3A_14] : memref<1000x128xf32, #tpu.memory_space<vmem>>, vector<1000x128xf32>
    tpu.vector_store %arg5[%swap3A_13, %swap3A_14], %dot_general3A_12 {strides = array<i32>} : memref<1000x128xf32, #tpu.memory_space<vmem>>, vector<1000x128xf32>,
    return
  }
  func.func @transform_0(%arg0: i32) -> (i32, i32) {
    %c0_i32 = arith.constant 0 : i32
    %c0_i32_0 = arith.constant 0 : i32
    return %arg0, %c0_i32 : i32, i32
  }
  func.func @transform_1(%arg0: i32) -> (i32, i32) {
    %c0_i32 = arith.constant 0 : i32
    %c0_i32_0 = arith.constant 0 : i32
    %c0_i32_1 = arith.constant 0 : i32
    return %c0_i32, %c0_i32_0 : i32, i32
  }
  func.func @transform_2(%arg0: i32) -> (i32, i32) {
    %c0_i32 = arith.constant 0 : i32
    %c0_i32_0 = arith.constant 0 : i32
    %c0_i32_1 = arith.constant 0 : i32
    return %c0_i32, %c0_i32_0 : i32, i32
  }
  func.func @transform_3(%arg0: i32) -> (i32, i32) {
    %c0_i32 = arith.constant 0 : i32
    %c0_i32_0 = arith.constant 0 : i32
    return %arg0, %c0_i32 : i32, i32
  }
  func.func @transform_4(%arg0: i32) -> (i32, i32) {
    %c0_i32 = arith.constant 0 : i32
    %c0_i32_0 = arith.constant 0 : i32
    return %arg0, %c0_i32 : i32, i32
  }
}

module attributes {stable_mosaic.version = 14 : i64} {
  func.func @_tc2_body(%arg0: i32, %arg1: memref<1000x128xf32, #tpu.memory_space<vmem>>, %arg2: memref<1000x128xf32, #tpu.memory_space<vmem>>, %arg3: memref<1x128xf32, #tpu.memory_space<vmem>>, %arg4: memref<128x128xf32, #tpu.memory_space<vmem>>, %arg5: memref<128x128xf32, #tpu.memory_space<vmem>>, %arg6: memref<1000x128xf32, #tpu.memory_space<vmem>>, %arg7: memref<1000x128xf32, #tpu.memory_space<vmem>>) attributes {dimension_semantics = [#tpu.dimension_semantics<arbitrary>], iteration_bounds = array<i64: 10>, scalar_prefetch = 0 : i64, scratch_operands = 0 : i64, tpu.core_type = #tpu.core_type<tc>, window_params = [{transform_indices = @transform_0, window_bounds = array<i64: 1000, 128>}, {transform_indices = @transform_1, window_bounds = array<i64: 1000, 128>}, {pipeline_mode = #tpu.pipeline_mode<synchronous>, transform_indices = @transform_2, window_bounds = array<i64: 1, 128>}, {pipeline_mode = #tpu.pipeline_mode<synchronous>, transform_indices = @transform_3, window_bounds = array<i64: 128, 128>}, {pipeline_mode = #tpu.pipeline_mode<synchronous>, transform_indices = @transform_4, window_bounds = array<i64: 128, 128>}, {transform_indices = @transform_5, window_bounds = array<i64: 1000, 128>}, {transform_indices = @transform_6, window_bounds = array<i64: 1000, 128>}]} {
    %get3A = arith.constant 0 : index
    %get3A_0 = arith.constant 0 : index
    %get3A_1 = vector.load %arg1[%get3A, %get3A_0] : memref<1000x128xf32, #tpu.memory_space<vmem>>, vector<1000x128xf32>
    %get3A_2 = arith.constant 0 : index
    %get3A_3 = arith.constant 0 : index
    %get3A_4 = vector.load %arg2[%get3A_2, %get3A_3] : memref<1000x128xf32, #tpu.memory_space<vmem>>, vector<1000x128xf32>
    %add3A = arith.addf %get3A_1, %get3A_4 : vector<1000x128xf32>
    %get3A_5 = arith.constant 0 : index
    %get3A_6 = arith.constant 0 : index
    %get3A_7 = vector.load %arg3[%get3A_5, %get3A_6] : memref<1x128xf32, #tpu.memory_space<vmem>>, vector<1x128xf32>
    %add3A_8 = vector.broadcast %get3A_7 : vector<1x128xf32> to vector<1000x128xf32>
    %add3A_9 = arith.addf %add3A, %add3A_8 : vector<1000x128xf32>
    %max3A = arith.constant 0.000000e+00 : f32
    %max3A_10 = vector.broadcast %max3A : f32 to vector<1000x128xf32>
    %max3A_11 = arith.maximumf %add3A_9, %max3A_10 : vector<1000x128xf32>
    %get3A_12 = arith.constant 0 : index
    %get3A_13 = arith.constant 0 : index
    %get3A_14 = vector.load %arg4[%get3A_12, %get3A_13] : memref<128x128xf32, #tpu.memory_space<vmem>>, vector<128x128xf32>
    %dot_general3A = arith.constant dense<0.000000e+00> : vector<1000x128xf32>
    %dot_general3A_15 = tpu.matmul %max3A_11, %get3A_14, %dot_general3A {dimension_numbers = #tpu.dot_dimension_numbers<[1], [0], [0], [1], [0, 0, 1, 1], [], []>, transpose_lhs_hint = false} : vector<1000x128xf32>, vector<128x128xf32>, vector<1000x128xf32> -> vector<1000x128xf32>
    %swap3A = arith.constant 0 : index
    %swap3A_16 = arith.constant 0 : index
    %swap3A_17 = vector.load %arg6[%swap3A, %swap3A_16] : memref<1000x128xf32, #tpu.memory_space<vmem>>, vector<1000x128xf32>
    tpu.vector_store %arg6[%swap3A, %swap3A_16], %dot_general3A_15 {strides = array<i32>} : memref<1000x128xf32, #tpu.memory_space<vmem>>, vector<1000x128xf32>,
    %get3A_18 = arith.constant 0 : index
    %get3A_19 = arith.constant 0 : index
    %get3A_20 = vector.load %arg5[%get3A_18, %get3A_19] : memref<128x128xf32, #tpu.memory_space<vmem>>, vector<128x128xf32>
    %dot_general3A_21 = arith.constant dense<0.000000e+00> : vector<1000x128xf32>
    %dot_general3A_22 = tpu.matmul %dot_general3A_15, %get3A_20, %dot_general3A_21 {dimension_numbers = #tpu.dot_dimension_numbers<[1], [0], [0], [1], [0, 0, 1, 1], [], []>, transpose_lhs_hint = false} : vector<1000x128xf32>, vector<128x128xf32>, vector<1000x128xf32> -> vector<1000x128xf32>
    %swap3A_23 = arith.constant 0 : index
    %swap3A_24 = arith.constant 0 : index
    %swap3A_25 = vector.load %arg7[%swap3A_23, %swap3A_24] : memref<1000x128xf32, #tpu.memory_space<vmem>>, vector<1000x128xf32>
    tpu.vector_store %arg7[%swap3A_23, %swap3A_24], %dot_general3A_22 {strides = array<i32>} : memref<1000x128xf32, #tpu.memory_space<vmem>>, vector<1000x128xf32>,
    return
  }
  func.func @transform_0(%arg0: i32) -> (i32, i32) {
    %c0_i32 = arith.constant 0 : i32
    %c0_i32_0 = arith.constant 0 : i32
    return %arg0, %c0_i32 : i32, i32
  }
  func.func @transform_1(%arg0: i32) -> (i32, i32) {
    %c0_i32 = arith.constant 0 : i32
    %c0_i32_0 = arith.constant 0 : i32
    return %arg0, %c0_i32 : i32, i32
  }
  func.func @transform_2(%arg0: i32) -> (i32, i32) {
    %c0_i32 = arith.constant 0 : i32
    %c0_i32_0 = arith.constant 0 : i32
    %c0_i32_1 = arith.constant 0 : i32
    return %c0_i32, %c0_i32_0 : i32, i32
  }
  func.func @transform_3(%arg0: i32) -> (i32, i32) {
    %c0_i32 = arith.constant 0 : i32
    %c0_i32_0 = arith.constant 0 : i32
    %c0_i32_1 = arith.constant 0 : i32
    return %c0_i32, %c0_i32_0 : i32, i32
  }
  func.func @transform_4(%arg0: i32) -> (i32, i32) {
    %c0_i32 = arith.constant 0 : i32
    %c0_i32_0 = arith.constant 0 : i32
    %c0_i32_1 = arith.constant 0 : i32
    return %c0_i32, %c0_i32_0 : i32, i32
  }
  func.func @transform_5(%arg0: i32) -> (i32, i32) {
    %c0_i32 = arith.constant 0 : i32
    %c0_i32_0 = arith.constant 0 : i32
    return %arg0, %c0_i32 : i32, i32
  }
  func.func @transform_6(%arg0: i32) -> (i32, i32) {
    %c0_i32 = arith.constant 0 : i32
    %c0_i32_0 = arith.constant 0 : i32
    return %arg0, %c0_i32 : i32, i32
  }
}

module attributes {stable_mosaic.version = 14 : i64} {
  func.func @_tc3_body(%arg0: memref<10000x16xf32, #tpu.memory_space<vmem>>, %arg1: memref<10000x16xf32, #tpu.memory_space<vmem>>, %arg2: memref<10000x1xi32, #tpu.memory_space<vmem>>, %arg3: memref<1x16xf32, #tpu.memory_space<vmem>>, %arg4: memref<64x16xf32, #tpu.memory_space<vmem>>) attributes {dimension_semantics = [], scalar_prefetch = 0 : i64, scratch_operands = 0 : i64, tpu.core_type = #tpu.core_type<tc>} {
    %get3A = arith.constant 0 : index
    %get3A_0 = arith.constant 0 : index
    %get3A_1 = vector.load %arg0[%get3A, %get3A_0] : memref<10000x16xf32, #tpu.memory_space<vmem>>, vector<10000x16xf32>
    %get3A_2 = arith.constant 0 : index
    %get3A_3 = arith.constant 0 : index
    %get3A_4 = vector.load %arg1[%get3A_2, %get3A_3] : memref<10000x16xf32, #tpu.memory_space<vmem>>, vector<10000x16xf32>
    %add3A = arith.addf %get3A_1, %get3A_4 : vector<10000x16xf32>
    %get3A_5 = arith.constant 0 : index
    %get3A_6 = arith.constant 0 : index
    %get3A_7 = vector.load %arg2[%get3A_5, %get3A_6] : memref<10000x1xi32, #tpu.memory_space<vmem>>, vector<10000x1xi32>
    %iota3A = tpu.iota {dimensions = array<i32: 1>} : vector<10000x64xi32>
    %eq3A = vector.broadcast %get3A_7 : vector<10000x1xi32> to vector<10000x64xi32>
    %eq3A_8 = arith.cmpi eq, %eq3A, %iota3A : vector<10000x64xi32>
    %convert_element_type3A = arith.extui %eq3A_8 : vector<10000x64xi1> to vector<10000x64xi32>
    %convert_element_type3A_9 = arith.sitofp %convert_element_type3A : vector<10000x64xi32> to vector<10000x64xf32>
    %dot_general3A = arith.constant dense<0.000000e+00> : vector<64x16xf32>
    %dot_general3A_10 = tpu.matmul %convert_element_type3A_9, %add3A, %dot_general3A {dimension_numbers = #tpu.dot_dimension_numbers<[0], [0], [1], [1], [0, 1, 1, 1], [], []>, transpose_lhs_hint = false} : vector<10000x64xf32>, vector<10000x16xf32>, vector<64x16xf32> -> vector<64x16xf32>
    %reduce_sum3A = arith.constant dense<0.000000e+00> : vector<64xf32>
    %reduce_sum3A_11 = vector.multi_reduction <add>, %convert_element_type3A_9, %reduce_sum3A [0] : vector<10000x64xf32> to vector<64xf32>
    %max3A = arith.constant 1.000000e+00 : f32
    %max3A_12 = vector.broadcast %max3A : f32 to vector<64xf32>
    %max3A_13 = arith.maximumf %reduce_sum3A_11, %max3A_12 : vector<64xf32>
    %broadcast_in_dim3A = vector.shape_cast %max3A_13 : vector<64xf32> to vector<64x1xf32>
    %div3A = vector.broadcast %broadcast_in_dim3A : vector<64x1xf32> to vector<64x16xf32>
    %div3A_14 = arith.divf %dot_general3A_10, %div3A : vector<64x16xf32>
    %get3A_15 = arith.constant 0 : index
    %get3A_16 = arith.constant 0 : index
    %get3A_17 = vector.load %arg3[%get3A_15, %get3A_16] : memref<1x16xf32, #tpu.memory_space<vmem>>, vector<1x16xf32>
    %add3A_18 = vector.broadcast %get3A_17 : vector<1x16xf32> to vector<64x16xf32>
    %add3A_19 = arith.addf %div3A_14, %add3A_18 : vector<64x16xf32>
    %reduce_max3A = arith.constant dense<0xFF800000> : vector<64xf32>
    %reduce_max3A_20 = vector.multi_reduction <maximumf>, %add3A_19, %reduce_max3A [1] : vector<64x16xf32> to vector<64xf32>
    %broadcast_in_dim3A_21 = vector.shape_cast %reduce_max3A_20 : vector<64xf32> to vector<64x1xf32>
    %sub3A = vector.broadcast %broadcast_in_dim3A_21 : vector<64x1xf32> to vector<64x16xf32>
    %sub3A_22 = arith.subf %add3A_19, %sub3A : vector<64x16xf32>
    %exp3A = math.exp %sub3A_22 : vector<64x16xf32>
    %reduce_sum3A_23 = arith.constant dense<0.000000e+00> : vector<64xf32>
    %reduce_sum3A_24 = vector.multi_reduction <add>, %exp3A, %reduce_sum3A_23 [1] : vector<64x16xf32> to vector<64xf32>
    %broadcast_in_dim3A_25 = vector.shape_cast %reduce_sum3A_24 : vector<64xf32> to vector<64x1xf32>
    %log3A = math.log %broadcast_in_dim3A_25 : vector<64x1xf32>
    %sub3A_26 = vector.broadcast %log3A : vector<64x1xf32> to vector<64x16xf32>
    %sub3A_27 = arith.subf %sub3A_22, %sub3A_26 : vector<64x16xf32>
    %swap3A = arith.constant 0 : index
    %swap3A_28 = arith.constant 0 : index
    %swap3A_29 = vector.load %arg4[%swap3A, %swap3A_28] : memref<64x16xf32, #tpu.memory_space<vmem>>, vector<64x16xf32>
    tpu.vector_store %arg4[%swap3A, %swap3A_28], %sub3A_27 {strides = array<i32>} : memref<64x16xf32, #tpu.memory_space<vmem>>, vector<64x16xf32>,
    return
  }
}

</mosaic_0001>

<sc_bundles>
// kernel: kernel.10.cloned.1.call-start
scs
__scs_entry_jumppad:
0x0: {  	(pc) =	sbr.rel $0x88, $3  }
0x1: {  	(tag) =	ssettag $0x0;
	lr =	simm.s32 $0x1  }
0x2: {  	[smem:$0x3F96] =	sst lr;
	_ =	strace $0xD0000000  }
0x3: {  	_ = 	snop  }
0x4: {  	_ = 	snop  }
0x5: {  	_ = 	snop  }
0x6: {  	_ = 	snop  }
0x7: {  	_ = 	snop  }
__scs_overlays_trampoline_lowered:
0x8: {  	[smem:$0x3FA5] =	sst s0  }
0x9: {  	[smem:$0x3FA6] =	sst s1  }
0xa: {  	[smem:$0x3FA7] =	sst s2  }
0xb: {  	[smem:$0x3FA8] =	sst s3  }
0xc: {  	[smem:$0x3FA9] =	sst s4  }
0xd: {  	[smem:$0x3FAA] =	sst s5  }
0xe: {  	[smem:$0x3FAB] =	sst s6  }
0xf: {  	[smem:$0x3FAC] =	sst s7  }
0x10: {  	[smem:$0x3FAD] =	sst s8  }
0x11: {  	[smem:$0x3FAE] =	sst s9;
	s0 =	simm.s32 @!p0 $0x0  }
0x12: {  	s1 =	sld [smem:$0x3F94];
	s0 =	simm.s32 @p0 $0x1  }
0x13: {  	[smem:$0x3FAF] =	sst s0;
	s0 =	simm.s32 @!p1 $0x0  }
0x14: {  	s2 =	sld [smem:$0x3F93];
	s0 =	simm.s32 @p1 $0x1  }
0x15: {  	[smem:$0x3FB0] =	sst s0;
	s0 =	simm.s32 @!p2 $0x0  }
0x16: {  	s3 =	sld [smem:$0x3FDB];
	s0 =	simm.s32 @p2 $0x1  }
0x17: {  	s4 =	simm.s32 $0x1BF5;
	[smem:$0x3FB2] =	sst s0  }
0x18: {  	s0 =	sld [smem:$0x3F95];
	_ =	swait.ge [sflag:s4], $0x0  }
0x19: {  	s7 =	sld [smem:$0x3F96]  }
0x1a: {  	s8 =	sadd.s32 $0xFFFFE003, lr  }
0x1b: {  	s9 =	sadd.s32 $0xFFFFFEF7, lr;
	s5 =	simm.s32 $0xFFFFFFFF;
	p2 =	slt.u32 s8, $0xFFFFF086  }
0x1c: {  	p1 =	slt.u32 s9, $0xF7A;
	s5 =	simm.s32 @!p2 $0x0  }
0x1d: {  	s5 =	simm.s32 @p1 $0x1;
	p0 =	seq.s32 s7, s2  }
0x1e: {  	s7 =	smul.u32 @!p0 $0xF7A, s2;
	p2 =	seq.s32 @!p0 s5, $0x0  }
0x1f: {  	s9 =	smul.u32 $0xF7A, s1;
	s8 =	simm.s32 @!p0 $0x1BF5;
	p2 =	por !p2, p0  }
0x20: {  	[sflag:s8] =	ssyncset.s32 @!p0 $0xFFFFF086;
	s6 =	sadd.s32 @!p0 s3, s7;
	s7 =	simm.s32 @!p0 $0x108  }
0x21: {  	s3 =	sadd.s32 s3, s9;
	s6 =	sadd.s32 @!p0 $0x88, s6;
	s7 =	simm.s32 @p2 $0x1082  }
0x22: {  	[simem:s7], [sflag:s8] =	dma.local @!p0 [hbm:s6], $0xF7A  }
0x23: {  	s9 =	sor.u32 $0xD0000000, s2;
	s6 =	simm.s32 $0x108;
	_ =	swait.ge @!p0 [sflag:s8], $0x0  }
0x24: {  	s3 =	sadd.s32 $0x88, s3;
	s6 =	simm.s32 @!p1 $0x1082;
	[sflag:s4] =	ssyncset.s32 $0xFFFFF086  }
0x25: {  	[simem:s6], [sflag:s4] =	dma.local [hbm:s3], $0xF7A  }
0x26: {  	[smem:$0x3F96] =	sst s1;
	(tag) =	ssettag s2;
	_ =	strace s9  }
0x27: {  	s1 =	sld [smem:$0x3FA6]  }
0x28: {  	s2 =	sld [smem:$0x3FA7]  }
0x29: {  	s4 =	sld [smem:$0x3FA9]  }
0x2a: {  	p0 =	seq.s32 s5, $0x0;
	s5 =	sld [smem:$0x3FAA]  }
0x2b: {  	s6 =	sld [smem:$0x3FAB]  }
0x2c: {  	s7 =	sld [smem:$0x3FAC]  }
0x2d: {  	s3 =	simm.s32 $0x108;
	s8 =	sld [smem:$0x3FAD]  }
0x2e: {  	s3 =	simm.s32 @!p0 $0x1082;
	s9 =	sld [smem:$0x3FAE]  }
0x2f: {  	lr =	sadd.s32 s0, s3;
	s0 =	sld [smem:$0x3FA5]  }
0x30: {  	s3 =	sld [smem:$0x3FA8]  }
0x31: {  	[smem:$0x3FB1] =	sst s10  }
0x32: {  	s10 =	sld [smem:$0x3FAF];
	_ =	sdelay $0x3  }
0x33: {  	p0 =	seq.s32 s10, $0x1;
	s10 =	sld [smem:$0x3FB1];
	_ =	sdelay $0x3  }
0x34: {  	[smem:$0x3FB1] =	sst s10  }
0x35: {  	s10 =	sld [smem:$0x3FB0];
	_ =	sdelay $0x3  }
0x36: {  	p1 =	seq.s32 s10, $0x1;
	s10 =	sld [smem:$0x3FB1];
	_ =	sdelay $0x3  }
0x37: {  	[smem:$0x3FB1] =	sst s10  }
0x38: {  	s10 =	sld [smem:$0x3FB2]  }
0x39: {  	_ = 	snop;
	(pc) =	sbr.ind lr, $3  }
0x3a: {  	_ = 	snop  }
0x3b: {  	_ = 	snop  }
0x3c: {  	p2 =	seq.s32 s10, $0x1;
	s10 =	sld [smem:$0x3FB1]  }
0x3d: {  	_ =	shalt  }
0x3e: {  	_ =	shalt  }
0x3f: {  	_ =	shalt  }
0x40: {  	_ =	shalt  }
0x41: {  	_ =	shalt  }
0x42: {  	_ =	shalt  }
0x43: {  	_ =	shalt  }
0x44: {  	_ =	shalt  }
0x45: {  	_ =	shalt  }
0x46: {  	_ =	shalt  }
0x47: {  	_ =	shalt  }
0x48: {  	_ =	shalt  }
0x49: {  	_ =	shalt  }
0x4a: {  	_ =	shalt  }
0x4b: {  	_ =	shalt  }
0x4c: {  	_ =	shalt  }
0x4d: {  	_ =	shalt  }
0x4e: {  	_ =	shalt  }
0x4f: {  	_ =	shalt  }
0x50: {  	_ =	shalt  }
0x51: {  	_ =	shalt  }
0x52: {  	_ =	shalt  }
0x53: {  	_ =	shalt  }
0x54: {  	_ =	shalt  }
0x55: {  	_ =	shalt  }
0x56: {  	_ =	shalt  }
0x57: {  	_ =	shalt  }
0x58: {  	_ =	shalt  }
0x59: {  	_ =	shalt  }
0x5a: {  	_ =	shalt  }
0x5b: {  	_ =	shalt  }
0x5c: {  	_ =	shalt  }
0x5d: {  	_ =	shalt  }
0x5e: {  	_ =	shalt  }
0x5f: {  	_ =	shalt  }
0x60: {  	_ =	shalt  }
0x61: {  	_ =	shalt  }
0x62: {  	_ =	shalt  }
0x63: {  	_ =	shalt  }
0x64: {  	_ =	shalt  }
0x65: {  	_ =	shalt  }
0x66: {  	_ =	shalt  }
0x67: {  	_ =	shalt  }
0x68: {  	_ =	shalt  }
0x69: {  	_ =	shalt  }
0x6a: {  	_ =	shalt  }
0x6b: {  	_ =	shalt  }
0x6c: {  	_ =	shalt  }
0x6d: {  	_ =	shalt  }
0x6e: {  	_ =	shalt  }
0x6f: {  	_ =	shalt  }
0x70: {  	_ =	shalt  }
0x71: {  	_ =	shalt  }
0x72: {  	_ =	shalt  }
0x73: {  	_ =	shalt  }
0x74: {  	_ =	shalt  }
0x75: {  	_ =	shalt  }
0x76: {  	_ =	shalt  }
0x77: {  	_ =	shalt  }
0x78: {  	_ =	shalt  }
0x79: {  	_ =	shalt  }
0x7a: {  	_ =	shalt  }
0x7b: {  	_ =	shalt  }
0x7c: {  	_ =	shalt  }
0x7d: {  	_ =	shalt  }
0x7e: {  	_ =	shalt  }
0x7f: {  	_ =	shalt  }
0x80: {  	_ =	shalt  }
0x81: {  	_ =	shalt  }
0x82: {  	_ =	shalt  }
0x83: {  	_ =	shalt  }
0x84: {  	_ =	shalt  }
0x85: {  	_ =	shalt  }
0x86: {  	_ =	shalt  }
0x87: {  	_ =	shalt  }
.Lfunc_end0:
.L_simem_size_0:
called_computation.1_lowered:
.L_overlay_start_0:
0x88: {  	s2 =	sld [smem:$0x3FD9]  }
0x89: {  	s3 =	sld [smem:$0x3FFE];
	_ =	sdelay $0x1  }
0x8a: {  	s1 =	srdreg.scid  }
0x8b: {  	s0 =	sand.u32 $0x1, s1  }
0x8c: {  	s16 =	sshll.u32 s0, $0xA;
	s2 =	sadd.s32 s3, s2  }
0x8d: {  	s2 =	sadd.s32 s2, s16  }
0x8e: {  	[smem:$0x3FBD] =	sst s2  }
0x8f: {  	_ = 	snop  }
0x90: {  	(tm) =	ssettm $0x1  }
0x91: {  	s17 =	sld [smem:$0x3FFB];
	_ =	sdelay $0x3  }
0x92: {  	_ =	strace s17  }
0x93: {  	s2 =	sld [smem:$0x3FFC];
	_ =	sdelay $0x3  }
0x94: {  	_ =	strace s2  }
0x95: {  	s2 =	sld [smem:$0x3FFD];
	_ =	sdelay $0x3  }
0x96: {  	_ =	strace s2  }
0x97: {  	_ =	strace $0x8FFFFFFF  }
0x98: {  	s18 =	sld [smem:$0x3FDB];
	_ =	sdelay $0x1  }
0x99: {  	s19 =	simm.s32 $_scs_section_size  }
0x9a: {  	s4 =	simm.s32 $_size__tile_overlayer_lowered;
	s5 =	simm.s32 $_tile_overlayer_lowered  }
0x9b: {  	s22 =	simm.s32 $0x1BFF;
	s21 =	sshll.u32 s5, $0x1;
	s2 =	sadd.s32 s19, s18  }
0x9c: {  	s6 =	simm.s32 $0x0;
	s20 =	sshll.u32 s4, $0x1;
	s4 =	sadd.s32 s21, s2  }
0x9d: {  	[timem:s6], [sflag:s22] =	dma.local [hbm:s4], s20  }
0x9e: {  	_ =	swait.ge [sflag:s22], s20  }
0x9f: {  	s3 =	ssub.s32 $0x0, s20;
	[sflag:s22] =	ssyncset.done $0x0  }
0xa0: {  	[sflag:s22] =	ssyncadd.s32 s3;
	_ =	sdelay $0x1  }
0xa1: {  	s23 =	simm.s32 $0x1B8B  }
0xa2: {  	_ =	swait.ge [sflag:s23], $0x1  }
0xa3: {  	[sflag:s23] =	ssyncset.done $0x0  }
0xa4: {  	s25 =	simm.s32 $0x1B8E;
	s24 =	sld [smem:$0x3FFE];
	[sflag:s23] =	ssyncadd.s32 $0xFFFFFFFF  }
0xa5: {  	s26 =	simm.s32 $execute0_lowered;
	[smem:$0x3FD2] =	sst s25  }
0xa6: {  	s4 =	sshll.u32 s26, $0x1;
	_ =	strace $0x80000049;
	[dreg:$0x1] =	wrdreg $0xFFFFFFFF  }
0xa7: {  	s28 =	simm.s32 $_size_execute0_lowered;
	s2 =	sadd.s32 s2, s4;
	[dreg:$0x0] =	wrdreg $0x0  }
0xa8: {  	s4 =	sshll.u32 s28, $0x1;
	[dreg:$0x2] =	wrdreg s2  }
0xa9: {  	[dreg:$0x3] =	wrdreg s4  }
0xaa: {  	[dreg:$0x4] =	wrdreg $0xC0  }
0xab: {  	_ =	task [dreg:s6], $0x5FFFF  }
0xac: {  	[dreg:$0x1] =	wrdreg $0xFFFFFFFF  }
0xad: {  	[dreg:$0x0] =	wrdreg $0x60  }
0xae: {  	[dreg:$0x2] =	wrdreg s24  }
0xaf: {  	[dreg:$0x3] =	wrdreg $0x0  }
0xb0: {  	[dreg:$0x4] =	wrdreg $0x139000  }
0xb1: {  	[dreg:$0x5] =	wrdreg $0x9  }
0xb2: {  	_ =	task.clear_ibuf [dreg:s6], $0x6FFFF;
	_ =	strace $0x90000049  }
0xb3: {  	s29 =	simm.s32 $0x9;
	_ =	strace $0x8000004B  }
0xb4: {  	_ =	swait.ge [sflag:s29], $0x1  }
0xb5: {  	[sflag:s29] =	ssyncadd.s32 $0xFFFFFFFF  }
0xb6: {  	_ =	strace $0x9000004B  }
0xb7: {  	_ =	sfence  }
0xb8: {  	s30 =	sld [smem:$0x0];
	_ =	sdelay $0x2  }
0xb9: {  	s31 =	sshll.u32 s1, $0xD;
	s1 =	sshrl.u32 s1, $0x2  }
0xba: {  	s3 =	sand.u32 $0x4000, s31;
	s1 =	sadd.s32 s1, s30  }
0xbb: {  	s0 =	sor.u32 s3, s0;
	s1 =	sshll.u32 s1, $0x11  }
0xbc: {  	s0 =	sor.u32 s1, s0  }
0xbd: {  	s0 =	sadd.s32 $0x8F2B, s0  }
0xbe: {  	[sflag:s0] =	ssyncadd.remote.s32 $0x1  }
0xbf: {  	_ =	sfence.sel $0xFFFF  }
0xc0: {  	[dreg:$0x0] =	wrdreg $0xFFFFFFFF;
	(pc) =	sbr.abs _section_cstart, $3  }
0xc1: {  	[dreg:$0x1] =	wrdreg $0xFFFFFFFF  }
0xc2: {  	_ =	task.clear_ibuf [dreg:s6], $0x2FFFF;
	_ =	strace $0x9FFFFFFF  }
0xc3: {  	(tm) =	ssettm $0x7FFFFFFF  }
tec
execute0_lowered:
.L_overlay_start_1:
0x0: {  	(tag) =	ssettag $0x1  }
0x1: {  	s0 =	rddreg [dreg:$0x0]  }
0x2: {  	s1 =	rddreg [dreg:$0x1]  }
0x3: {  	s14 =	rddreg [dreg:$0x2];
	s2 =	simm.s32 $0x0;
	s30 =	srdreg.scid  }
0x4: {  	s16 =	simm.s32 $0x13B80;
	s17 =	simm.s32 $0x3;
	s18 =	simm.s32 $0x16300  }
0x5: {  	s19 =	simm.s32 $0x18B00;
	s20 =	simm.s32 $0x19300;
	s23 =	simm.s32 $0x80  }
0x6: {  	s24 =	simm.s32 $0x19C80;
	s25 =	simm.s32 $0x1;
	s26 =	simm.s32 $0x2  }
0x7: {  	s28 =	simm.s32 $0x0;
	[smem:$0x7FF] =	sst s2;
	s4 =	sadd.s32 $0x16200, s0  }
0x8: {  	s2 =	sand.u32 $0x1, s30;
	s3 =	sadd.s32 $0x3D400, s0;
	s6 =	sadd.s32 $0x200, s0  }
0x9: {  	s7 =	sadd.s32 $0xB200, s0;
	s8 =	sadd.s32 $0x64C00, s0;
	s9 =	sadd.s32 $0x3DA00, s0  }
0xa: {  	_ =	strace $0x8000004A;
	[dreg:$0x4] =	wrdreg s3;
	s5 =	ssub.s32 $0x2, s2  }
0xb: {  	s31 =	smul.u32 $0x27200, s2;
	s3 =	stileid.u32;
	s11 =	sshrl.u32 s5, $0x1  }
0xc: {  	s10 =	smul.u32 $0x5800, s3;
	p0 =	seq.s32 s3, $0x1;
	p2 =	sne.s32 s3, $0x0  }
0xd: {  	v0 =	vlaneseq.u32;
	s0 =	sadd.s32 s31, s0;
	s5 =	ssub.s32 s5, s11;
	p1 =	sne.s32 @!p0 s3, $0x0  }
0xe: {  	v1 =	vor.u32 $0x10, v0;
	s11 =	smul.u32 $0xB, s2;
	s14 =	sshrl.u32 @p0 s14, $0x3;
	p1 =	por p1, p0  }
0xf: {  	v2 =	vor.u32 $0x20, v0;
	v3 =	vor.u32 $0x30, v0;
	v4 =	vor.u32 $0x40, v0;
	s12 =	sadd.s32 $0x65200, s0;
	s13 =	smax.u32 s5, $0x1;
	s15 =	sshrl.u32 @!p1 s1, $0x3  }
.LBB2_1:
0x10: {  	s0 =	simm.s32 @p0 $0x1C43  }
0x11: {  	[spmem:s14], [sflag:s0] =	dma.local @p0 [hbm:s8], $0x500  }
0x12: {  	s0 =	simm.s32 @p0 $0x3  }
0x13: {  	_ =	swait.ge @p0 [sflag:s0], $0x500  }
0x14: {  	[sflag:s0] =	ssyncset.done @p0 $0x0  }
0x15: {  	[sflag:s0] =	ssyncadd.s32 @p0 $0xFFFFFB00;
	s0 =	simm.s32 @!p1 $0x1C03  }
0x16: {  	[spmem:s15], [sflag:s0] =	dma.local @!p1 [hbm:s9], $0x27200  }
0x17: {  	s0 =	simm.s32 @!p1 $0x3  }
0x18: {  	_ =	swait.ge @!p1 [sflag:s0], $0x27200  }
0x19: {  	[sflag:s0] =	ssyncset.done @!p1 $0x0  }
0x1a: {  	s31 =	simm.s32 $0x0;
	s2 =	rddreg [dreg:$0x4];
	[sflag:s0] =	ssyncadd.s32 @!p1 $0xFFFD8E00  }
0x1b: {  	[tilespmem:s16], [sflag:$0x3] =	stream.linear.gather [hbm4b:s2+s31], $0x2780, $0x38;
	[tilespmem:$0x1DC80] =	vst v63  }
0x1c: {  	_ =	swait.ge [sflag:s17], $0x2780  }
0x1d: {  	[sflag:s17] =	ssyncset.done $0x0  }
0x1e: {  	[sflag:s17] =	ssyncadd.s32 $0xFFFFD880  }
0x1f: {  	[tilespmem:s18], [sflag:$0x3] =	stream.linear.gather [hbm4b:s8+s31], $0x2800, $0x38;
	[tilespmem:$0x1DC80] =	vst v63  }
0x20: {  	_ =	swait.ge [sflag:s17], $0x2800  }
0x21: {  	[sflag:s17] =	ssyncset.done $0x0  }
0x22: {  	[sflag:s17] =	ssyncadd.s32 $0xFFFFD800  }
0x23: {  	[tilespmem:$0x19C00] =	vst v0  }
0x24: {  	[tilespmem:$0x19C10] =	vst v1  }
0x25: {  	[tilespmem:$0x19C20] =	vst v2  }
0x26: {  	[tilespmem:$0x19C30] =	vst v3  }
0x27: {  	s29 =	simm.s32 $0x0;
	[tilespmem:$0x19C40] =	vst v4  }
.LBB2_2:
0x28: {  	s0 =	sshll.u32 s29, $0xB  }
0x29: {  	s0 =	sadd.s32 s10, s0  }
0x2a: {  	s0 =	sshrl.u32 s0, $0x3  }
0x2b: {  	s3 =	simm.s32 $0x0;
	s2 =	sadd.s32 s6, s0  }
0x2c: {  	[tilespmem:s19], [sflag:$0x3] =	stream.linear.gather [hbm4b:s2+s3], $0x800, $0x38;
	[tilespmem:$0x1DC80] =	vst v63  }
0x2d: {  	_ =	swait.ge [sflag:s17], $0x800  }
0x2e: {  	[sflag:s17] =	ssyncset.done $0x0  }
0x2f: {  	s0 =	sadd.s32 s7, s0;
	[sflag:s17] =	ssyncadd.s32 $0xFFFFF800  }
0x30: {  	[tilespmem:s20], [sflag:$0x3] =	stream.linear.gather [hbm4b:s0+s3], $0x800, $0x38;
	[tilespmem:$0x1DC80] =	vst v63  }
0x31: {  	_ =	swait.ge [sflag:s17], $0x800  }
0x32: {  	[sflag:s17] =	ssyncset.done $0x0  }
0x33: {  	s31 =	simm.s32 $0x0;
	[sflag:s17] =	ssyncadd.s32 $0xFFFFF800  }
0x34: {  	v13 =	vld [tilespmem:s31+$0x18B60]  }
0x35: {  	v6 =	vld [tilespmem:s31+$0x19340]  }
0x36: {  	v7 =	vld [tilespmem:s31+$0x18B20]  }
0x37: {  	v14 =	vld [tilespmem:s31+$0x18B70]  }
0x38: {  	v5 =	vld [tilespmem:s31+$0x19360]  }
0x39: {  	v8 =	vld [tilespmem:s31+$0x19350]  }
0x3a: {  	v11 =	vld [tilespmem:s31+$0x18B50]  }
0x3b: {  	v15 =	vld [tilespmem:s31+$0x18B40]  }
0x3c: {  	v9 =	vld [tilespmem:s31+$0x19330]  }
0x3d: {  	v10 =	vld [tilespmem:s31+$0x19320]  }
0x3e: {  	v16 =	vld [tilespmem:s31+$0x18B30]  }
0x3f: {  	v17 =	vld [tilespmem:s31+$0x18B10]  }
0x40: {  	v12 =	vld [tilespmem:s31+$0x19300]  }
0x41: {  	v18 =	vld [tilespmem:s31+$0x18B00]  }
0x42: {  	v19 =	vld.idx.msk [tilespmem:v11+s16+$0x0], $0xffff  }
0x43: {  	v11 =	vld [tilespmem:s31+$0x19310]  }
0x44: {  	v20 =	vld.idx.msk [tilespmem:v9+s16+$0x0], $0xffff  }
0x45: {  	v21 =	vld.idx.msk [tilespmem:v10+s16+$0x0], $0xffff  }
0x46: {  	v16 =	vld.idx.msk [tilespmem:v16+s16+$0x0], $0xffff  }
0x47: {  	v17 =	vld.idx.msk [tilespmem:v17+s16+$0x0], $0xffff  }
0x48: {  	v22 =	vld.idx.msk [tilespmem:v12+s16+$0x0], $0xffff  }
0x49: {  	v18 =	vld.idx.msk [tilespmem:v18+s16+$0x0], $0xffff  }
0x4a: {  	v23 =	vld.idx.msk [tilespmem:v8+s16+$0x0], $0xffff  }
0x4b: {  	v24 =	vld.idx.msk [tilespmem:v11+s16+$0x0], $0xffff  }
0x4c: {  	v25 =	vld.idx.msk [tilespmem:v7+s16+$0x0], $0xffff  }
0x4d: {  	v15 =	vld.idx.msk [tilespmem:v15+s16+$0x0], $0xffff;
	v16 =	vshll.u32 v16, $0x10;
	v20 =	vand.u32 $0xFFFF0000, v20  }
0x4e: {  	v7 =	vld [tilespmem:s31+$0x19370];
	v22 =	vand.u32 $0xFFFF0000, v22;
	v19 =	vshll.u32 v19, $0x10;
	v18 =	vshll.u32 v18, $0x10  }
0x4f: {  	v16 =	vadd.f32 v20, v16;
	v20 =	vand.u32 $0xFFFF0000, v21;
	v21 =	vand.u32 $0xFFFF0000, v23;
	v23 =	vld.idx.msk [tilespmem:v6+s16+$0x0], $0xffff  }
0x50: {  	v19 =	vadd.f32 v21, v19;
	v21 =	vld.idx.msk [tilespmem:v13+s16+$0x0], $0xffff;
	v13 =	vshll.u32 v17, $0x10;
	v17 =	vand.u32 $0xFFFF0000, v24  }
0x51: {  	v18 =	vadd.f32 v22, v18;
	v22 =	vld.idx.msk [tilespmem:v5+s16+$0x0], $0xffff;
	v17 =	vadd.f32 v17, v13  }
0x52: {  	v15 =	vshll.u32 v15, $0x10;
	v26 =	vmul.f32 $2.000000030e-01, v16  }
0x53: {  	v62 =	vld.idx.msk [tilespmem:v14+s16+$0x0], $0xffff;
	v61 =	vmul.f32 $2.000000030e-01, v18;
	v13 =	vshll.u32 v25, $0x10;
	v14 =	vmul.f32 $2.000000030e-01, v17  }
0x54: {  	v60 =	vmul.f32 $2.000000030e-01, v19;
	v23 =	vand.u32 $0xFFFF0000, v23;
	v20 =	vadd.f32 v20, v13  }
0x55: {  	v13 =	vmax.f32 v16, v26;
	v16 =	vmax.f32 v18, v61;
	v18 =	vmax.f32 v17, v14  }
0x56: {  	v14 =	vadd.f32 v23, v15;
	v15 =	vshll.u32 v21, $0x10;
	v17 =	vand.u32 $0xFFFF0000, v22  }
0x57: {  	v27 =	vmul.f32 $1.442695020e+00, v16;
	v63 =	vmul.f32 $2.000000030e-01, v20;
	v15 =	vadd.f32 v17, v15;
	v17 =	vld.idx.msk [tilespmem:v7+s16+$0x0], $0xffff  }
0x58: {  	v19 =	vmax.f32 v19, v60  }
0x59: {  	v13 =	vmul.f32 $1.442695020e+00, v13;
	(erf) = vpow2.f32 v27;
	v20 =	vmax.f32 v20, v63  }
0x5a: {  	s0 =	simm.s32 $0x200;
	v21 =	vshll.u32 v62, $0x10;
	v16 =	vmul.f32 $2.000000030e-01, v14;
	v20 =	vmul.f32 $1.442695020e+00, v20  }
.LBB2_3:
0x5b: {  	p3 =	sne.s32 s0, $0x1E00  }
0x5c: {  	v18 =	vmul.f32 $1.442695020e+00, v18;
	v22 =	vmul.f32 $2.000000030e-01, v15;
	v17 =	vand.u32 $0xFFFF0000, v17;
	s2 =	smov.u32 s0  }
0x5d: {  	s0 =	sadd.s32 $0x200, s0;
	v19 =	vmul.f32 $1.442695020e+00, v19;
	v17 =	vadd.f32 v17, v21;
	(erf) = vpow2.f32 v20  }
0x5e: {  	v14 =	vmax.f32 v14, v16;
	v15 =	vmax.f32 v15, v22;
	(erf) = vpow2.f32 v18  }
0x5f: {  	v14 =	vmul.f32 $1.442695020e+00, v14;
	v16 =	vmul.f32 $2.000000030e-01, v17  }
0x60: {  	v15 =	vmul.f32 $1.442695020e+00, v15;
	(erf) = vpow2.f32 v13  }
0x61: {  	v13 =	vmax.f32 v17, v16;
	(erf) = vpow2.f32 v14  }
0x62: {  	v13 =	vmul.f32 $1.442695020e+00, v13;
	(erf) = vpow2.f32 v19  }
0x63: {  	v14 =	vpop (erf);
	(erf) = vpow2.f32 v15  }
0x64: {  	[tilespmem:v12+s18+$0x0] =	vst.idx.add.f32.msk $0xffff, v14;
	(erf) = vpow2.f32 v13;
	_ =	sdelay $0x1  }
0x65: {  	v12 =	vpop (erf)  }
0x66: {  	v13 =	vpop (erf)  }
0x67: {  	[tilespmem:v11+s18+$0x0] =	vst.idx.add.f32.msk $0xffff, v13  }
0x68: {  	[tilespmem:v10+s18+$0x0] =	vst.idx.add.f32.msk $0xffff, v12;
	v10 =	vpop (erf)  }
0x69: {  	[tilespmem:v9+s18+$0x0] =	vst.idx.add.f32.msk $0xffff, v10;
	v9 =	vpop (erf)  }
0x6a: {  	[tilespmem:v6+s18+$0x0] =	vst.idx.add.f32.msk $0xffff, v9;
	v6 =	vpop (erf)  }
0x6b: {  	[tilespmem:v8+s18+$0x0] =	vst.idx.add.f32.msk $0xffff, v6;
	v6 =	vpop (erf)  }
0x6c: {  	[tilespmem:v5+s18+$0x0] =	vst.idx.add.f32.msk $0xffff, v6;
	v5 =	vpop (erf)  }
0x6d: {  	s2 =	sshra.s32 s2, $0x2;
	[tilespmem:v7+s18+$0x0] =	vst.idx.add.f32.msk $0xffff, v5  }
0x6e: {  	v7 =	vld [tilespmem:s2+$0x19370]  }
0x6f: {  	v13 =	vld [tilespmem:s2+$0x18B60]  }
0x70: {  	v6 =	vld [tilespmem:s2+$0x19340]  }
0x71: {  	v14 =	vld [tilespmem:s2+$0x18B20]  }
0x72: {  	v15 =	vld [tilespmem:s2+$0x18B70]  }
0x73: {  	v5 =	vld [tilespmem:s2+$0x19360]  }
0x74: {  	v8 =	vld [tilespmem:s2+$0x19350]  }
0x75: {  	v11 =	vld [tilespmem:s2+$0x18B50]  }
0x76: {  	v16 =	vld [tilespmem:s2+$0x18B40]  }
0x77: {  	v9 =	vld [tilespmem:s2+$0x19330]  }
0x78: {  	v10 =	vld [tilespmem:s2+$0x19320]  }
0x79: {  	v17 =	vld [tilespmem:s2+$0x18B30]  }
0x7a: {  	v18 =	vld [tilespmem:s2+$0x18B10]  }
0x7b: {  	v12 =	vld [tilespmem:s2+$0x19300]  }
0x7c: {  	v19 =	vld [tilespmem:s2+$0x18B00]  }
0x7d: {  	v20 =	vld.idx.msk [tilespmem:v11+s16+$0x0], $0xffff  }
0x7e: {  	v11 =	vld [tilespmem:s2+$0x19310]  }
0x7f: {  	v21 =	vld.idx.msk [tilespmem:v9+s16+$0x0], $0xffff  }
0x80: {  	v22 =	vld.idx.msk [tilespmem:v10+s16+$0x0], $0xffff  }
0x81: {  	v17 =	vld.idx.msk [tilespmem:v17+s16+$0x0], $0xffff  }
0x82: {  	v18 =	vld.idx.msk [tilespmem:v18+s16+$0x0], $0xffff  }
0x83: {  	v23 =	vld.idx.msk [tilespmem:v12+s16+$0x0], $0xffff  }
0x84: {  	v24 =	vld.idx.msk [tilespmem:v8+s16+$0x0], $0xffff  }
0x85: {  	v19 =	vld.idx.msk [tilespmem:v19+s16+$0x0], $0xffff  }
0x86: {  	v25 =	vld.idx.msk [tilespmem:v11+s16+$0x0], $0xffff  }
0x87: {  	v14 =	vld.idx.msk [tilespmem:v14+s16+$0x0], $0xffff  }
0x88: {  	v21 =	vand.u32 $0xFFFF0000, v21;
	v17 =	vshll.u32 v17, $0x10;
	v16 =	vld.idx.msk [tilespmem:v16+s16+$0x0], $0xffff  }
0x89: {  	v20 =	vshll.u32 v20, $0x10;
	v17 =	vadd.f32 v21, v17;
	v23 =	vand.u32 $0xFFFF0000, v23;
	v21 =	vld.idx.msk [tilespmem:v6+s16+$0x0], $0xffff  }
0x8a: {  	v22 =	vand.u32 $0xFFFF0000, v22;
	v24 =	vand.u32 $0xFFFF0000, v24  }
0x8b: {  	v26 =	vmul.f32 $2.000000030e-01, v17;
	v19 =	vshll.u32 v19, $0x10;
	v24 =	vadd.f32 v24, v20;
	v20 =	vld.idx.msk [tilespmem:v13+s16+$0x0], $0xffff  }
0x8c: {  	v19 =	vadd.f32 v23, v19;
	v13 =	vshll.u32 v18, $0x10;
	v18 =	vand.u32 $0xFFFF0000, v25;
	v23 =	vld.idx.msk [tilespmem:v5+s16+$0x0], $0xffff  }
0x8d: {  	v18 =	vadd.f32 v18, v13;
	v13 =	vshll.u32 v14, $0x10;
	v25 =	vmul.f32 $2.000000030e-01, v24  }
0x8e: {  	v14 =	vmul.f32 $2.000000030e-01, v19;
	v22 =	vadd.f32 v22, v13;
	v13 =	vmax.f32 v17, v26;
	v26 =	vld.idx.msk [tilespmem:v15+s16+$0x0], $0xffff  }
0x8f: {  	v16 =	vshll.u32 v16, $0x10;
	v15 =	vmul.f32 $2.000000030e-01, v18;
	v13 =	vmul.f32 $1.442695020e+00, v13;
	v17 =	vld.idx.msk [tilespmem:v7+s16+$0x0], $0xffff  }
.Ltmp0:
0x90: {  	v21 =	vand.u32 $0xFFFF0000, v21;
	v14 =	vmax.f32 v19, v14;
	v19 =	vmul.f32 $2.000000030e-01, v22;
	(pc) =	sbr.rel @p3 .LBB2_3-.Ltmp0, $4  }
0x91: {  	v27 =	vmul.f32 $1.442695020e+00, v14;
	v18 =	vmax.f32 v18, v15;
	v14 =	vadd.f32 v21, v16  }
0x92: {  	v15 =	vshll.u32 v20, $0x10;
	v19 =	vmax.f32 v22, v19;
	v20 =	vand.u32 $0xFFFF0000, v23  }
0x93: {  	v16 =	vmul.f32 $2.000000030e-01, v14;
	v15 =	vadd.f32 v20, v15;
	(erf) = vpow2.f32 v27  }
0x94: {  	v20 =	vmul.f32 $1.442695020e+00, v19;
	v19 =	vmax.f32 v24, v25;
	v21 =	vshll.u32 v26, $0x10  }
0x95: {  	v18 =	vmul.f32 $1.442695020e+00, v18;
	v17 =	vand.u32 $0xFFFF0000, v17  }
0x96: {  	v17 =	vadd.f32 v17, v21;
	(erf) = vpow2.f32 v20  }
0x97: {  	v53 =	vmul.f32 $2.000000030e-01, v15;
	v14 =	vmax.f32 v14, v16;
	(erf) = vpow2.f32 v18  }
0x98: {  	v14 =	vmul.f32 $1.442695020e+00, v14;
	v54 =	vmul.f32 $2.000000030e-01, v17  }
0x99: {  	v55 =	vmul.f32 $1.442695020e+00, v19;
	v15 =	vmax.f32 v15, v53;
	(erf) = vpow2.f32 v13  }
0x9a: {  	v56 =	vmul.f32 $1.442695020e+00, v15;
	(erf) = vpow2.f32 v14;
	v57 =	vmax.f32 v17, v54  }
0x9b: {  	(erf) = vpow2.f32 v55;
	v58 =	vmul.f32 $1.442695020e+00, v57  }
0x9c: {  	(erf) = vpow2.f32 v56  }
0x9d: {  	(erf) = vpow2.f32 v58  }
0x9e: {  	v59 =	vpop (erf)  }
0x9f: {  	v60 =	vpop (erf)  }
0xa0: {  	[tilespmem:v12+s18+$0x0] =	vst.idx.add.f32.msk $0xffff, v59;
	v61 =	vpop (erf)  }
0xa1: {  	s29 =	sadd.s32 $0x1, s29;
	[tilespmem:v11+s18+$0x0] =	vst.idx.add.f32.msk $0xffff, v61  }
0xa2: {  	p3 =	sne.s32 s29, $0xB;
	v62 =	vpop (erf);
	[tilespmem:v10+s18+$0x0] =	vst.idx.add.f32.msk $0xffff, v60  }
.Ltmp1:
0xa3: {  	v63 =	vpop (erf);
	[tilespmem:v9+s18+$0x0] =	vst.idx.add.f32.msk $0xffff, v62;
	(pc) =	sbr.rel @p3 .LBB2_2-.Ltmp1, $4  }
0xa4: {  	[tilespmem:v6+s18+$0x0] =	vst.idx.add.f32.msk $0xffff, v63;
	v6 =	vpop (erf)  }
0xa5: {  	[tilespmem:v8+s18+$0x0] =	vst.idx.add.f32.msk $0xffff, v6;
	v6 =	vpop (erf)  }
0xa6: {  	[tilespmem:v5+s18+$0x0] =	vst.idx.add.f32.msk $0xffff, v6;
	v5 =	vpop (erf)  }
0xa7: {  	[tilespmem:v7+s18+$0x0] =	vst.idx.add.f32.msk $0xffff, v5  }
0xa8: {  	[bflag:$0x0] =	sbarrier.arrive $0xFFFF  }
0xa9: {  	s2 =	simm.s32 $0x50;
	s3 =	simm.s32 $0x19C00;
	s0 =	rddreg [dreg:$0x2]  }
0xaa: {  	[spmem:s0] =	stream.indirect.scatter.add.f32 [tilespmem:s18], [sflag:$0x3], $0x80, s3, s2, $0xb8;
	[tilespmem:$0x1DC80] =	vst v63  }
0xab: {  	_ =	swait.ge [sflag:s17], $0x2800  }
0xac: {  	[sflag:s17] =	ssyncset.done $0x0  }
0xad: {  	[sflag:s17] =	ssyncadd.s32 $0xFFFFD800  }
0xae: {  	[bflag:$0x0] =	sbarrier.arrive $0xFFFF  }
0xaf: {  	[tilespmem:s18], [sflag:$0x3] =	stream.linear.gather [spmem:s0], $0x2800, $0x38;
	[tilespmem:$0x1DC80] =	vst v63  }
0xb0: {  	_ =	swait.ge [sflag:s17], $0x2800  }
0xb1: {  	[sflag:s17] =	ssyncset.done $0x0  }
0xb2: {  	s29 =	simm.s32 $0x0;
	s30 =	simm.s32 $0x0;
	[sflag:s17] =	ssyncadd.s32 $0xFFFFD800  }
.LBB2_6:
0xb3: {  	s0 =	sadd.s32 s11, s30  }
0xb4: {  	s0 =	sshll.u32 s0, $0xA  }
0xb5: {  	s0 =	sadd.s32 s10, s0  }
0xb6: {  	s0 =	sshrl.u32 s0, $0x3  }
0xb7: {  	s2 =	sadd.s32 s6, s0  }
0xb8: {  	[tilespmem:s19], [sflag:$0x3] =	stream.linear.gather [hbm4b:s2+s29], $0x400, $0x38;
	[tilespmem:$0x1DC80] =	vst v63  }
0xb9: {  	_ =	swait.ge [sflag:s17], $0x400  }
0xba: {  	[sflag:s17] =	ssyncset.done $0x0  }
0xbb: {  	s0 =	sadd.s32 s7, s0;
	[sflag:s17] =	ssyncadd.s32 $0xFFFFFC00  }
0xbc: {  	[tilespmem:s20], [sflag:$0x3] =	stream.linear.gather [hbm4b:s0+s29], $0x400, $0x38;
	[tilespmem:$0x1DC80] =	vst v63  }
0xbd: {  	_ =	swait.ge [sflag:s17], $0x400  }
0xbe: {  	[sflag:s17] =	ssyncset.done $0x0  }
0xbf: {  	s31 =	simm.s32 $0x0;
	[sflag:s17] =	ssyncadd.s32 $0xFFFFFC00  }
.LBB2_7:
0xc0: {  	s21 =	sshll.u32 s31, $0x7  }
0xc1: {  	s0 =	sadd.s32 $0x18B00, s21  }
0xc2: {  	[tilespmem:s24], [sflag:$0x1] =	stream.indirect.gather [hbm4b:s4+s23], $0x80, s0, s23, $0xb8;
	[tilespmem:$0x1DC80] =	vst v63  }
0xc3: {  	v5 =	vld [tilespmem:s21+$0x19300]  }
0xc4: {  	v6 =	vld [tilespmem:s21+$0x19310]  }
0xc5: {  	v7 =	vld [tilespmem:s21+$0x19320]  }
0xc6: {  	v8 =	vld [tilespmem:s21+$0x18B00]  }
0xc7: {  	v9 =	vld [tilespmem:s21+$0x19330]  }
0xc8: {  	v10 =	vld [tilespmem:s21+$0x19340]  }
0xc9: {  	v11 =	vld [tilespmem:s21+$0x18B10]  }
0xca: {  	v12 =	vld [tilespmem:s21+$0x19350]  }
0xcb: {  	v13 =	vld [tilespmem:s21+$0x19360]  }
0xcc: {  	v14 =	vld [tilespmem:s21+$0x18B20]  }
0xcd: {  	v15 =	vld [tilespmem:s21+$0x19370]  }
0xce: {  	v17 =	vld [tilespmem:s21+$0x18B30]  }
0xcf: {  	v19 =	vld [tilespmem:s21+$0x18B40]  }
0xd0: {  	v20 =	vld [tilespmem:s21+$0x18B50]  }
0xd1: {  	v22 =	vld [tilespmem:s21+$0x18B60]  }
0xd2: {  	v23 =	vld [tilespmem:s21+$0x18B70]  }
0xd3: {  	v8 =	vld.idx.msk [tilespmem:v8+s16+$0x0], $0xffff  }
0xd4: {  	v16 =	vld.idx.msk [tilespmem:v5+s16+$0x0], $0xffff  }
0xd5: {  	v11 =	vld.idx.msk [tilespmem:v11+s16+$0x0], $0xffff  }
0xd6: {  	v18 =	vld.idx.msk [tilespmem:v6+s16+$0x0], $0xffff  }
0xd7: {  	v14 =	vld.idx.msk [tilespmem:v14+s16+$0x0], $0xffff  }
0xd8: {  	v21 =	vld.idx.msk [tilespmem:v7+s16+$0x0], $0xffff  }
0xd9: {  	v17 =	vld.idx.msk [tilespmem:v17+s16+$0x0], $0xffff  }
0xda: {  	v37 =	vld.idx.msk [tilespmem:v9+s16+$0x0], $0xffff  }
0xdb: {  	v24 =	vld.idx.msk [tilespmem:v10+s16+$0x0], $0xffff;
	v8 =	vshll.u32 v8, $0x10;
	v16 =	vand.u32 $0xFFFF0000, v16  }
0xdc: {  	v20 =	vld.idx.msk [tilespmem:v20+s16+$0x0], $0xffff;
	v11 =	vshll.u32 v11, $0x10;
	v36 =	vand.u32 $0xFFFF0000, v18;
	v8 =	vadd.f32 v16, v8  }
0xdd: {  	v40 =	vld.idx.msk [tilespmem:v12+s16+$0x0], $0xffff;
	v11 =	vadd.f32 v36, v11  }
0xde: {  	v41 =	vld.idx.msk [tilespmem:v22+s16+$0x0], $0xffff;
	v39 =	vmul.f32 $2.000000030e-01, v8  }
0xdf: {  	v38 =	vld.idx.msk [tilespmem:v19+s16+$0x0], $0xffff;
	v14 =	vshll.u32 v14, $0x10;
	v21 =	vand.u32 $0xFFFF0000, v21;
	v25 =	vmul.f32 $2.000000030e-01, v11  }
0xe0: {  	v43 =	vld.idx.msk [tilespmem:v13+s16+$0x0], $0xffff;
	v44 =	vand.u32 $0xFFFF0000, v37;
	v14 =	vadd.f32 v21, v14;
	v8 =	vmax.f32 v8, v39  }
0xe1: {  	v45 =	vld.idx.msk [tilespmem:v23+s16+$0x0], $0xffff;
	v47 =	vand.u32 $0xFFFF0000, v24;
	v11 =	vmax.f32 v11, v25;
	v8 =	vmul.f32 $1.442695020e+00, v8  }
0xe2: {  	v48 =	vshll.u32 v20, $0x10;
	v42 =	vmul.f32 $2.000000030e-01, v14;
	v11 =	vmul.f32 $1.442695020e+00, v11  }
0xe3: {  	v46 =	vld.idx.msk [tilespmem:v15+s16+$0x0], $0xffff;
	v19 =	vand.u32 $0xFFFF0000, v40;
	v50 =	vshll.u32 v41, $0x10;
	(erf) = vpow2.f32 v8  }
0xe4: {  	v8 =	vshll.u32 v17, $0x10;
	(erf) = vpow2.f32 v11;
	v11 =	vmax.f32 v14, v42  }
0xe5: {  	v16 =	vshll.u32 v38, $0x10;
	v8 =	vadd.f32 v44, v8;
	v11 =	vmul.f32 $1.442695020e+00, v11  }
0xe6: {  	v51 =	vand.u32 $0xFFFF0000, v43;
	v18 =	vshll.u32 v45, $0x10;
	v16 =	vadd.f32 v47, v16  }
0xe7: {  	v17 =	vadd.f32 v19, v48;
	(erf) = vpow2.f32 v11;
	v11 =	vmul.f32 $2.000000030e-01, v8  }
0xe8: {  	v20 =	vadd.f32 v51, v50;
	v49 =	vmul.f32 $2.000000030e-01, v16;
	v14 =	vand.u32 $0xFFFF0000, v46  }
0xe9: {  	v14 =	vadd.f32 v14, v18;
	v8 =	vmax.f32 v8, v11;
	v11 =	vmul.f32 $2.000000030e-01, v17  }
0xea: {  	v5 =	vld.idx.msk [tilespmem:v5+s18+$0x0], $0xffff;
	v52 =	vmul.f32 $2.000000030e-01, v20;
	v16 =	vmax.f32 v16, v49;
	v8 =	vmul.f32 $1.442695020e+00, v8  }
0xeb: {  	v6 =	vld.idx.msk [tilespmem:v6+s18+$0x0], $0xffff;
	v16 =	vmul.f32 $1.442695020e+00, v16;
	v53 =	vmul.f32 $2.000000030e-01, v14;
	v11 =	vmax.f32 v17, v11  }
0xec: {  	v7 =	vld.idx.msk [tilespmem:v7+s18+$0x0], $0xffff;
	(erf) = vpow2.f32 v8;
	v8 =	vmul.f32 $1.442695020e+00, v11;
	v11 =	vmax.f32 v20, v52  }
0xed: {  	v9 =	vld.idx.msk [tilespmem:v9+s18+$0x0], $0xffff;
	v14 =	vmax.f32 v14, v53;
	(erf) = vpow2.f32 v16;
	v11 =	vmul.f32 $1.442695020e+00, v11  }
0xee: {  	v10 =	vld.idx.msk [tilespmem:v10+s18+$0x0], $0xffff;
	(erf) = vpow2.f32 v8;
	v8 =	vmul.f32 $1.442695020e+00, v14  }
0xef: {  	v5 =	vadd.f32 $1.000000020e-16, v5;
	(erf) = vpow2.f32 v11;
	v11 =	vld.idx.msk [tilespmem:v12+s18+$0x0], $0xffff  }
0xf0: {  	v6 =	vadd.f32 $1.000000020e-16, v6;
	(erf) = vpow2.f32 v8;
	v8 =	vld.idx.msk [tilespmem:v13+s18+$0x0], $0xffff  }
0xf1: {  	v54 =	vld.idx.msk [tilespmem:v15+s18+$0x0], $0xffff;
	(erf) = vrcp.f32 v5;
	v5 =	vadd.f32 $1.000000020e-16, v7  }
0xf2: {  	v7 =	vpop (erf);
	(erf) = vrcp.f32 v6;
	v6 =	vadd.f32 $1.000000020e-16, v9  }
0xf3: {  	v9 =	vpop (erf);
	(erf) = vrcp.f32 v5;
	v5 =	vadd.f32 $1.000000020e-16, v10  }
0xf4: {  	v10 =	vpop (erf);
	(erf) = vrcp.f32 v6;
	v6 =	vadd.f32 $1.000000020e-16, v11  }
0xf5: {  	v11 =	vpop (erf);
	(erf) = vrcp.f32 v5;
	v5 =	vadd.f32 $1.000000020e-16, v8  }
0xf6: {  	v8 =	vpop (erf);
	(erf) = vrcp.f32 v6;
	v6 =	vadd.f32 $1.000000020e-16, v54;
	_ =	sdelay $0x1  }
0xf7: {  	v55 =	vpop (erf)  }
0xf8: {  	(erf) = vrcp.f32 v5;
	v5 =	vpop (erf)  }
0xf9: {  	(erf) = vrcp.f32 v6;
	v6 =	vpop (erf)  }
0xfa: {  	v56 =	vpop (erf)  }
0xfb: {  	v57 =	vpop (erf);
	v7 =	vmul.f32 v56, v7  }
0xfc: {  	v58 =	vpop (erf)  }
0xfd: {  	v59 =	vpop (erf);
	[tilespmem:$0x19B00] =	vst v7;
	v7 =	vmul.f32 v58, v10  }
0xfe: {  	v9 =	vmul.f32 v57, v9;
	v10 =	vpop (erf)  }
0xff: {  	[tilespmem:$0x19B20] =	vst v7;
	v7 =	vmul.f32 v10, v8  }
0x100: {  	[tilespmem:$0x19B10] =	vst v9;
	v9 =	vmul.f32 v59, v11  }
0x101: {  	v11 =	vpop (erf)  }
0x102: {  	v8 =	vpop (erf);
	[tilespmem:$0x19B30] =	vst v9;
	v9 =	vmul.f32 v11, v55  }
0x103: {  	[tilespmem:$0x19B40] =	vst v7;
	v5 =	vmul.f32 v8, v5;
	v7 =	vpop (erf)  }
0x104: {  	[tilespmem:$0x19B50] =	vst v9;
	v6 =	vmul.f32 v7, v6  }
0x105: {  	[tilespmem:$0x19B60] =	vst v5  }
0x106: {  	[tilespmem:$0x19B70] =	vst v6  }
0x107: {  	_ =	swait.ge [sflag:s25], $0x4000  }
0x108: {  	[sflag:s25] =	ssyncset.done $0x0  }
0x109: {  	s0 =	simm.s32 $0x19D80;
	[sflag:s25] =	ssyncadd.s32 $0xFFFFC000  }
0x10a: {  	s22 =	simm.s32 $0x0;
	v6 =	vld [tilespmem:s0+$0xFFFFFF70]  }
0x10b: {  	v7 =	vld.msk [tilespmem:s22+$0x19B00 ss:$0x0], $0xffff  }
0x10c: {  	v8 =	vld [tilespmem:s0+$0xFFFFFF00]  }
0x10d: {  	v9 =	vld [tilespmem:s0+$0xFFFFFF20]  }
0x10e: {  	v5 =	vld [tilespmem:s0+$0xFFFFFF50]  }
0x10f: {  	v10 =	vld [tilespmem:s0+$0xFFFFFF30]  }
0x110: {  	v60 =	vld [tilespmem:s0+$0xFFFFFF10];
	v6 =	vmul.f32 v6, v7  }
0x111: {  	v61 =	vld [tilespmem:s0+$0xFFFFFF40];
	v8 =	vmul.f32 v7, v8  }
0x112: {  	v11 =	vld [tilespmem:s0+$0xFFFFFF60];
	v9 =	vmul.f32 v9, v7;
	[tilespmem:s0+$0xFFFFFF70] =	vst v6  }
0x113: {  	v5 =	vmul.f32 v5, v7;
	[tilespmem:s0+$0xFFFFFF00] =	vst v8  }
0x114: {  	v6 =	vmul.f32 v10, v7;
	[tilespmem:s0+$0xFFFFFF20] =	vst v9  }
0x115: {  	v8 =	vmul.f32 v60, v7;
	[tilespmem:s0+$0xFFFFFF50] =	vst v5  }
0x116: {  	v62 =	vld [tilespmem:s0+$0xFFFFFFB0];
	v5 =	vmul.f32 v61, v7;
	[tilespmem:s0+$0xFFFFFF30] =	vst v6  }
0x117: {  	v9 =	vld [tilespmem:s0+$0xFFFFFF90];
	v6 =	vmul.f32 v11, v7;
	[tilespmem:s0+$0xFFFFFF10] =	vst v8  }
0x118: {  	v10 =	vld [tilespmem:s0+$0xFFFFFF80];
	[tilespmem:s0+$0xFFFFFF40] =	vst v5  }
0x119: {  	v5 =	vld [tilespmem:s0+$0xFFFFFFD0];
	[tilespmem:s0+$0xFFFFFF60] =	vst v6  }
0x11a: {  	v8 =	vld.msk [tilespmem:s22+$0x19B01 ss:$0x0], $0xffff  }
0x11b: {  	v6 =	vld [tilespmem:s0+$0xFFFFFFE0]  }
0x11c: {  	v7 =	vld [tilespmem:s0+$0xFFFFFFF0]  }
0x11d: {  	v11 =	vld [tilespmem:s0+$0xFFFFFFC0]  }
0x11e: {  	v63 =	vld [tilespmem:s0+$0xFFFFFFA0]  }
0x11f: {  	v5 =	vmul.f32 v5, v8  }
0x120: {  	v6 =	vmul.f32 v6, v8  }
0x121: {  	v9 =	vmul.f32 v9, v8;
	v7 =	vmul.f32 v7, v8;
	[tilespmem:s0+$0xFFFFFFD0] =	vst v5  }
0x122: {  	v5 =	vmul.f32 v8, v10;
	[tilespmem:s0+$0xFFFFFFE0] =	vst v6;
	v6 =	vmul.f32 v11, v8  }
0x123: {  	[tilespmem:s0+$0xFFFFFF90] =	vst v9;
	v9 =	vmul.f32 v63, v8;
	v10 =	vmul.f32 v62, v8;
	v8 =	vld [tilespmem:s0+$0x20]  }
0x124: {  	[tilespmem:s0+$0xFFFFFFF0] =	vst v7;
	v11 =	vld [tilespmem:s0+$0x70]  }
0x125: {  	[tilespmem:s0+$0xFFFFFF80] =	vst v5;
	v5 =	vld [tilespmem:s0+$0x60]  }
0x126: {  	[tilespmem:s0+$0xFFFFFFC0] =	vst v6;
	v6 =	vld [tilespmem:s0+$0x40]  }
0x127: {  	[tilespmem:s0+$0xFFFFFFB0] =	vst v10;
	v10 =	vld [tilespmem:s0+$0x0]  }
0x128: {  	[tilespmem:s0+$0xFFFFFFA0] =	vst v9;
	v9 =	vld [tilespmem:s0+$0x10]  }
0x129: {  	s2 =	simm.s32 $0x10;
	s3 =	simm.s32 $0x19D80;
	s21 =	sadd.s32 $0x19300, s21;
	v7 =	vld.msk [tilespmem:s22+$0x19B02 ss:$0x0], $0xffff  }
.LBB2_8:
0x12a: {  	p3 =	sne.s32 s2, $0x1F0  }
0x12b: {  	v12 =	vld [tilespmem:s0+$0x30];
	s3 =	sadd.s32 $0x200, s3;
	s5 =	smov.u32 s2;
	s2 =	sadd.s32 $0x10, s2  }
0x12c: {  	v13 =	vld [tilespmem:s0+$0x50];
	_ =	sdelay $0x1  }
0x12d: {  	v11 =	vmul.f32 v11, v7;
	v10 =	vmul.f32 v7, v10  }
0x12e: {  	v8 =	vmul.f32 v8, v7;
	v9 =	vmul.f32 v9, v7  }
0x12f: {  	v6 =	vmul.f32 v6, v7;
	v5 =	vmul.f32 v5, v7;
	[tilespmem:s0+$0x70] =	vst v11  }
0x130: {  	[tilespmem:s0+$0x20] =	vst v8;
	v8 =	vmul.f32 v12, v7;
	v7 =	vmul.f32 v13, v7  }
0x131: {  	[tilespmem:s0+$0x60] =	vst v5;
	v11 =	vld [tilespmem:s0+$0xA0]  }
0x132: {  	[tilespmem:s0+$0x30] =	vst v8;
	v8 =	vld [tilespmem:s0+$0x80]  }
0x133: {  	v5 =	vld [tilespmem:s3+$0x60];
	[tilespmem:s0+$0x40] =	vst v6  }
0x134: {  	v6 =	vld [tilespmem:s3+$0x40];
	[tilespmem:s0+$0x50] =	vst v7  }
0x135: {  	[tilespmem:s0+$0x0] =	vst v10;
	v7 =	vld [tilespmem:s0+$0xC0]  }
0x136: {  	[tilespmem:s0+$0x10] =	vst v9;
	v9 =	vld [tilespmem:s0+$0xB0]  }
0x137: {  	v10 =	vld.msk [tilespmem:s22+$0x19B03 ss:$0x0], $0xffff  }
0x138: {  	v12 =	vld [tilespmem:s0+$0x90]  }
0x139: {  	v13 =	vld [tilespmem:s0+$0xD0]  }
0x13a: {  	v14 =	vld [tilespmem:s0+$0xE0]  }
0x13b: {  	v15 =	vld [tilespmem:s0+$0xF0];
	_ =	sdelay $0x1  }
0x13c: {  	v8 =	vmul.f32 v10, v8;
	v12 =	vmul.f32 v12, v10  }
0x13d: {  	v11 =	vmul.f32 v11, v10;
	v9 =	vmul.f32 v9, v10  }
0x13e: {  	v7 =	vmul.f32 v7, v10;
	[tilespmem:s0+$0x80] =	vst v8;
	v8 =	vmul.f32 v13, v10  }
0x13f: {  	[tilespmem:s0+$0xA0] =	vst v11;
	v11 =	vmul.f32 v14, v10;
	v10 =	vmul.f32 v15, v10  }
0x140: {  	[tilespmem:s0+$0xB0] =	vst v9  }
0x141: {  	[tilespmem:s0+$0xC0] =	vst v7  }
0x142: {  	v7 =	vld [tilespmem:s3+$0xFFFFFF50];
	[tilespmem:s0+$0xD0] =	vst v8  }
0x143: {  	v8 =	vld [tilespmem:s3+$0xFFFFFF30];
	[tilespmem:s0+$0x90] =	vst v12  }
0x144: {  	v9 =	vld [tilespmem:s3+$0xFFFFFF60];
	[tilespmem:s0+$0xE0] =	vst v11  }
0x145: {  	s22 =	sshra.s32 s5, $0x2;
	v11 =	vld [tilespmem:s3+$0xFFFFFF70];
	[tilespmem:s0+$0xF0] =	vst v10;
	s0 =	smov.u32 s3  }
0x146: {  	v10 =	vld.msk [tilespmem:s22+$0x19B00 ss:$0x0], $0xffff  }
0x147: {  	v12 =	vld [tilespmem:s3+$0xFFFFFF00]  }
0x148: {  	v13 =	vld [tilespmem:s3+$0xFFFFFF20]  }
0x149: {  	v14 =	vld [tilespmem:s3+$0xFFFFFF10]  }
0x14a: {  	v15 =	vld [tilespmem:s3+$0xFFFFFF40];
	_ =	sdelay $0x1  }
0x14b: {  	v11 =	vmul.f32 v11, v10;
	v12 =	vmul.f32 v10, v12  }
0x14c: {  	v9 =	vmul.f32 v9, v10;
	v13 =	vmul.f32 v13, v10  }
0x14d: {  	v8 =	vmul.f32 v8, v10;
	v14 =	vmul.f32 v14, v10;
	[tilespmem:s3+$0xFFFFFF70] =	vst v11  }
0x14e: {  	v7 =	vmul.f32 v7, v10;
	[tilespmem:s3+$0xFFFFFF00] =	vst v12;
	v11 =	vmul.f32 v15, v10  }
0x14f: {  	[tilespmem:s3+$0xFFFFFF20] =	vst v13  }
0x150: {  	[tilespmem:s3+$0xFFFFFF30] =	vst v8  }
0x151: {  	[tilespmem:s3+$0xFFFFFF50] =	vst v7;
	v7 =	vld [tilespmem:s3+$0xFFFFFFF0]  }
0x152: {  	[tilespmem:s3+$0xFFFFFF10] =	vst v14;
	v8 =	vld [tilespmem:s3+$0xFFFFFFC0]  }
0x153: {  	[tilespmem:s3+$0xFFFFFF60] =	vst v9;
	v9 =	vld [tilespmem:s3+$0xFFFFFFE0]  }
0x154: {  	[tilespmem:s3+$0xFFFFFF40] =	vst v11;
	v10 =	vld [tilespmem:s3+$0xFFFFFFD0]  }
0x155: {  	v11 =	vld.msk [tilespmem:s22+$0x19B01 ss:$0x0], $0xffff  }
0x156: {  	v12 =	vld [tilespmem:s3+$0xFFFFFF90]  }
0x157: {  	v13 =	vld [tilespmem:s3+$0xFFFFFF80]  }
0x158: {  	v14 =	vld [tilespmem:s3+$0xFFFFFFB0]  }
0x159: {  	v15 =	vld [tilespmem:s3+$0xFFFFFFA0];
	_ =	sdelay $0x1  }
0x15a: {  	v10 =	vmul.f32 v10, v11;
	v12 =	vmul.f32 v12, v11  }
0x15b: {  	v9 =	vmul.f32 v9, v11;
	v13 =	vmul.f32 v11, v13  }
0x15c: {  	v8 =	vmul.f32 v8, v11;
	v14 =	vmul.f32 v14, v11;
	[tilespmem:s3+$0xFFFFFFD0] =	vst v10  }
0x15d: {  	v7 =	vmul.f32 v7, v11;
	v10 =	vmul.f32 v15, v11;
	[tilespmem:s3+$0xFFFFFFE0] =	vst v9  }
0x15e: {  	[tilespmem:s3+$0xFFFFFF90] =	vst v12  }
0x15f: {  	[tilespmem:s3+$0xFFFFFF80] =	vst v13  }
0x160: {  	[tilespmem:s3+$0xFFFFFFC0] =	vst v8  }
0x161: {  	[tilespmem:s3+$0xFFFFFFA0] =	vst v10  }
.Ltmp2:
0x162: {  	[tilespmem:s3+$0xFFFFFFF0] =	vst v7;
	v8 =	vld [tilespmem:s3+$0x20];
	(pc) =	sbr.rel @p3 .LBB2_8-.Ltmp2, $4  }
0x163: {  	[tilespmem:s3+$0xFFFFFFB0] =	vst v14;
	v11 =	vld [tilespmem:s3+$0x70]  }
0x164: {  	v7 =	vld.msk [tilespmem:s22+$0x19B02 ss:$0x0], $0xffff  }
0x165: {  	v10 =	vld [tilespmem:s3+$0x0]  }
0x166: {  	v9 =	vld [tilespmem:s3+$0x10]  }
0x167: {  	_ =	sdelay $0x1  }
0x168: {  	v11 =	vmul.f32 v11, v7  }
0x169: {  	v12 =	vld [tilespmem:s0+$0x30];
	v8 =	vmul.f32 v8, v7  }
0x16a: {  	v13 =	vld [tilespmem:s0+$0x50];
	v5 =	vmul.f32 v5, v7;
	[tilespmem:s0+$0x70] =	vst v11  }
0x16b: {  	v6 =	vmul.f32 v6, v7;
	[tilespmem:s0+$0x20] =	vst v8  }
0x16c: {  	v56 =	vmul.f32 v7, v10;
	[tilespmem:s0+$0x60] =	vst v5  }
0x16d: {  	[tilespmem:s0+$0x40] =	vst v6;
	v6 =	vmul.f32 v9, v7  }
0x16e: {  	v55 =	vmul.f32 v12, v7;
	[tilespmem:s0+$0x0] =	vst v56  }
0x16f: {  	v5 =	vmul.f32 v13, v7;
	[tilespmem:s0+$0x10] =	vst v6  }
0x170: {  	[tilespmem:s0+$0x30] =	vst v55  }
0x171: {  	v57 =	vld [tilespmem:s0+$0x80];
	[tilespmem:s0+$0x50] =	vst v5  }
0x172: {  	v5 =	vld.msk [tilespmem:s22+$0x19B03 ss:$0x0], $0xffff  }
0x173: {  	v6 =	vld [tilespmem:s0+$0xA0]  }
0x174: {  	v7 =	vld [tilespmem:s0+$0xB0]  }
0x175: {  	v58 =	vld [tilespmem:s0+$0xC0]  }
0x176: {  	v61 =	vld [tilespmem:s0+$0xE0]  }
0x177: {  	v59 =	vld [tilespmem:s0+$0xD0];
	v10 =	vmul.f32 v5, v57  }
0x178: {  	v60 =	vld [tilespmem:s0+$0x90];
	v6 =	vmul.f32 v6, v5  }
0x179: {  	v62 =	vld [tilespmem:s0+$0xF0];
	v7 =	vmul.f32 v7, v5;
	[tilespmem:s0+$0x80] =	vst v10  }
0x17a: {  	v8 =	vmul.f32 v58, v5;
	[tilespmem:s0+$0xA0] =	vst v6  }
0x17b: {  	v63 =	vmul.f32 v61, v5;
	[tilespmem:s0+$0xB0] =	vst v7  }
0x17c: {  	v6 =	vmul.f32 v59, v5;
	[tilespmem:s0+$0xC0] =	vst v8  }
0x17d: {  	v7 =	vmul.f32 v60, v5;
	[tilespmem:s0+$0xE0] =	vst v63  }
0x17e: {  	s31 =	sadd.s32 $0x1, s31;
	v5 =	vmul.f32 v62, v5;
	[tilespmem:s0+$0xD0] =	vst v6  }
0x17f: {  	p3 =	sne.s32 s31, $0x8;
	[tilespmem:s0+$0x90] =	vst v7  }
.Ltmp3:
0x180: {  	[tilespmem:s0+$0xF0] =	vst v5;
	(pc) =	sbr.rel @p3 .LBB2_7-.Ltmp3, $4  }
0x181: {  	[spmem:s1] =	stream.indirect.scatter.add.f32 [tilespmem:s24], [sflag:$0x2], $0x80, s21, s23, $0xb8;
	[tilespmem:$0x1DC80] =	vst v63  }
0x182: {  	_ =	swait.ge [sflag:s26], $0x4000  }
0x183: {  	[sflag:s26] =	ssyncset.done $0x0  }
0x184: {  	[sflag:s26] =	ssyncadd.s32 $0xFFFFC000  }
0x185: {  	s30 =	sadd.s32 $0x1, s30  }
0x186: {  	p3 =	sne.s32 s30, $0xB  }
.Ltmp4:
0x187: {  	_ = 	snop;
	(pc) =	sbr.rel @p3 .LBB2_6-.Ltmp4, $1  }
0x188: {  	_ =	sdelay $0x3  }
0x189: {  	[bflag:$0x0] =	sbarrier.arrive $0xFFFF  }
0x18a: {  	s0 =	sshrl.u32 @!p2 s1, $0x3;
	s2 =	simm.s32 @!p2 $0x1C03;
	s28 =	sadd.s32 $0x1, s28  }
0x18b: {  	[hbm:s12], [sflag:s2] =	dma.local @!p2 [spmem:s0], $0x27200  }
0x18c: {  	p3 =	sne.s32 s28, s13  }
.Ltmp5:
0x18d: {  	_ = 	snop;
	(pc) =	sbr.rel @p3 .LBB2_1-.Ltmp5, $4  }
0x18e: {  	s0 =	simm.s32 @!p2 $0x3  }
0x18f: {  	_ =	swait.ge @!p2 [sflag:s0], $0x27200  }
0x190: {  	[sflag:s0] =	ssyncset.done @!p2 $0x0  }
0x191: {  	[sflag:s0] =	ssyncadd.s32 @!p2 $0xFFFD8E00  }
0x192: {  	_ =	sfence.sel $0x180000  }
0x193: {  	[bflag:$0x0] =	sbarrier.arrive $0xFFFF  }
0x194: {  	_ =	strace $0x9000004A  }
0x195: {  	[bflag:$0x2] =	sbarrier.arrive $0xFFFF  }
0x196: {  	s0 =	rddreg [dreg:$0x3]  }
0x197: {  	s0 =	sadd.s32 @!p2 $0x100000, s0  }
0x198: {  	[sflag:s0] =	ssyncadd.tile.s32 @!p2 $0x1;
	_ =	shalt  }
.Lfunc_end2:
_tile_overlayer_lowered:
.L_overlay_start_2:
0x199: {  	(tag) =	ssettag $0x2  }
0x19a: {  	s0 =	rddreg [dreg:$0x0];
	s2 =	stileid.u32  }
0x19b: {  	s1 =	rddreg [dreg:$0x1];
	p0 =	sne.s32 s2, $0x0  }
0x19c: {  	s3 =	rddreg [dreg:$0x2];
	[bflag:$0x3] =	sbarrier.arrive $0xFFFF;
	s2 =	simm.s32 @!p0 $0x1C03  }
0x19d: {  	[timem:s3], [sflag:s2] =	dma.local @!p0 [hbm:s0], s1  }
0x19e: {  	s0 =	simm.s32 @!p0 $0x3  }
0x19f: {  	_ =	swait.ge @!p0 [sflag:s0], s1  }
0x1a0: {  	s1 =	ssub.s32 @!p0 $0x0, s1;
	[sflag:s0] =	ssyncset.done @!p0 $0x0  }
0x1a1: {  	[sflag:s0] =	ssyncadd.s32 @!p0 s1  }
0x1a2: {  	[bflag:$0x3] =	sbarrier.arrive $0xFFFF  }
0x1a3: {  	_ =	shalt  }

// kernel: kernel.7.cloned.1.call-start
scs
__scs_entry_jumppad:
0x0: {  	(pc) =	sbr.rel $0x88, $3  }
0x1: {  	(tag) =	ssettag $0x0;
	lr =	simm.s32 $0x1  }
0x2: {  	[smem:$0x3F96] =	sst lr;
	_ =	strace $0xD0000000  }
0x3: {  	_ = 	snop  }
0x4: {  	_ = 	snop  }
0x5: {  	_ = 	snop  }
0x6: {  	_ = 	snop  }
0x7: {  	_ = 	snop  }
__scs_overlays_trampoline_lowered:
0x8: {  	[smem:$0x3FA5] =	sst s0  }
0x9: {  	[smem:$0x3FA6] =	sst s1  }
0xa: {  	[smem:$0x3FA7] =	sst s2  }
0xb: {  	[smem:$0x3FA8] =	sst s3  }
0xc: {  	[smem:$0x3FA9] =	sst s4  }
0xd: {  	[smem:$0x3FAA] =	sst s5  }
0xe: {  	[smem:$0x3FAB] =	sst s6  }
0xf: {  	[smem:$0x3FAC] =	sst s7  }
0x10: {  	[smem:$0x3FAD] =	sst s8  }
0x11: {  	[smem:$0x3FAE] =	sst s9;
	s0 =	simm.s32 @!p0 $0x0  }
0x12: {  	s1 =	sld [smem:$0x3F94];
	s0 =	simm.s32 @p0 $0x1  }
0x13: {  	[smem:$0x3FAF] =	sst s0;
	s0 =	simm.s32 @!p1 $0x0  }
0x14: {  	s2 =	sld [smem:$0x3F93];
	s0 =	simm.s32 @p1 $0x1  }
0x15: {  	[smem:$0x3FB0] =	sst s0;
	s0 =	simm.s32 @!p2 $0x0  }
0x16: {  	s3 =	sld [smem:$0x3FDB];
	s0 =	simm.s32 @p2 $0x1  }
0x17: {  	s4 =	simm.s32 $0x1BF5;
	[smem:$0x3FB2] =	sst s0  }
0x18: {  	s0 =	sld [smem:$0x3F95];
	_ =	swait.ge [sflag:s4], $0x0  }
0x19: {  	s7 =	sld [smem:$0x3F96]  }
0x1a: {  	s8 =	sadd.s32 $0xFFFFE003, lr  }
0x1b: {  	s9 =	sadd.s32 $0xFFFFFEF7, lr;
	s5 =	simm.s32 $0xFFFFFFFF;
	p2 =	slt.u32 s8, $0xFFFFF086  }
0x1c: {  	p1 =	slt.u32 s9, $0xF7A;
	s5 =	simm.s32 @!p2 $0x0  }
0x1d: {  	s5 =	simm.s32 @p1 $0x1;
	p0 =	seq.s32 s7, s2  }
0x1e: {  	s7 =	smul.u32 @!p0 $0xF7A, s2;
	p2 =	seq.s32 @!p0 s5, $0x0  }
0x1f: {  	s9 =	smul.u32 $0xF7A, s1;
	s8 =	simm.s32 @!p0 $0x1BF5;
	p2 =	por !p2, p0  }
0x20: {  	[sflag:s8] =	ssyncset.s32 @!p0 $0xFFFFF086;
	s6 =	sadd.s32 @!p0 s3, s7;
	s7 =	simm.s32 @!p0 $0x108  }
0x21: {  	s3 =	sadd.s32 s3, s9;
	s6 =	sadd.s32 @!p0 $0x88, s6;
	s7 =	simm.s32 @p2 $0x1082  }
0x22: {  	[simem:s7], [sflag:s8] =	dma.local @!p0 [hbm:s6], $0xF7A  }
0x23: {  	s9 =	sor.u32 $0xD0000000, s2;
	s6 =	simm.s32 $0x108;
	_ =	swait.ge @!p0 [sflag:s8], $0x0  }
0x24: {  	s3 =	sadd.s32 $0x88, s3;
	s6 =	simm.s32 @!p1 $0x1082;
	[sflag:s4] =	ssyncset.s32 $0xFFFFF086  }
0x25: {  	[simem:s6], [sflag:s4] =	dma.local [hbm:s3], $0xF7A  }
0x26: {  	[smem:$0x3F96] =	sst s1;
	(tag) =	ssettag s2;
	_ =	strace s9  }
0x27: {  	s1 =	sld [smem:$0x3FA6]  }
0x28: {  	s2 =	sld [smem:$0x3FA7]  }
0x29: {  	s4 =	sld [smem:$0x3FA9]  }
0x2a: {  	p0 =	seq.s32 s5, $0x0;
	s5 =	sld [smem:$0x3FAA]  }
0x2b: {  	s6 =	sld [smem:$0x3FAB]  }
0x2c: {  	s7 =	sld [smem:$0x3FAC]  }
0x2d: {  	s3 =	simm.s32 $0x108;
	s8 =	sld [smem:$0x3FAD]  }
0x2e: {  	s3 =	simm.s32 @!p0 $0x1082;
	s9 =	sld [smem:$0x3FAE]  }
0x2f: {  	lr =	sadd.s32 s0, s3;
	s0 =	sld [smem:$0x3FA5]  }
0x30: {  	s3 =	sld [smem:$0x3FA8]  }
0x31: {  	[smem:$0x3FB1] =	sst s10  }
0x32: {  	s10 =	sld [smem:$0x3FAF];
	_ =	sdelay $0x3  }
0x33: {  	p0 =	seq.s32 s10, $0x1;
	s10 =	sld [smem:$0x3FB1];
	_ =	sdelay $0x3  }
0x34: {  	[smem:$0x3FB1] =	sst s10  }
0x35: {  	s10 =	sld [smem:$0x3FB0];
	_ =	sdelay $0x3  }
0x36: {  	p1 =	seq.s32 s10, $0x1;
	s10 =	sld [smem:$0x3FB1];
	_ =	sdelay $0x3  }
0x37: {  	[smem:$0x3FB1] =	sst s10  }
0x38: {  	s10 =	sld [smem:$0x3FB2]  }
0x39: {  	_ = 	snop;
	(pc) =	sbr.ind lr, $3  }
0x3a: {  	_ = 	snop  }
0x3b: {  	_ = 	snop  }
0x3c: {  	p2 =	seq.s32 s10, $0x1;
	s10 =	sld [smem:$0x3FB1]  }
0x3d: {  	_ =	shalt  }
0x3e: {  	_ =	shalt  }
0x3f: {  	_ =	shalt  }
0x40: {  	_ =	shalt  }
0x41: {  	_ =	shalt  }
0x42: {  	_ =	shalt  }
0x43: {  	_ =	shalt  }
0x44: {  	_ =	shalt  }
0x45: {  	_ =	shalt  }
0x46: {  	_ =	shalt  }
0x47: {  	_ =	shalt  }
0x48: {  	_ =	shalt  }
0x49: {  	_ =	shalt  }
0x4a: {  	_ =	shalt  }
0x4b: {  	_ =	shalt  }
0x4c: {  	_ =	shalt  }
0x4d: {  	_ =	shalt  }
0x4e: {  	_ =	shalt  }
0x4f: {  	_ =	shalt  }
0x50: {  	_ =	shalt  }
0x51: {  	_ =	shalt  }
0x52: {  	_ =	shalt  }
0x53: {  	_ =	shalt  }
0x54: {  	_ =	shalt  }
0x55: {  	_ =	shalt  }
0x56: {  	_ =	shalt  }
0x57: {  	_ =	shalt  }
0x58: {  	_ =	shalt  }
0x59: {  	_ =	shalt  }
0x5a: {  	_ =	shalt  }
0x5b: {  	_ =	shalt  }
0x5c: {  	_ =	shalt  }
0x5d: {  	_ =	shalt  }
0x5e: {  	_ =	shalt  }
0x5f: {  	_ =	shalt  }
0x60: {  	_ =	shalt  }
0x61: {  	_ =	shalt  }
0x62: {  	_ =	shalt  }
0x63: {  	_ =	shalt  }
0x64: {  	_ =	shalt  }
0x65: {  	_ =	shalt  }
0x66: {  	_ =	shalt  }
0x67: {  	_ =	shalt  }
0x68: {  	_ =	shalt  }
0x69: {  	_ =	shalt  }
0x6a: {  	_ =	shalt  }
0x6b: {  	_ =	shalt  }
0x6c: {  	_ =	shalt  }
0x6d: {  	_ =	shalt  }
0x6e: {  	_ =	shalt  }
0x6f: {  	_ =	shalt  }
0x70: {  	_ =	shalt  }
0x71: {  	_ =	shalt  }
0x72: {  	_ =	shalt  }
0x73: {  	_ =	shalt  }
0x74: {  	_ =	shalt  }
0x75: {  	_ =	shalt  }
0x76: {  	_ =	shalt  }
0x77: {  	_ =	shalt  }
0x78: {  	_ =	shalt  }
0x79: {  	_ =	shalt  }
0x7a: {  	_ =	shalt  }
0x7b: {  	_ =	shalt  }
0x7c: {  	_ =	shalt  }
0x7d: {  	_ =	shalt  }
0x7e: {  	_ =	shalt  }
0x7f: {  	_ =	shalt  }
0x80: {  	_ =	shalt  }
0x81: {  	_ =	shalt  }
0x82: {  	_ =	shalt  }
0x83: {  	_ =	shalt  }
0x84: {  	_ =	shalt  }
0x85: {  	_ =	shalt  }
0x86: {  	_ =	shalt  }
0x87: {  	_ =	shalt  }
.Lfunc_end0:
.L_simem_size_0:
called_computation_lowered:
.L_overlay_start_0:
0x88: {  	s2 =	sld [smem:$0x3FD9]  }
0x89: {  	s3 =	sld [smem:$0x3FFE];
	_ =	sdelay $0x1  }
0x8a: {  	s1 =	srdreg.scid  }
0x8b: {  	s0 =	sand.u32 $0x1, s1  }
0x8c: {  	s16 =	sshll.u32 s0, $0xA;
	s2 =	sadd.s32 s3, s2  }
0x8d: {  	s2 =	sadd.s32 s2, s16  }
0x8e: {  	[smem:$0x3FBD] =	sst s2  }
0x8f: {  	_ = 	snop  }
0x90: {  	(tm) =	ssettm $0x1  }
0x91: {  	s17 =	sld [smem:$0x3FFB];
	_ =	sdelay $0x3  }
0x92: {  	_ =	strace s17  }
0x93: {  	s2 =	sld [smem:$0x3FFC];
	_ =	sdelay $0x3  }
0x94: {  	_ =	strace s2  }
0x95: {  	s2 =	sld [smem:$0x3FFD];
	_ =	sdelay $0x3  }
0x96: {  	_ =	strace s2  }
0x97: {  	_ =	strace $0x8FFFFFFF  }
0x98: {  	s18 =	sld [smem:$0x3FDB];
	_ =	sdelay $0x1  }
0x99: {  	s19 =	simm.s32 $_scs_section_size  }
0x9a: {  	s4 =	simm.s32 $_size__tile_overlayer_lowered;
	s5 =	simm.s32 $_tile_overlayer_lowered  }
0x9b: {  	s22 =	simm.s32 $0x1BFF;
	s21 =	sshll.u32 s5, $0x1;
	s2 =	sadd.s32 s19, s18  }
0x9c: {  	s6 =	simm.s32 $0x0;
	s20 =	sshll.u32 s4, $0x1;
	s4 =	sadd.s32 s21, s2  }
0x9d: {  	[timem:s6], [sflag:s22] =	dma.local [hbm:s4], s20  }
0x9e: {  	_ =	swait.ge [sflag:s22], s20  }
0x9f: {  	s3 =	ssub.s32 $0x0, s20;
	[sflag:s22] =	ssyncset.done $0x0  }
0xa0: {  	[sflag:s22] =	ssyncadd.s32 s3;
	_ =	sdelay $0x1  }
0xa1: {  	s23 =	simm.s32 $0x1B8B  }
0xa2: {  	_ =	swait.ge [sflag:s23], $0x1  }
0xa3: {  	[sflag:s23] =	ssyncset.done $0x0  }
0xa4: {  	s25 =	simm.s32 $0x1B8E;
	s24 =	sld [smem:$0x3FFE];
	[sflag:s23] =	ssyncadd.s32 $0xFFFFFFFF  }
0xa5: {  	s26 =	simm.s32 $execute0_lowered;
	[smem:$0x3FD2] =	sst s25  }
0xa6: {  	s4 =	sshll.u32 s26, $0x1;
	_ =	strace $0x80000046;
	[dreg:$0x1] =	wrdreg $0xFFFFFFFF  }
0xa7: {  	s28 =	simm.s32 $_size_execute0_lowered;
	s2 =	sadd.s32 s2, s4;
	[dreg:$0x0] =	wrdreg $0x0  }
0xa8: {  	s4 =	sshll.u32 s28, $0x1;
	[dreg:$0x2] =	wrdreg s2  }
0xa9: {  	[dreg:$0x3] =	wrdreg s4  }
0xaa: {  	[dreg:$0x4] =	wrdreg $0xC0  }
0xab: {  	_ =	task [dreg:s6], $0x5FFFF  }
0xac: {  	[dreg:$0x1] =	wrdreg $0xFFFFFFFF  }
0xad: {  	[dreg:$0x0] =	wrdreg $0x60  }
0xae: {  	[dreg:$0x2] =	wrdreg s24  }
0xaf: {  	[dreg:$0x3] =	wrdreg $0x0  }
0xb0: {  	[dreg:$0x4] =	wrdreg $0x139000  }
0xb1: {  	[dreg:$0x5] =	wrdreg $0x9  }
0xb2: {  	_ =	task.clear_ibuf [dreg:s6], $0x6FFFF;
	_ =	strace $0x90000046  }
0xb3: {  	s29 =	simm.s32 $0x9;
	_ =	strace $0x80000048  }
0xb4: {  	_ =	swait.ge [sflag:s29], $0x1  }
0xb5: {  	[sflag:s29] =	ssyncadd.s32 $0xFFFFFFFF  }
0xb6: {  	_ =	strace $0x90000048  }
0xb7: {  	_ =	sfence  }
0xb8: {  	s30 =	sld [smem:$0x0];
	_ =	sdelay $0x2  }
0xb9: {  	s31 =	sshll.u32 s1, $0xD;
	s1 =	sshrl.u32 s1, $0x2  }
0xba: {  	s3 =	sand.u32 $0x4000, s31;
	s1 =	sadd.s32 s1, s30  }
0xbb: {  	s0 =	sor.u32 s3, s0;
	s1 =	sshll.u32 s1, $0x11  }
0xbc: {  	s0 =	sor.u32 s1, s0  }
0xbd: {  	s0 =	sadd.s32 $0x8F2B, s0  }
0xbe: {  	[sflag:s0] =	ssyncadd.remote.s32 $0x1  }
0xbf: {  	_ =	sfence.sel $0xFFFF  }
0xc0: {  	[dreg:$0x0] =	wrdreg $0xFFFFFFFF;
	(pc) =	sbr.abs _section_cstart, $3  }
0xc1: {  	[dreg:$0x1] =	wrdreg $0xFFFFFFFF  }
0xc2: {  	_ =	task.clear_ibuf [dreg:s6], $0x2FFFF;
	_ =	strace $0x9FFFFFFF  }
0xc3: {  	(tm) =	ssettm $0x7FFFFFFF  }
tec
execute0_lowered:
.L_overlay_start_1:
0x0: {  	(tag) =	ssettag $0x1  }
0x1: {  	s0 =	rddreg [dreg:$0x0]  }
0x2: {  	s1 =	rddreg [dreg:$0x1]  }
0x3: {  	s14 =	rddreg [dreg:$0x2];
	s2 =	simm.s32 $0x0;
	s30 =	srdreg.scid  }
0x4: {  	s16 =	simm.s32 $0x13B80;
	s17 =	simm.s32 $0x3;
	s18 =	simm.s32 $0x16300  }
0x5: {  	s19 =	simm.s32 $0x18B00;
	s20 =	simm.s32 $0x19300;
	s23 =	simm.s32 $0x80  }
0x6: {  	s24 =	simm.s32 $0x19C80;
	s25 =	simm.s32 $0x1;
	s26 =	simm.s32 $0x2  }
0x7: {  	s28 =	simm.s32 $0x0;
	[smem:$0x7FF] =	sst s2;
	s4 =	sadd.s32 $0x16200, s0  }
0x8: {  	s2 =	sand.u32 $0x1, s30;
	s3 =	sadd.s32 $0x3D400, s0;
	s6 =	sadd.s32 $0x200, s0  }
0x9: {  	s7 =	sadd.s32 $0xB200, s0;
	s8 =	sadd.s32 $0x64C00, s0;
	s9 =	sadd.s32 $0x3DA00, s0  }
0xa: {  	_ =	strace $0x80000047;
	[dreg:$0x4] =	wrdreg s3;
	s5 =	ssub.s32 $0x2, s2  }
0xb: {  	s31 =	smul.u32 $0x27200, s2;
	s3 =	stileid.u32;
	s11 =	sshrl.u32 s5, $0x1  }
0xc: {  	s10 =	smul.u32 $0x5800, s3;
	p0 =	seq.s32 s3, $0x1;
	p2 =	sne.s32 s3, $0x0  }
0xd: {  	v0 =	vlaneseq.u32;
	s0 =	sadd.s32 s31, s0;
	s5 =	ssub.s32 s5, s11;
	p1 =	sne.s32 @!p0 s3, $0x0  }
0xe: {  	v1 =	vor.u32 $0x10, v0;
	s11 =	smul.u32 $0xB, s2;
	s14 =	sshrl.u32 @p0 s14, $0x3;
	p1 =	por p1, p0  }
0xf: {  	v2 =	vor.u32 $0x20, v0;
	v3 =	vor.u32 $0x30, v0;
	v4 =	vor.u32 $0x40, v0;
	s12 =	sadd.s32 $0x65200, s0;
	s13 =	smax.u32 s5, $0x1;
	s15 =	sshrl.u32 @!p1 s1, $0x3  }
.LBB2_1:
0x10: {  	s0 =	simm.s32 @p0 $0x1C43  }
0x11: {  	[spmem:s14], [sflag:s0] =	dma.local @p0 [hbm:s8], $0x500  }
0x12: {  	s0 =	simm.s32 @p0 $0x3  }
0x13: {  	_ =	swait.ge @p0 [sflag:s0], $0x500  }
0x14: {  	[sflag:s0] =	ssyncset.done @p0 $0x0  }
0x15: {  	[sflag:s0] =	ssyncadd.s32 @p0 $0xFFFFFB00;
	s0 =	simm.s32 @!p1 $0x1C03  }
0x16: {  	[spmem:s15], [sflag:s0] =	dma.local @!p1 [hbm:s9], $0x27200  }
0x17: {  	s0 =	simm.s32 @!p1 $0x3  }
0x18: {  	_ =	swait.ge @!p1 [sflag:s0], $0x27200  }
0x19: {  	[sflag:s0] =	ssyncset.done @!p1 $0x0  }
0x1a: {  	s31 =	simm.s32 $0x0;
	s2 =	rddreg [dreg:$0x4];
	[sflag:s0] =	ssyncadd.s32 @!p1 $0xFFFD8E00  }
0x1b: {  	[tilespmem:s16], [sflag:$0x3] =	stream.linear.gather [hbm4b:s2+s31], $0x2780, $0x38;
	[tilespmem:$0x1DC80] =	vst v63  }
0x1c: {  	_ =	swait.ge [sflag:s17], $0x2780  }
0x1d: {  	[sflag:s17] =	ssyncset.done $0x0  }
0x1e: {  	[sflag:s17] =	ssyncadd.s32 $0xFFFFD880  }
0x1f: {  	[tilespmem:s18], [sflag:$0x3] =	stream.linear.gather [hbm4b:s8+s31], $0x2800, $0x38;
	[tilespmem:$0x1DC80] =	vst v63  }
0x20: {  	_ =	swait.ge [sflag:s17], $0x2800  }
0x21: {  	[sflag:s17] =	ssyncset.done $0x0  }
0x22: {  	[sflag:s17] =	ssyncadd.s32 $0xFFFFD800  }
0x23: {  	[tilespmem:$0x19C00] =	vst v0  }
0x24: {  	[tilespmem:$0x19C10] =	vst v1  }
0x25: {  	[tilespmem:$0x19C20] =	vst v2  }
0x26: {  	[tilespmem:$0x19C30] =	vst v3  }
0x27: {  	s29 =	simm.s32 $0x0;
	[tilespmem:$0x19C40] =	vst v4  }
.LBB2_2:
0x28: {  	s0 =	sshll.u32 s29, $0xB  }
0x29: {  	s0 =	sadd.s32 s10, s0  }
0x2a: {  	s0 =	sshrl.u32 s0, $0x3  }
0x2b: {  	s3 =	simm.s32 $0x0;
	s2 =	sadd.s32 s6, s0  }
0x2c: {  	[tilespmem:s19], [sflag:$0x3] =	stream.linear.gather [hbm4b:s2+s3], $0x800, $0x38;
	[tilespmem:$0x1DC80] =	vst v63  }
0x2d: {  	_ =	swait.ge [sflag:s17], $0x800  }
0x2e: {  	[sflag:s17] =	ssyncset.done $0x0  }
0x2f: {  	s0 =	sadd.s32 s7, s0;
	[sflag:s17] =	ssyncadd.s32 $0xFFFFF800  }
0x30: {  	[tilespmem:s20], [sflag:$0x3] =	stream.linear.gather [hbm4b:s0+s3], $0x800, $0x38;
	[tilespmem:$0x1DC80] =	vst v63  }
0x31: {  	_ =	swait.ge [sflag:s17], $0x800  }
0x32: {  	[sflag:s17] =	ssyncset.done $0x0  }
0x33: {  	s31 =	simm.s32 $0x0;
	[sflag:s17] =	ssyncadd.s32 $0xFFFFF800  }
0x34: {  	v13 =	vld [tilespmem:s31+$0x18B60]  }
0x35: {  	v6 =	vld [tilespmem:s31+$0x19340]  }
0x36: {  	v7 =	vld [tilespmem:s31+$0x18B20]  }
0x37: {  	v14 =	vld [tilespmem:s31+$0x18B70]  }
0x38: {  	v5 =	vld [tilespmem:s31+$0x19360]  }
0x39: {  	v8 =	vld [tilespmem:s31+$0x19350]  }
0x3a: {  	v11 =	vld [tilespmem:s31+$0x18B50]  }
0x3b: {  	v15 =	vld [tilespmem:s31+$0x18B40]  }
0x3c: {  	v9 =	vld [tilespmem:s31+$0x19330]  }
0x3d: {  	v10 =	vld [tilespmem:s31+$0x19320]  }
0x3e: {  	v16 =	vld [tilespmem:s31+$0x18B30]  }
0x3f: {  	v17 =	vld [tilespmem:s31+$0x18B10]  }
0x40: {  	v12 =	vld [tilespmem:s31+$0x19300]  }
0x41: {  	v18 =	vld [tilespmem:s31+$0x18B00]  }
0x42: {  	v19 =	vld.idx.msk [tilespmem:v11+s16+$0x0], $0xffff  }
0x43: {  	v11 =	vld [tilespmem:s31+$0x19310]  }
0x44: {  	v20 =	vld.idx.msk [tilespmem:v9+s16+$0x0], $0xffff  }
0x45: {  	v21 =	vld.idx.msk [tilespmem:v10+s16+$0x0], $0xffff  }
0x46: {  	v16 =	vld.idx.msk [tilespmem:v16+s16+$0x0], $0xffff  }
0x47: {  	v17 =	vld.idx.msk [tilespmem:v17+s16+$0x0], $0xffff  }
0x48: {  	v22 =	vld.idx.msk [tilespmem:v12+s16+$0x0], $0xffff  }
0x49: {  	v18 =	vld.idx.msk [tilespmem:v18+s16+$0x0], $0xffff  }
0x4a: {  	v23 =	vld.idx.msk [tilespmem:v8+s16+$0x0], $0xffff  }
0x4b: {  	v24 =	vld.idx.msk [tilespmem:v11+s16+$0x0], $0xffff  }
0x4c: {  	v25 =	vld.idx.msk [tilespmem:v7+s16+$0x0], $0xffff  }
0x4d: {  	v15 =	vld.idx.msk [tilespmem:v15+s16+$0x0], $0xffff;
	v16 =	vshll.u32 v16, $0x10;
	v20 =	vand.u32 $0xFFFF0000, v20  }
0x4e: {  	v7 =	vld [tilespmem:s31+$0x19370];
	v22 =	vand.u32 $0xFFFF0000, v22;
	v19 =	vshll.u32 v19, $0x10;
	v18 =	vshll.u32 v18, $0x10  }
0x4f: {  	v16 =	vadd.f32 v20, v16;
	v20 =	vand.u32 $0xFFFF0000, v21;
	v21 =	vand.u32 $0xFFFF0000, v23;
	v23 =	vld.idx.msk [tilespmem:v6+s16+$0x0], $0xffff  }
0x50: {  	v19 =	vadd.f32 v21, v19;
	v21 =	vld.idx.msk [tilespmem:v13+s16+$0x0], $0xffff;
	v13 =	vshll.u32 v17, $0x10;
	v17 =	vand.u32 $0xFFFF0000, v24  }
0x51: {  	v18 =	vadd.f32 v22, v18;
	v22 =	vld.idx.msk [tilespmem:v5+s16+$0x0], $0xffff;
	v17 =	vadd.f32 v17, v13  }
0x52: {  	v15 =	vshll.u32 v15, $0x10;
	v26 =	vmul.f32 $2.000000030e-01, v16  }
0x53: {  	v62 =	vld.idx.msk [tilespmem:v14+s16+$0x0], $0xffff;
	v61 =	vmul.f32 $2.000000030e-01, v18;
	v13 =	vshll.u32 v25, $0x10;
	v14 =	vmul.f32 $2.000000030e-01, v17  }
0x54: {  	v60 =	vmul.f32 $2.000000030e-01, v19;
	v23 =	vand.u32 $0xFFFF0000, v23;
	v20 =	vadd.f32 v20, v13  }
0x55: {  	v13 =	vmax.f32 v16, v26;
	v16 =	vmax.f32 v18, v61;
	v18 =	vmax.f32 v17, v14  }
0x56: {  	v14 =	vadd.f32 v23, v15;
	v15 =	vshll.u32 v21, $0x10;
	v17 =	vand.u32 $0xFFFF0000, v22  }
0x57: {  	v27 =	vmul.f32 $1.442695020e+00, v16;
	v63 =	vmul.f32 $2.000000030e-01, v20;
	v15 =	vadd.f32 v17, v15;
	v17 =	vld.idx.msk [tilespmem:v7+s16+$0x0], $0xffff  }
0x58: {  	v19 =	vmax.f32 v19, v60  }
0x59: {  	v13 =	vmul.f32 $1.442695020e+00, v13;
	(erf) = vpow2.f32 v27;
	v20 =	vmax.f32 v20, v63  }
0x5a: {  	s0 =	simm.s32 $0x200;
	v21 =	vshll.u32 v62, $0x10;
	v16 =	vmul.f32 $2.000000030e-01, v14;
	v20 =	vmul.f32 $1.442695020e+00, v20  }
.LBB2_3:
0x5b: {  	p3 =	sne.s32 s0, $0x1E00  }
0x5c: {  	v18 =	vmul.f32 $1.442695020e+00, v18;
	v22 =	vmul.f32 $2.000000030e-01, v15;
	v17 =	vand.u32 $0xFFFF0000, v17;
	s2 =	smov.u32 s0  }
0x5d: {  	s0 =	sadd.s32 $0x200, s0;
	v19 =	vmul.f32 $1.442695020e+00, v19;
	v17 =	vadd.f32 v17, v21;
	(erf) = vpow2.f32 v20  }
0x5e: {  	v14 =	vmax.f32 v14, v16;
	v15 =	vmax.f32 v15, v22;
	(erf) = vpow2.f32 v18  }
0x5f: {  	v14 =	vmul.f32 $1.442695020e+00, v14;
	v16 =	vmul.f32 $2.000000030e-01, v17  }
0x60: {  	v15 =	vmul.f32 $1.442695020e+00, v15;
	(erf) = vpow2.f32 v13  }
0x61: {  	v13 =	vmax.f32 v17, v16;
	(erf) = vpow2.f32 v14  }
0x62: {  	v13 =	vmul.f32 $1.442695020e+00, v13;
	(erf) = vpow2.f32 v19  }
0x63: {  	v14 =	vpop (erf);
	(erf) = vpow2.f32 v15  }
0x64: {  	[tilespmem:v12+s18+$0x0] =	vst.idx.add.f32.msk $0xffff, v14;
	(erf) = vpow2.f32 v13;
	_ =	sdelay $0x1  }
0x65: {  	v12 =	vpop (erf)  }
0x66: {  	v13 =	vpop (erf)  }
0x67: {  	[tilespmem:v11+s18+$0x0] =	vst.idx.add.f32.msk $0xffff, v13  }
0x68: {  	[tilespmem:v10+s18+$0x0] =	vst.idx.add.f32.msk $0xffff, v12;
	v10 =	vpop (erf)  }
0x69: {  	[tilespmem:v9+s18+$0x0] =	vst.idx.add.f32.msk $0xffff, v10;
	v9 =	vpop (erf)  }
0x6a: {  	[tilespmem:v6+s18+$0x0] =	vst.idx.add.f32.msk $0xffff, v9;
	v6 =	vpop (erf)  }
0x6b: {  	[tilespmem:v8+s18+$0x0] =	vst.idx.add.f32.msk $0xffff, v6;
	v6 =	vpop (erf)  }
0x6c: {  	[tilespmem:v5+s18+$0x0] =	vst.idx.add.f32.msk $0xffff, v6;
	v5 =	vpop (erf)  }
0x6d: {  	s2 =	sshra.s32 s2, $0x2;
	[tilespmem:v7+s18+$0x0] =	vst.idx.add.f32.msk $0xffff, v5  }
0x6e: {  	v7 =	vld [tilespmem:s2+$0x19370]  }
0x6f: {  	v13 =	vld [tilespmem:s2+$0x18B60]  }
0x70: {  	v6 =	vld [tilespmem:s2+$0x19340]  }
0x71: {  	v14 =	vld [tilespmem:s2+$0x18B20]  }
0x72: {  	v15 =	vld [tilespmem:s2+$0x18B70]  }
0x73: {  	v5 =	vld [tilespmem:s2+$0x19360]  }
0x74: {  	v8 =	vld [tilespmem:s2+$0x19350]  }
0x75: {  	v11 =	vld [tilespmem:s2+$0x18B50]  }
0x76: {  	v16 =	vld [tilespmem:s2+$0x18B40]  }
0x77: {  	v9 =	vld [tilespmem:s2+$0x19330]  }
0x78: {  	v10 =	vld [tilespmem:s2+$0x19320]  }
0x79: {  	v17 =	vld [tilespmem:s2+$0x18B30]  }
0x7a: {  	v18 =	vld [tilespmem:s2+$0x18B10]  }
0x7b: {  	v12 =	vld [tilespmem:s2+$0x19300]  }
0x7c: {  	v19 =	vld [tilespmem:s2+$0x18B00]  }
0x7d: {  	v20 =	vld.idx.msk [tilespmem:v11+s16+$0x0], $0xffff  }
0x7e: {  	v11 =	vld [tilespmem:s2+$0x19310]  }
0x7f: {  	v21 =	vld.idx.msk [tilespmem:v9+s16+$0x0], $0xffff  }
0x80: {  	v22 =	vld.idx.msk [tilespmem:v10+s16+$0x0], $0xffff  }
0x81: {  	v17 =	vld.idx.msk [tilespmem:v17+s16+$0x0], $0xffff  }
0x82: {  	v18 =	vld.idx.msk [tilespmem:v18+s16+$0x0], $0xffff  }
0x83: {  	v23 =	vld.idx.msk [tilespmem:v12+s16+$0x0], $0xffff  }
0x84: {  	v24 =	vld.idx.msk [tilespmem:v8+s16+$0x0], $0xffff  }
0x85: {  	v19 =	vld.idx.msk [tilespmem:v19+s16+$0x0], $0xffff  }
0x86: {  	v25 =	vld.idx.msk [tilespmem:v11+s16+$0x0], $0xffff  }
0x87: {  	v14 =	vld.idx.msk [tilespmem:v14+s16+$0x0], $0xffff  }
0x88: {  	v21 =	vand.u32 $0xFFFF0000, v21;
	v17 =	vshll.u32 v17, $0x10;
	v16 =	vld.idx.msk [tilespmem:v16+s16+$0x0], $0xffff  }
0x89: {  	v20 =	vshll.u32 v20, $0x10;
	v17 =	vadd.f32 v21, v17;
	v23 =	vand.u32 $0xFFFF0000, v23;
	v21 =	vld.idx.msk [tilespmem:v6+s16+$0x0], $0xffff  }
0x8a: {  	v22 =	vand.u32 $0xFFFF0000, v22;
	v24 =	vand.u32 $0xFFFF0000, v24  }
0x8b: {  	v26 =	vmul.f32 $2.000000030e-01, v17;
	v19 =	vshll.u32 v19, $0x10;
	v24 =	vadd.f32 v24, v20;
	v20 =	vld.idx.msk [tilespmem:v13+s16+$0x0], $0xffff  }
0x8c: {  	v19 =	vadd.f32 v23, v19;
	v13 =	vshll.u32 v18, $0x10;
	v18 =	vand.u32 $0xFFFF0000, v25;
	v23 =	vld.idx.msk [tilespmem:v5+s16+$0x0], $0xffff  }
0x8d: {  	v18 =	vadd.f32 v18, v13;
	v13 =	vshll.u32 v14, $0x10;
	v25 =	vmul.f32 $2.000000030e-01, v24  }
0x8e: {  	v14 =	vmul.f32 $2.000000030e-01, v19;
	v22 =	vadd.f32 v22, v13;
	v13 =	vmax.f32 v17, v26;
	v26 =	vld.idx.msk [tilespmem:v15+s16+$0x0], $0xffff  }
0x8f: {  	v16 =	vshll.u32 v16, $0x10;
	v15 =	vmul.f32 $2.000000030e-01, v18;
	v13 =	vmul.f32 $1.442695020e+00, v13;
	v17 =	vld.idx.msk [tilespmem:v7+s16+$0x0], $0xffff  }
.Ltmp0:
0x90: {  	v21 =	vand.u32 $0xFFFF0000, v21;
	v14 =	vmax.f32 v19, v14;
	v19 =	vmul.f32 $2.000000030e-01, v22;
	(pc) =	sbr.rel @p3 .LBB2_3-.Ltmp0, $4  }
0x91: {  	v27 =	vmul.f32 $1.442695020e+00, v14;
	v18 =	vmax.f32 v18, v15;
	v14 =	vadd.f32 v21, v16  }
0x92: {  	v15 =	vshll.u32 v20, $0x10;
	v19 =	vmax.f32 v22, v19;
	v20 =	vand.u32 $0xFFFF0000, v23  }
0x93: {  	v16 =	vmul.f32 $2.000000030e-01, v14;
	v15 =	vadd.f32 v20, v15;
	(erf) = vpow2.f32 v27  }
0x94: {  	v20 =	vmul.f32 $1.442695020e+00, v19;
	v19 =	vmax.f32 v24, v25;
	v21 =	vshll.u32 v26, $0x10  }
0x95: {  	v18 =	vmul.f32 $1.442695020e+00, v18;
	v17 =	vand.u32 $0xFFFF0000, v17  }
0x96: {  	v17 =	vadd.f32 v17, v21;
	(erf) = vpow2.f32 v20  }
0x97: {  	v53 =	vmul.f32 $2.000000030e-01, v15;
	v14 =	vmax.f32 v14, v16;
	(erf) = vpow2.f32 v18  }
0x98: {  	v14 =	vmul.f32 $1.442695020e+00, v14;
	v54 =	vmul.f32 $2.000000030e-01, v17  }
0x99: {  	v55 =	vmul.f32 $1.442695020e+00, v19;
	v15 =	vmax.f32 v15, v53;
	(erf) = vpow2.f32 v13  }
0x9a: {  	v56 =	vmul.f32 $1.442695020e+00, v15;
	(erf) = vpow2.f32 v14;
	v57 =	vmax.f32 v17, v54  }
0x9b: {  	(erf) = vpow2.f32 v55;
	v58 =	vmul.f32 $1.442695020e+00, v57  }
0x9c: {  	(erf) = vpow2.f32 v56  }
0x9d: {  	(erf) = vpow2.f32 v58  }
0x9e: {  	v59 =	vpop (erf)  }
0x9f: {  	v60 =	vpop (erf)  }
0xa0: {  	[tilespmem:v12+s18+$0x0] =	vst.idx.add.f32.msk $0xffff, v59;
	v61 =	vpop (erf)  }
0xa1: {  	s29 =	sadd.s32 $0x1, s29;
	[tilespmem:v11+s18+$0x0] =	vst.idx.add.f32.msk $0xffff, v61  }
0xa2: {  	p3 =	sne.s32 s29, $0xB;
	v62 =	vpop (erf);
	[tilespmem:v10+s18+$0x0] =	vst.idx.add.f32.msk $0xffff, v60  }
.Ltmp1:
0xa3: {  	v63 =	vpop (erf);
	[tilespmem:v9+s18+$0x0] =	vst.idx.add.f32.msk $0xffff, v62;
	(pc) =	sbr.rel @p3 .LBB2_2-.Ltmp1, $4  }
0xa4: {  	[tilespmem:v6+s18+$0x0] =	vst.idx.add.f32.msk $0xffff, v63;
	v6 =	vpop (erf)  }
0xa5: {  	[tilespmem:v8+s18+$0x0] =	vst.idx.add.f32.msk $0xffff, v6;
	v6 =	vpop (erf)  }
0xa6: {  	[tilespmem:v5+s18+$0x0] =	vst.idx.add.f32.msk $0xffff, v6;
	v5 =	vpop (erf)  }
0xa7: {  	[tilespmem:v7+s18+$0x0] =	vst.idx.add.f32.msk $0xffff, v5  }
0xa8: {  	[bflag:$0x0] =	sbarrier.arrive $0xFFFF  }
0xa9: {  	s2 =	simm.s32 $0x50;
	s3 =	simm.s32 $0x19C00;
	s0 =	rddreg [dreg:$0x2]  }
0xaa: {  	[spmem:s0] =	stream.indirect.scatter.add.f32 [tilespmem:s18], [sflag:$0x3], $0x80, s3, s2, $0xb8;
	[tilespmem:$0x1DC80] =	vst v63  }
0xab: {  	_ =	swait.ge [sflag:s17], $0x2800  }
0xac: {  	[sflag:s17] =	ssyncset.done $0x0  }
0xad: {  	[sflag:s17] =	ssyncadd.s32 $0xFFFFD800  }
0xae: {  	[bflag:$0x0] =	sbarrier.arrive $0xFFFF  }
0xaf: {  	[tilespmem:s18], [sflag:$0x3] =	stream.linear.gather [spmem:s0], $0x2800, $0x38;
	[tilespmem:$0x1DC80] =	vst v63  }
0xb0: {  	_ =	swait.ge [sflag:s17], $0x2800  }
0xb1: {  	[sflag:s17] =	ssyncset.done $0x0  }
0xb2: {  	s29 =	simm.s32 $0x0;
	s30 =	simm.s32 $0x0;
	[sflag:s17] =	ssyncadd.s32 $0xFFFFD800  }
.LBB2_6:
0xb3: {  	s0 =	sadd.s32 s11, s30  }
0xb4: {  	s0 =	sshll.u32 s0, $0xA  }
0xb5: {  	s0 =	sadd.s32 s10, s0  }
0xb6: {  	s0 =	sshrl.u32 s0, $0x3  }
0xb7: {  	s2 =	sadd.s32 s6, s0  }
0xb8: {  	[tilespmem:s19], [sflag:$0x3] =	stream.linear.gather [hbm4b:s2+s29], $0x400, $0x38;
	[tilespmem:$0x1DC80] =	vst v63  }
0xb9: {  	_ =	swait.ge [sflag:s17], $0x400  }
0xba: {  	[sflag:s17] =	ssyncset.done $0x0  }
0xbb: {  	s0 =	sadd.s32 s7, s0;
	[sflag:s17] =	ssyncadd.s32 $0xFFFFFC00  }
0xbc: {  	[tilespmem:s20], [sflag:$0x3] =	stream.linear.gather [hbm4b:s0+s29], $0x400, $0x38;
	[tilespmem:$0x1DC80] =	vst v63  }
0xbd: {  	_ =	swait.ge [sflag:s17], $0x400  }
0xbe: {  	[sflag:s17] =	ssyncset.done $0x0  }
0xbf: {  	s31 =	simm.s32 $0x0;
	[sflag:s17] =	ssyncadd.s32 $0xFFFFFC00  }
.LBB2_7:
0xc0: {  	s21 =	sshll.u32 s31, $0x7  }
0xc1: {  	s0 =	sadd.s32 $0x18B00, s21  }
0xc2: {  	[tilespmem:s24], [sflag:$0x1] =	stream.indirect.gather [hbm4b:s4+s23], $0x80, s0, s23, $0xb8;
	[tilespmem:$0x1DC80] =	vst v63  }
0xc3: {  	v5 =	vld [tilespmem:s21+$0x19300]  }
0xc4: {  	v6 =	vld [tilespmem:s21+$0x19310]  }
0xc5: {  	v7 =	vld [tilespmem:s21+$0x19320]  }
0xc6: {  	v8 =	vld [tilespmem:s21+$0x18B00]  }
0xc7: {  	v9 =	vld [tilespmem:s21+$0x19330]  }
0xc8: {  	v10 =	vld [tilespmem:s21+$0x19340]  }
0xc9: {  	v11 =	vld [tilespmem:s21+$0x18B10]  }
0xca: {  	v12 =	vld [tilespmem:s21+$0x19350]  }
0xcb: {  	v13 =	vld [tilespmem:s21+$0x19360]  }
0xcc: {  	v14 =	vld [tilespmem:s21+$0x18B20]  }
0xcd: {  	v15 =	vld [tilespmem:s21+$0x19370]  }
0xce: {  	v17 =	vld [tilespmem:s21+$0x18B30]  }
0xcf: {  	v19 =	vld [tilespmem:s21+$0x18B40]  }
0xd0: {  	v20 =	vld [tilespmem:s21+$0x18B50]  }
0xd1: {  	v22 =	vld [tilespmem:s21+$0x18B60]  }
0xd2: {  	v23 =	vld [tilespmem:s21+$0x18B70]  }
0xd3: {  	v8 =	vld.idx.msk [tilespmem:v8+s16+$0x0], $0xffff  }
0xd4: {  	v16 =	vld.idx.msk [tilespmem:v5+s16+$0x0], $0xffff  }
0xd5: {  	v11 =	vld.idx.msk [tilespmem:v11+s16+$0x0], $0xffff  }
0xd6: {  	v18 =	vld.idx.msk [tilespmem:v6+s16+$0x0], $0xffff  }
0xd7: {  	v14 =	vld.idx.msk [tilespmem:v14+s16+$0x0], $0xffff  }
0xd8: {  	v21 =	vld.idx.msk [tilespmem:v7+s16+$0x0], $0xffff  }
0xd9: {  	v17 =	vld.idx.msk [tilespmem:v17+s16+$0x0], $0xffff  }
0xda: {  	v37 =	vld.idx.msk [tilespmem:v9+s16+$0x0], $0xffff  }
0xdb: {  	v24 =	vld.idx.msk [tilespmem:v10+s16+$0x0], $0xffff;
	v8 =	vshll.u32 v8, $0x10;
	v16 =	vand.u32 $0xFFFF0000, v16  }
0xdc: {  	v20 =	vld.idx.msk [tilespmem:v20+s16+$0x0], $0xffff;
	v11 =	vshll.u32 v11, $0x10;
	v36 =	vand.u32 $0xFFFF0000, v18;
	v8 =	vadd.f32 v16, v8  }
0xdd: {  	v40 =	vld.idx.msk [tilespmem:v12+s16+$0x0], $0xffff;
	v11 =	vadd.f32 v36, v11  }
0xde: {  	v41 =	vld.idx.msk [tilespmem:v22+s16+$0x0], $0xffff;
	v39 =	vmul.f32 $2.000000030e-01, v8  }
0xdf: {  	v38 =	vld.idx.msk [tilespmem:v19+s16+$0x0], $0xffff;
	v14 =	vshll.u32 v14, $0x10;
	v21 =	vand.u32 $0xFFFF0000, v21;
	v25 =	vmul.f32 $2.000000030e-01, v11  }
0xe0: {  	v43 =	vld.idx.msk [tilespmem:v13+s16+$0x0], $0xffff;
	v44 =	vand.u32 $0xFFFF0000, v37;
	v14 =	vadd.f32 v21, v14;
	v8 =	vmax.f32 v8, v39  }
0xe1: {  	v45 =	vld.idx.msk [tilespmem:v23+s16+$0x0], $0xffff;
	v47 =	vand.u32 $0xFFFF0000, v24;
	v11 =	vmax.f32 v11, v25;
	v8 =	vmul.f32 $1.442695020e+00, v8  }
0xe2: {  	v48 =	vshll.u32 v20, $0x10;
	v42 =	vmul.f32 $2.000000030e-01, v14;
	v11 =	vmul.f32 $1.442695020e+00, v11  }
0xe3: {  	v46 =	vld.idx.msk [tilespmem:v15+s16+$0x0], $0xffff;
	v19 =	vand.u32 $0xFFFF0000, v40;
	v50 =	vshll.u32 v41, $0x10;
	(erf) = vpow2.f32 v8  }
0xe4: {  	v8 =	vshll.u32 v17, $0x10;
	(erf) = vpow2.f32 v11;
	v11 =	vmax.f32 v14, v42  }
0xe5: {  	v16 =	vshll.u32 v38, $0x10;
	v8 =	vadd.f32 v44, v8;
	v11 =	vmul.f32 $1.442695020e+00, v11  }
0xe6: {  	v51 =	vand.u32 $0xFFFF0000, v43;
	v18 =	vshll.u32 v45, $0x10;
	v16 =	vadd.f32 v47, v16  }
0xe7: {  	v17 =	vadd.f32 v19, v48;
	(erf) = vpow2.f32 v11;
	v11 =	vmul.f32 $2.000000030e-01, v8  }
0xe8: {  	v20 =	vadd.f32 v51, v50;
	v49 =	vmul.f32 $2.000000030e-01, v16;
	v14 =	vand.u32 $0xFFFF0000, v46  }
0xe9: {  	v14 =	vadd.f32 v14, v18;
	v8 =	vmax.f32 v8, v11;
	v11 =	vmul.f32 $2.000000030e-01, v17  }
0xea: {  	v5 =	vld.idx.msk [tilespmem:v5+s18+$0x0], $0xffff;
	v52 =	vmul.f32 $2.000000030e-01, v20;
	v16 =	vmax.f32 v16, v49;
	v8 =	vmul.f32 $1.442695020e+00, v8  }
0xeb: {  	v6 =	vld.idx.msk [tilespmem:v6+s18+$0x0], $0xffff;
	v16 =	vmul.f32 $1.442695020e+00, v16;
	v53 =	vmul.f32 $2.000000030e-01, v14;
	v11 =	vmax.f32 v17, v11  }
0xec: {  	v7 =	vld.idx.msk [tilespmem:v7+s18+$0x0], $0xffff;
	(erf) = vpow2.f32 v8;
	v8 =	vmul.f32 $1.442695020e+00, v11;
	v11 =	vmax.f32 v20, v52  }
0xed: {  	v9 =	vld.idx.msk [tilespmem:v9+s18+$0x0], $0xffff;
	v14 =	vmax.f32 v14, v53;
	(erf) = vpow2.f32 v16;
	v11 =	vmul.f32 $1.442695020e+00, v11  }
0xee: {  	v10 =	vld.idx.msk [tilespmem:v10+s18+$0x0], $0xffff;
	(erf) = vpow2.f32 v8;
	v8 =	vmul.f32 $1.442695020e+00, v14  }
0xef: {  	v5 =	vadd.f32 $1.000000020e-16, v5;
	(erf) = vpow2.f32 v11;
	v11 =	vld.idx.msk [tilespmem:v12+s18+$0x0], $0xffff  }
0xf0: {  	v6 =	vadd.f32 $1.000000020e-16, v6;
	(erf) = vpow2.f32 v8;
	v8 =	vld.idx.msk [tilespmem:v13+s18+$0x0], $0xffff  }
0xf1: {  	v54 =	vld.idx.msk [tilespmem:v15+s18+$0x0], $0xffff;
	(erf) = vrcp.f32 v5;
	v5 =	vadd.f32 $1.000000020e-16, v7  }
0xf2: {  	v7 =	vpop (erf);
	(erf) = vrcp.f32 v6;
	v6 =	vadd.f32 $1.000000020e-16, v9  }
0xf3: {  	v9 =	vpop (erf);
	(erf) = vrcp.f32 v5;
	v5 =	vadd.f32 $1.000000020e-16, v10  }
0xf4: {  	v10 =	vpop (erf);
	(erf) = vrcp.f32 v6;
	v6 =	vadd.f32 $1.000000020e-16, v11  }
0xf5: {  	v11 =	vpop (erf);
	(erf) = vrcp.f32 v5;
	v5 =	vadd.f32 $1.000000020e-16, v8  }
0xf6: {  	v8 =	vpop (erf);
	(erf) = vrcp.f32 v6;
	v6 =	vadd.f32 $1.000000020e-16, v54;
	_ =	sdelay $0x1  }
0xf7: {  	v55 =	vpop (erf)  }
0xf8: {  	(erf) = vrcp.f32 v5;
	v5 =	vpop (erf)  }
0xf9: {  	(erf) = vrcp.f32 v6;
	v6 =	vpop (erf)  }
0xfa: {  	v56 =	vpop (erf)  }
0xfb: {  	v57 =	vpop (erf);
	v7 =	vmul.f32 v56, v7  }
0xfc: {  	v58 =	vpop (erf)  }
0xfd: {  	v59 =	vpop (erf);
	[tilespmem:$0x19B00] =	vst v7;
	v7 =	vmul.f32 v58, v10  }
0xfe: {  	v9 =	vmul.f32 v57, v9;
	v10 =	vpop (erf)  }
0xff: {  	[tilespmem:$0x19B20] =	vst v7;
	v7 =	vmul.f32 v10, v8  }
0x100: {  	[tilespmem:$0x19B10] =	vst v9;
	v9 =	vmul.f32 v59, v11  }
0x101: {  	v11 =	vpop (erf)  }
0x102: {  	v8 =	vpop (erf);
	[tilespmem:$0x19B30] =	vst v9;
	v9 =	vmul.f32 v11, v55  }
0x103: {  	[tilespmem:$0x19B40] =	vst v7;
	v5 =	vmul.f32 v8, v5;
	v7 =	vpop (erf)  }
0x104: {  	[tilespmem:$0x19B50] =	vst v9;
	v6 =	vmul.f32 v7, v6  }
0x105: {  	[tilespmem:$0x19B60] =	vst v5  }
0x106: {  	[tilespmem:$0x19B70] =	vst v6  }
0x107: {  	_ =	swait.ge [sflag:s25], $0x4000  }
0x108: {  	[sflag:s25] =	ssyncset.done $0x0  }
0x109: {  	s0 =	simm.s32 $0x19D80;
	[sflag:s25] =	ssyncadd.s32 $0xFFFFC000  }
0x10a: {  	s22 =	simm.s32 $0x0;
	v6 =	vld [tilespmem:s0+$0xFFFFFF70]  }
0x10b: {  	v7 =	vld.msk [tilespmem:s22+$0x19B00 ss:$0x0], $0xffff  }
0x10c: {  	v8 =	vld [tilespmem:s0+$0xFFFFFF00]  }
0x10d: {  	v9 =	vld [tilespmem:s0+$0xFFFFFF20]  }
0x10e: {  	v5 =	vld [tilespmem:s0+$0xFFFFFF50]  }
0x10f: {  	v10 =	vld [tilespmem:s0+$0xFFFFFF30]  }
0x110: {  	v60 =	vld [tilespmem:s0+$0xFFFFFF10];
	v6 =	vmul.f32 v6, v7  }
0x111: {  	v61 =	vld [tilespmem:s0+$0xFFFFFF40];
	v8 =	vmul.f32 v7, v8  }
0x112: {  	v11 =	vld [tilespmem:s0+$0xFFFFFF60];
	v9 =	vmul.f32 v9, v7;
	[tilespmem:s0+$0xFFFFFF70] =	vst v6  }
0x113: {  	v5 =	vmul.f32 v5, v7;
	[tilespmem:s0+$0xFFFFFF00] =	vst v8  }
0x114: {  	v6 =	vmul.f32 v10, v7;
	[tilespmem:s0+$0xFFFFFF20] =	vst v9  }
0x115: {  	v8 =	vmul.f32 v60, v7;
	[tilespmem:s0+$0xFFFFFF50] =	vst v5  }
0x116: {  	v62 =	vld [tilespmem:s0+$0xFFFFFFB0];
	v5 =	vmul.f32 v61, v7;
	[tilespmem:s0+$0xFFFFFF30] =	vst v6  }
0x117: {  	v9 =	vld [tilespmem:s0+$0xFFFFFF90];
	v6 =	vmul.f32 v11, v7;
	[tilespmem:s0+$0xFFFFFF10] =	vst v8  }
0x118: {  	v10 =	vld [tilespmem:s0+$0xFFFFFF80];
	[tilespmem:s0+$0xFFFFFF40] =	vst v5  }
0x119: {  	v5 =	vld [tilespmem:s0+$0xFFFFFFD0];
	[tilespmem:s0+$0xFFFFFF60] =	vst v6  }
0x11a: {  	v8 =	vld.msk [tilespmem:s22+$0x19B01 ss:$0x0], $0xffff  }
0x11b: {  	v6 =	vld [tilespmem:s0+$0xFFFFFFE0]  }
0x11c: {  	v7 =	vld [tilespmem:s0+$0xFFFFFFF0]  }
0x11d: {  	v11 =	vld [tilespmem:s0+$0xFFFFFFC0]  }
0x11e: {  	v63 =	vld [tilespmem:s0+$0xFFFFFFA0]  }
0x11f: {  	v5 =	vmul.f32 v5, v8  }
0x120: {  	v6 =	vmul.f32 v6, v8  }
0x121: {  	v9 =	vmul.f32 v9, v8;
	v7 =	vmul.f32 v7, v8;
	[tilespmem:s0+$0xFFFFFFD0] =	vst v5  }
0x122: {  	v5 =	vmul.f32 v8, v10;
	[tilespmem:s0+$0xFFFFFFE0] =	vst v6;
	v6 =	vmul.f32 v11, v8  }
0x123: {  	[tilespmem:s0+$0xFFFFFF90] =	vst v9;
	v9 =	vmul.f32 v63, v8;
	v10 =	vmul.f32 v62, v8;
	v8 =	vld [tilespmem:s0+$0x20]  }
0x124: {  	[tilespmem:s0+$0xFFFFFFF0] =	vst v7;
	v11 =	vld [tilespmem:s0+$0x70]  }
0x125: {  	[tilespmem:s0+$0xFFFFFF80] =	vst v5;
	v5 =	vld [tilespmem:s0+$0x60]  }
0x126: {  	[tilespmem:s0+$0xFFFFFFC0] =	vst v6;
	v6 =	vld [tilespmem:s0+$0x40]  }
0x127: {  	[tilespmem:s0+$0xFFFFFFB0] =	vst v10;
	v10 =	vld [tilespmem:s0+$0x0]  }
0x128: {  	[tilespmem:s0+$0xFFFFFFA0] =	vst v9;
	v9 =	vld [tilespmem:s0+$0x10]  }
0x129: {  	s2 =	simm.s32 $0x10;
	s3 =	simm.s32 $0x19D80;
	s21 =	sadd.s32 $0x19300, s21;
	v7 =	vld.msk [tilespmem:s22+$0x19B02 ss:$0x0], $0xffff  }
.LBB2_8:
0x12a: {  	p3 =	sne.s32 s2, $0x1F0  }
0x12b: {  	v12 =	vld [tilespmem:s0+$0x30];
	s3 =	sadd.s32 $0x200, s3;
	s5 =	smov.u32 s2;
	s2 =	sadd.s32 $0x10, s2  }
0x12c: {  	v13 =	vld [tilespmem:s0+$0x50];
	_ =	sdelay $0x1  }
0x12d: {  	v11 =	vmul.f32 v11, v7;
	v10 =	vmul.f32 v7, v10  }
0x12e: {  	v8 =	vmul.f32 v8, v7;
	v9 =	vmul.f32 v9, v7  }
0x12f: {  	v6 =	vmul.f32 v6, v7;
	v5 =	vmul.f32 v5, v7;
	[tilespmem:s0+$0x70] =	vst v11  }
0x130: {  	[tilespmem:s0+$0x20] =	vst v8;
	v8 =	vmul.f32 v12, v7;
	v7 =	vmul.f32 v13, v7  }
0x131: {  	[tilespmem:s0+$0x60] =	vst v5;
	v11 =	vld [tilespmem:s0+$0xA0]  }
0x132: {  	[tilespmem:s0+$0x30] =	vst v8;
	v8 =	vld [tilespmem:s0+$0x80]  }
0x133: {  	v5 =	vld [tilespmem:s3+$0x60];
	[tilespmem:s0+$0x40] =	vst v6  }
0x134: {  	v6 =	vld [tilespmem:s3+$0x40];
	[tilespmem:s0+$0x50] =	vst v7  }
0x135: {  	[tilespmem:s0+$0x0] =	vst v10;
	v7 =	vld [tilespmem:s0+$0xC0]  }
0x136: {  	[tilespmem:s0+$0x10] =	vst v9;
	v9 =	vld [tilespmem:s0+$0xB0]  }
0x137: {  	v10 =	vld.msk [tilespmem:s22+$0x19B03 ss:$0x0], $0xffff  }
0x138: {  	v12 =	vld [tilespmem:s0+$0x90]  }
0x139: {  	v13 =	vld [tilespmem:s0+$0xD0]  }
0x13a: {  	v14 =	vld [tilespmem:s0+$0xE0]  }
0x13b: {  	v15 =	vld [tilespmem:s0+$0xF0];
	_ =	sdelay $0x1  }
0x13c: {  	v8 =	vmul.f32 v10, v8;
	v12 =	vmul.f32 v12, v10  }
0x13d: {  	v11 =	vmul.f32 v11, v10;
	v9 =	vmul.f32 v9, v10  }
0x13e: {  	v7 =	vmul.f32 v7, v10;
	[tilespmem:s0+$0x80] =	vst v8;
	v8 =	vmul.f32 v13, v10  }
0x13f: {  	[tilespmem:s0+$0xA0] =	vst v11;
	v11 =	vmul.f32 v14, v10;
	v10 =	vmul.f32 v15, v10  }
0x140: {  	[tilespmem:s0+$0xB0] =	vst v9  }
0x141: {  	[tilespmem:s0+$0xC0] =	vst v7  }
0x142: {  	v7 =	vld [tilespmem:s3+$0xFFFFFF50];
	[tilespmem:s0+$0xD0] =	vst v8  }
0x143: {  	v8 =	vld [tilespmem:s3+$0xFFFFFF30];
	[tilespmem:s0+$0x90] =	vst v12  }
0x144: {  	v9 =	vld [tilespmem:s3+$0xFFFFFF60];
	[tilespmem:s0+$0xE0] =	vst v11  }
0x145: {  	s22 =	sshra.s32 s5, $0x2;
	v11 =	vld [tilespmem:s3+$0xFFFFFF70];
	[tilespmem:s0+$0xF0] =	vst v10;
	s0 =	smov.u32 s3  }
0x146: {  	v10 =	vld.msk [tilespmem:s22+$0x19B00 ss:$0x0], $0xffff  }
0x147: {  	v12 =	vld [tilespmem:s3+$0xFFFFFF00]  }
0x148: {  	v13 =	vld [tilespmem:s3+$0xFFFFFF20]  }
0x149: {  	v14 =	vld [tilespmem:s3+$0xFFFFFF10]  }
0x14a: {  	v15 =	vld [tilespmem:s3+$0xFFFFFF40];
	_ =	sdelay $0x1  }
0x14b: {  	v11 =	vmul.f32 v11, v10;
	v12 =	vmul.f32 v10, v12  }
0x14c: {  	v9 =	vmul.f32 v9, v10;
	v13 =	vmul.f32 v13, v10  }
0x14d: {  	v8 =	vmul.f32 v8, v10;
	v14 =	vmul.f32 v14, v10;
	[tilespmem:s3+$0xFFFFFF70] =	vst v11  }
0x14e: {  	v7 =	vmul.f32 v7, v10;
	[tilespmem:s3+$0xFFFFFF00] =	vst v12;
	v11 =	vmul.f32 v15, v10  }
0x14f: {  	[tilespmem:s3+$0xFFFFFF20] =	vst v13  }
0x150: {  	[tilespmem:s3+$0xFFFFFF30] =	vst v8  }
0x151: {  	[tilespmem:s3+$0xFFFFFF50] =	vst v7;
	v7 =	vld [tilespmem:s3+$0xFFFFFFF0]  }
0x152: {  	[tilespmem:s3+$0xFFFFFF10] =	vst v14;
	v8 =	vld [tilespmem:s3+$0xFFFFFFC0]  }
0x153: {  	[tilespmem:s3+$0xFFFFFF60] =	vst v9;
	v9 =	vld [tilespmem:s3+$0xFFFFFFE0]  }
0x154: {  	[tilespmem:s3+$0xFFFFFF40] =	vst v11;
	v10 =	vld [tilespmem:s3+$0xFFFFFFD0]  }
0x155: {  	v11 =	vld.msk [tilespmem:s22+$0x19B01 ss:$0x0], $0xffff  }
0x156: {  	v12 =	vld [tilespmem:s3+$0xFFFFFF90]  }
0x157: {  	v13 =	vld [tilespmem:s3+$0xFFFFFF80]  }
0x158: {  	v14 =	vld [tilespmem:s3+$0xFFFFFFB0]  }
0x159: {  	v15 =	vld [tilespmem:s3+$0xFFFFFFA0];
	_ =	sdelay $0x1  }
0x15a: {  	v10 =	vmul.f32 v10, v11;
	v12 =	vmul.f32 v12, v11  }
0x15b: {  	v9 =	vmul.f32 v9, v11;
	v13 =	vmul.f32 v11, v13  }
0x15c: {  	v8 =	vmul.f32 v8, v11;
	v14 =	vmul.f32 v14, v11;
	[tilespmem:s3+$0xFFFFFFD0] =	vst v10  }
0x15d: {  	v7 =	vmul.f32 v7, v11;
	v10 =	vmul.f32 v15, v11;
	[tilespmem:s3+$0xFFFFFFE0] =	vst v9  }
0x15e: {  	[tilespmem:s3+$0xFFFFFF90] =	vst v12  }
0x15f: {  	[tilespmem:s3+$0xFFFFFF80] =	vst v13  }
0x160: {  	[tilespmem:s3+$0xFFFFFFC0] =	vst v8  }
0x161: {  	[tilespmem:s3+$0xFFFFFFA0] =	vst v10  }
.Ltmp2:
0x162: {  	[tilespmem:s3+$0xFFFFFFF0] =	vst v7;
	v8 =	vld [tilespmem:s3+$0x20];
	(pc) =	sbr.rel @p3 .LBB2_8-.Ltmp2, $4  }
0x163: {  	[tilespmem:s3+$0xFFFFFFB0] =	vst v14;
	v11 =	vld [tilespmem:s3+$0x70]  }
0x164: {  	v7 =	vld.msk [tilespmem:s22+$0x19B02 ss:$0x0], $0xffff  }
0x165: {  	v10 =	vld [tilespmem:s3+$0x0]  }
0x166: {  	v9 =	vld [tilespmem:s3+$0x10]  }
0x167: {  	_ =	sdelay $0x1  }
0x168: {  	v11 =	vmul.f32 v11, v7  }
0x169: {  	v12 =	vld [tilespmem:s0+$0x30];
	v8 =	vmul.f32 v8, v7  }
0x16a: {  	v13 =	vld [tilespmem:s0+$0x50];
	v5 =	vmul.f32 v5, v7;
	[tilespmem:s0+$0x70] =	vst v11  }
0x16b: {  	v6 =	vmul.f32 v6, v7;
	[tilespmem:s0+$0x20] =	vst v8  }
0x16c: {  	v56 =	vmul.f32 v7, v10;
	[tilespmem:s0+$0x60] =	vst v5  }
0x16d: {  	[tilespmem:s0+$0x40] =	vst v6;
	v6 =	vmul.f32 v9, v7  }
0x16e: {  	v55 =	vmul.f32 v12, v7;
	[tilespmem:s0+$0x0] =	vst v56  }
0x16f: {  	v5 =	vmul.f32 v13, v7;
	[tilespmem:s0+$0x10] =	vst v6  }
0x170: {  	[tilespmem:s0+$0x30] =	vst v55  }
0x171: {  	v57 =	vld [tilespmem:s0+$0x80];
	[tilespmem:s0+$0x50] =	vst v5  }
0x172: {  	v5 =	vld.msk [tilespmem:s22+$0x19B03 ss:$0x0], $0xffff  }
0x173: {  	v6 =	vld [tilespmem:s0+$0xA0]  }
0x174: {  	v7 =	vld [tilespmem:s0+$0xB0]  }
0x175: {  	v58 =	vld [tilespmem:s0+$0xC0]  }
0x176: {  	v61 =	vld [tilespmem:s0+$0xE0]  }
0x177: {  	v59 =	vld [tilespmem:s0+$0xD0];
	v10 =	vmul.f32 v5, v57  }
0x178: {  	v60 =	vld [tilespmem:s0+$0x90];
	v6 =	vmul.f32 v6, v5  }
0x179: {  	v62 =	vld [tilespmem:s0+$0xF0];
	v7 =	vmul.f32 v7, v5;
	[tilespmem:s0+$0x80] =	vst v10  }
0x17a: {  	v8 =	vmul.f32 v58, v5;
	[tilespmem:s0+$0xA0] =	vst v6  }
0x17b: {  	v63 =	vmul.f32 v61, v5;
	[tilespmem:s0+$0xB0] =	vst v7  }
0x17c: {  	v6 =	vmul.f32 v59, v5;
	[tilespmem:s0+$0xC0] =	vst v8  }
0x17d: {  	v7 =	vmul.f32 v60, v5;
	[tilespmem:s0+$0xE0] =	vst v63  }
0x17e: {  	s31 =	sadd.s32 $0x1, s31;
	v5 =	vmul.f32 v62, v5;
	[tilespmem:s0+$0xD0] =	vst v6  }
0x17f: {  	p3 =	sne.s32 s31, $0x8;
	[tilespmem:s0+$0x90] =	vst v7  }
.Ltmp3:
0x180: {  	[tilespmem:s0+$0xF0] =	vst v5;
	(pc) =	sbr.rel @p3 .LBB2_7-.Ltmp3, $4  }
0x181: {  	[spmem:s1] =	stream.indirect.scatter.add.f32 [tilespmem:s24], [sflag:$0x2], $0x80, s21, s23, $0xb8;
	[tilespmem:$0x1DC80] =	vst v63  }
0x182: {  	_ =	swait.ge [sflag:s26], $0x4000  }
0x183: {  	[sflag:s26] =	ssyncset.done $0x0  }
0x184: {  	[sflag:s26] =	ssyncadd.s32 $0xFFFFC000  }
0x185: {  	s30 =	sadd.s32 $0x1, s30  }
0x186: {  	p3 =	sne.s32 s30, $0xB  }
.Ltmp4:
0x187: {  	_ = 	snop;
	(pc) =	sbr.rel @p3 .LBB2_6-.Ltmp4, $1  }
0x188: {  	_ =	sdelay $0x3  }
0x189: {  	[bflag:$0x0] =	sbarrier.arrive $0xFFFF  }
0x18a: {  	s0 =	sshrl.u32 @!p2 s1, $0x3;
	s2 =	simm.s32 @!p2 $0x1C03;
	s28 =	sadd.s32 $0x1, s28  }
0x18b: {  	[hbm:s12], [sflag:s2] =	dma.local @!p2 [spmem:s0], $0x27200  }
0x18c: {  	p3 =	sne.s32 s28, s13  }
.Ltmp5:
0x18d: {  	_ = 	snop;
	(pc) =	sbr.rel @p3 .LBB2_1-.Ltmp5, $4  }
0x18e: {  	s0 =	simm.s32 @!p2 $0x3  }
0x18f: {  	_ =	swait.ge @!p2 [sflag:s0], $0x27200  }
0x190: {  	[sflag:s0] =	ssyncset.done @!p2 $0x0  }
0x191: {  	[sflag:s0] =	ssyncadd.s32 @!p2 $0xFFFD8E00  }
0x192: {  	_ =	sfence.sel $0x180000  }
0x193: {  	[bflag:$0x0] =	sbarrier.arrive $0xFFFF  }
0x194: {  	_ =	strace $0x90000047  }
0x195: {  	[bflag:$0x2] =	sbarrier.arrive $0xFFFF  }
0x196: {  	s0 =	rddreg [dreg:$0x3]  }
0x197: {  	s0 =	sadd.s32 @!p2 $0x100000, s0  }
0x198: {  	[sflag:s0] =	ssyncadd.tile.s32 @!p2 $0x1;
	_ =	shalt  }
.Lfunc_end2:
_tile_overlayer_lowered:
.L_overlay_start_2:
0x199: {  	(tag) =	ssettag $0x2  }
0x19a: {  	s0 =	rddreg [dreg:$0x0];
	s2 =	stileid.u32  }
0x19b: {  	s1 =	rddreg [dreg:$0x1];
	p0 =	sne.s32 s2, $0x0  }
0x19c: {  	s3 =	rddreg [dreg:$0x2];
	[bflag:$0x3] =	sbarrier.arrive $0xFFFF;
	s2 =	simm.s32 @!p0 $0x1C03  }
0x19d: {  	[timem:s3], [sflag:s2] =	dma.local @!p0 [hbm:s0], s1  }
0x19e: {  	s0 =	simm.s32 @!p0 $0x3  }
0x19f: {  	_ =	swait.ge @!p0 [sflag:s0], s1  }
0x1a0: {  	s1 =	ssub.s32 @!p0 $0x0, s1;
	[sflag:s0] =	ssyncset.done @!p0 $0x0  }
0x1a1: {  	[sflag:s0] =	ssyncadd.s32 @!p0 s1  }
0x1a2: {  	[bflag:$0x3] =	sbarrier.arrive $0xFFFF  }
0x1a3: {  	_ =	shalt  }

</sc_bundles>
